<compile_context>
chip_gen: v7x
topology: tpu7x:2x2x1
jax: 0.10.2.dev20260603
libtpu: 0.0.44.dev20260713+nightly
codegen_flags: <defaults>
</compile_context>

<pallas_src>
import jax
import jax.numpy as jnp
from jax import lax
from jax.experimental import pallas as pl
from jax.experimental.pallas import tpu as pltpu
from jax.experimental.pallas import tpu_sc as plsc

_NC = 2
_NS = 16
_LANES = 16
_CHUNK = 512
_UNROLL = 1


def _gru_body(z_hbm, h_hbm, h0_hbm, out_hbm,
              zb, hb, ob, h0b, si0, si1, so0, so1):
    N, D, P = z_hbm.shape
    nw = _NC * _NS
    wid = lax.axis_index("s") * _NC + lax.axis_index("c")
    nchunk = P // _CHUNK
    rows_per_w = N // nw
    sin = (si0, si1)
    sout = (so0, so1)

    def start_in(row, ci, slot):
        off = ci * _CHUNK
        pltpu.async_copy(z_hbm.at[row, :, pl.ds(off, _CHUNK)], zb.at[slot],
                         sin[slot])
        pltpu.async_copy(h_hbm.at[row, :, pl.ds(off, _CHUNK)], hb.at[slot],
                         sin[slot])
        pltpu.async_copy(h0_hbm.at[row, pl.ds(off, _CHUNK)], h0b.at[slot],
                         sin[slot])

    def wait_in(row, ci, slot):
        off = ci * _CHUNK
        pltpu.make_async_copy(z_hbm.at[row, :, pl.ds(off, _CHUNK)],
                              zb.at[slot], sin[slot]).wait()
        pltpu.make_async_copy(h_hbm.at[row, :, pl.ds(off, _CHUNK)],
                              hb.at[slot], sin[slot]).wait()
        pltpu.make_async_copy(h0_hbm.at[row, pl.ds(off, _CHUNK)],
                              h0b.at[slot], sin[slot]).wait()

    def start_out(row, ci, slot):
        off = ci * _CHUNK
        pltpu.async_copy(ob.at[slot], out_hbm.at[row, :, pl.ds(off, _CHUNK)],
                         sout[slot])

    def wait_out(row, ci, slot):
        off = ci * _CHUNK
        pltpu.make_async_copy(ob.at[slot],
                              out_hbm.at[row, :, pl.ds(off, _CHUNK)],
                              sout[slot]).wait()

    def compute(slot):
        def do_group(j, _):
            p0 = j * (_LANES * _UNROLL)
            carry = [h0b[slot, pl.ds(p0 + k * _LANES, _LANES)]
                     for k in range(_UNROLL)]
            for d in range(D - 1, -1, -1):
                for k in range(_UNROLL):
                    pk = p0 + k * _LANES
                    zv = zb[slot, d, pl.ds(pk, _LANES)]
                    hv = hb[slot, d, pl.ds(pk, _LANES)]
                    carry[k] = carry[k] + zv * (hv - carry[k])
                    ob[slot, d, pl.ds(pk, _LANES)] = carry[k]
            return 0

        lax.fori_loop(0, _CHUNK // (_LANES * _UNROLL), do_group, 0)

    def do_row(r, _):
        row = wid * rows_per_w + r
        start_in(row, 0, 0)

        def do_pair(p, _):
            for b in range(2):
                ci = p * 2 + b

                @pl.when(ci + 1 < nchunk)
                def _():
                    start_in(row, ci + 1, 1 - b)

                wait_in(row, ci, b)

                @pl.when(ci >= 2)
                def _():
                    wait_out(row, ci - 2, b)

                compute(b)
                start_out(row, ci, b)
            return 0

        lax.fori_loop(0, nchunk // 2, do_pair, 0)
        wait_out(row, nchunk - 2, 0)
        wait_out(row, nchunk - 1, 1)
        return 0

    lax.fori_loop(0, rows_per_w, do_row, 0)


def kernel(z, _h, h0):
    B, C, D, H, W = z.shape
    N, P = B * C, H * W
    zr = z.reshape(N, D, P)
    hr = _h.reshape(N, D, P)
    h0r = h0.reshape(N, P)
    mesh = plsc.VectorSubcoreMesh(core_axis_name="c", subcore_axis_name="s",
                                  num_cores=_NC, num_subcores=_NS)
    out = pl.kernel(
        _gru_body,
        out_type=jax.ShapeDtypeStruct((N, D, P), jnp.float32),
        mesh=mesh,
        scratch_types=[
            pltpu.VMEM((2, D, _CHUNK), jnp.float32),
            pltpu.VMEM((2, D, _CHUNK), jnp.float32),
            pltpu.VMEM((2, D, _CHUNK), jnp.float32),
            pltpu.VMEM((2, _CHUNK), jnp.float32),
            pltpu.SemaphoreType.DMA,
            pltpu.SemaphoreType.DMA,
            pltpu.SemaphoreType.DMA,
            pltpu.SemaphoreType.DMA,
        ],
    )(zr, hr, h0r)
    return out.reshape(B, C, D, H, W)

# --- scband reference (transcript-rebuilt; emitter-appended) ---
"""Pipeline reference for scband-gru-direction3d-37512244363989 (READ-ONLY COPY).

The authoritative reference and input builder live on the scoring server;
editing this copy changes nothing except your own understanding.
"""

import jax, jax.numpy as jnp
import numpy as np

B, C, D, H, W = 2, 16, 32, 128, 128

def setup_inputs(seed: int = 0) -> dict:
    key = jax.random.key(seed)
    k1, k2, k3 = jax.random.split(key, 3)
    z = jax.random.uniform(k1, (B, C, D, H, W), dtype=jnp.float32)
    _h = jax.random.normal(k2, (B, C, D, H, W), dtype=jnp.float32)
    h0 = jax.random.normal(k3, (B, C, 1, H, W), dtype=jnp.float32)
    return {"z": z, "_h": _h, "h0": h0}

def reference(z, _h, h0):
    # GruDirection3d(d1=-1, d2=0, d3=0) -> forward_1 path:
    # flip along dim 2 (D), identity transpose (idx=0 -> transpose(2,2)),
    # then dynamic-programming GRU update along D with step 1:
    #   h[0] = h0 ; h[t+1] = z[t]*_h[t] + (1-z[t])*h[t]
    # output = flip(h[1:]) along dim 2
    zf = jnp.flip(z, axis=2)
    hf = jnp.flip(_h, axis=2)
    carry = h0[:, :, 0]  # [B, C, H, W]
    zs = jnp.moveaxis(zf, 2, 0)  # [D, B, C, H, W]
    hs = jnp.moveaxis(hf, 2, 0)

    def step(c, inp):
        zt, ht = inp
        new = zt * ht + (1.0 - zt) * c
        return new, new

    _, ys = jax.lax.scan(step, carry, (zs, hs))  # ys[t] = h[t+1]
    h_out = jnp.moveaxis(ys, 0, 2)  # [B, C, D, H, W]
    return jnp.flip(h_out, axis=2)

if __name__ == "__main__":
    import jax
    _d = setup_inputs()
    print(jax.jit(kernel)(*tuple(_d.values())))

</pallas_src>

<mosaic_0001>
#map = affine_map<(d0, d1) -> (0, 0, 0)>
#map1 = affine_map<(d0, d1) -> (0, 0)>
module attributes {stable_mosaic.version = 14 : i64} {
  func.func @_gru_body(%arg0: i32, %arg1: i32, %arg2: memref<32x32x16384xf32, #tpu.memory_space<hbm>>, %arg3: memref<32x32x16384xf32, #tpu.memory_space<hbm>>, %arg4: memref<32x16384xf32, #tpu.memory_space<hbm>>, %arg5: memref<32x32x16384xf32, #tpu.memory_space<hbm>>, %arg6: memref<2x32x512xf32, #tpu.memory_space<vmem>>, %arg7: memref<2x32x512xf32, #tpu.memory_space<vmem>>, %arg8: memref<2x32x512xf32, #tpu.memory_space<vmem>>, %arg9: memref<2x512xf32, #tpu.memory_space<vmem>>, %arg10: memref<!tpu.dma_semaphore, #tpu.memory_space<semaphore_mem>>, %arg11: memref<!tpu.dma_semaphore, #tpu.memory_space<semaphore_mem>>, %arg12: memref<!tpu.dma_semaphore, #tpu.memory_space<semaphore_mem>>, %arg13: memref<!tpu.dma_semaphore, #tpu.memory_space<semaphore_mem>>) attributes {dimension_semantics = [#tpu.dimension_semantics<core_parallel>, #tpu.dimension_semantics<subcore_parallel>], iteration_bounds = array<i64: 2, 16>, scalar_prefetch = 0 : i64, scratch_operands = 8 : i64, tpu.core_type = #tpu.core_type<sc_vector_subcore>, window_params = [{transform_indices = #map}, {transform_indices = #map}, {transform_indices = #map1}, {transform_indices = #map}]} {
    %mul3A = arith.constant 2 : i32
    %mul3A_0 = arith.muli %arg1, %mul3A : i32
    %add3A = arith.addi %mul3A_0, %arg0 : i32
    %scan3A = arith.constant 0 : i32
    %scan3A_1 = arith.constant 0 : i32
    %mul3A_2 = arith.constant 1 : i32
    %mul3A_3 = arith.muli %add3A, %mul3A_2 : i32
    %add3A_4 = arith.addi %mul3A_3, %scan3A_1 : i32
    %dma_start3A = arith.constant 0 : i32
    %dma_start3A_5 = arith.constant 0 : i32
    %dma_start3A_6 = arith.constant 0 : i32
    %dma_start3A_7 = tpu.memref_slice %arg6[%dma_start3A, %dma_start3A_5, %dma_start3A_6] : memref<2x32x512xf32, #tpu.memory_space<vmem>> -> memref<1x32x512xf32, #tpu.memory_space<vmem>>
    %dma_start3A_8 = tpu.memref_squeeze %dma_start3A_7 : memref<1x32x512xf32, #tpu.memory_space<vmem>> -> memref<32x512xf32, #tpu.memory_space<vmem>>
    %dma_start3A_9 = arith.constant 0 : i32
    %dma_start3A_10 = arith.constant 0 : i32
    %dma_start3A_11 = tpu.memref_slice %arg2[%add3A_4, %dma_start3A_9, %dma_start3A_10] : memref<32x32x16384xf32, #tpu.memory_space<hbm>> -> memref<1x32x512xf32, #tpu.memory_space<hbm>>
    %dma_start3A_12 = tpu.memref_squeeze %dma_start3A_11 : memref<1x32x512xf32, #tpu.memory_space<hbm>> -> memref<32x512xf32, #tpu.memory_space<hbm>>
    %dma_start3A_13 = arith.constant 0 : i32
    %dma_start3A_14 = arith.constant 0 : i32
    %dma_start3A_15 = tpu.memref_slice %arg6[%dma_start3A, %dma_start3A_13, %dma_start3A_14] : memref<2x32x512xf32, #tpu.memory_space<vmem>> -> memref<1x32x512xf32, #tpu.memory_space<vmem>>
    %dma_start3A_16 = tpu.memref_squeeze %dma_start3A_15 : memref<1x32x512xf32, #tpu.memory_space<vmem>> -> memref<32x512xf32, #tpu.memory_space<vmem>>
    %dma_start3A_17 = arith.constant 0 : i32
    %dma_start3A_18 = arith.constant 0 : i32
    %dma_start3A_19 = tpu.memref_slice %arg2[%add3A_4, %dma_start3A_17, %dma_start3A_18] : memref<32x32x16384xf32, #tpu.memory_space<hbm>> -> memref<1x32x512xf32, #tpu.memory_space<hbm>>
    %dma_start3A_20 = tpu.memref_squeeze %dma_start3A_19 : memref<1x32x512xf32, #tpu.memory_space<hbm>> -> memref<32x512xf32, #tpu.memory_space<hbm>>
    tpu.enqueue_dma source(%dma_start3A_20 : memref<32x512xf32, #tpu.memory_space<hbm>>) target(%dma_start3A_16 : memref<32x512xf32, #tpu.memory_space<vmem>>) target_semaphore(%arg10 : memref<!tpu.dma_semaphore, #tpu.memory_space<semaphore_mem>>)
    %dma_start3A_21 = arith.constant 0 : i32
    %dma_start3A_22 = arith.constant 0 : i32
    %dma_start3A_23 = arith.constant 0 : i32
    %dma_start3A_24 = tpu.memref_slice %arg7[%dma_start3A_21, %dma_start3A_22, %dma_start3A_23] : memref<2x32x512xf32, #tpu.memory_space<vmem>> -> memref<1x32x512xf32, #tpu.memory_space<vmem>>
    %dma_start3A_25 = tpu.memref_squeeze %dma_start3A_24 : memref<1x32x512xf32, #tpu.memory_space<vmem>> -> memref<32x512xf32, #tpu.memory_space<vmem>>
    %dma_start3A_26 = arith.constant 0 : i32
    %dma_start3A_27 = arith.constant 0 : i32
    %dma_start3A_28 = tpu.memref_slice %arg3[%add3A_4, %dma_start3A_26, %dma_start3A_27] : memref<32x32x16384xf32, #tpu.memory_space<hbm>> -> memref<1x32x512xf32, #tpu.memory_space<hbm>>
    %dma_start3A_29 = tpu.memref_squeeze %dma_start3A_28 : memref<1x32x512xf32, #tpu.memory_space<hbm>> -> memref<32x512xf32, #tpu.memory_space<hbm>>
    %dma_start3A_30 = arith.constant 0 : i32
    %dma_start3A_31 = arith.constant 0 : i32
    %dma_start3A_32 = tpu.memref_slice %arg7[%dma_start3A_21, %dma_start3A_30, %dma_start3A_31] : memref<2x32x512xf32, #tpu.memory_space<vmem>> -> memref<1x32x512xf32, #tpu.memory_space<vmem>>
    %dma_start3A_33 = tpu.memref_squeeze %dma_start3A_32 : memref<1x32x512xf32, #tpu.memory_space<vmem>> -> memref<32x512xf32, #tpu.memory_space<vmem>>
    %dma_start3A_34 = arith.constant 0 : i32
    %dma_start3A_35 = arith.constant 0 : i32
    %dma_start3A_36 = tpu.memref_slice %arg3[%add3A_4, %dma_start3A_34, %dma_start3A_35] : memref<32x32x16384xf32, #tpu.memory_space<hbm>> -> memref<1x32x512xf32, #tpu.memory_space<hbm>>
    %dma_start3A_37 = tpu.memref_squeeze %dma_start3A_36 : memref<1x32x512xf32, #tpu.memory_space<hbm>> -> memref<32x512xf32, #tpu.memory_space<hbm>>
    tpu.enqueue_dma source(%dma_start3A_37 : memref<32x512xf32, #tpu.memory_space<hbm>>) target(%dma_start3A_33 : memref<32x512xf32, #tpu.memory_space<vmem>>) target_semaphore(%arg10 : memref<!tpu.dma_semaphore, #tpu.memory_space<semaphore_mem>>)
    %dma_start3A_38 = arith.constant 0 : i32
    %dma_start3A_39 = arith.constant 0 : i32
    %dma_start3A_40 = tpu.memref_slice %arg9[%dma_start3A_38, %dma_start3A_39] : memref<2x512xf32, #tpu.memory_space<vmem>> -> memref<1x512xf32, #tpu.memory_space<vmem>>
    %dma_start3A_41 = tpu.memref_squeeze %dma_start3A_40 : memref<1x512xf32, #tpu.memory_space<vmem>> -> memref<512xf32, #tpu.memory_space<vmem>>
    %dma_start3A_42 = arith.constant 0 : i32
    %dma_start3A_43 = tpu.memref_slice %arg4[%add3A_4, %dma_start3A_42] : memref<32x16384xf32, #tpu.memory_space<hbm>> -> memref<1x512xf32, #tpu.memory_space<hbm>>
    %dma_start3A_44 = tpu.memref_squeeze %dma_start3A_43 : memref<1x512xf32, #tpu.memory_space<hbm>> -> memref<512xf32, #tpu.memory_space<hbm>>
    %dma_start3A_45 = arith.constant 0 : i32
    %dma_start3A_46 = tpu.memref_slice %arg9[%dma_start3A_38, %dma_start3A_45] : memref<2x512xf32, #tpu.memory_space<vmem>> -> memref<1x512xf32, #tpu.memory_space<vmem>>
    %dma_start3A_47 = tpu.memref_squeeze %dma_start3A_46 : memref<1x512xf32, #tpu.memory_space<vmem>> -> memref<512xf32, #tpu.memory_space<vmem>>
    %dma_start3A_48 = arith.constant 0 : i32
    %dma_start3A_49 = tpu.memref_slice %arg4[%add3A_4, %dma_start3A_48] : memref<32x16384xf32, #tpu.memory_space<hbm>> -> memref<1x512xf32, #tpu.memory_space<hbm>>
    %dma_start3A_50 = tpu.memref_squeeze %dma_start3A_49 : memref<1x512xf32, #tpu.memory_space<hbm>> -> memref<512xf32, #tpu.memory_space<hbm>>
    tpu.enqueue_dma source(%dma_start3A_50 : memref<512xf32, #tpu.memory_space<hbm>>) target(%dma_start3A_47 : memref<512xf32, #tpu.memory_space<vmem>>) target_semaphore(%arg10 : memref<!tpu.dma_semaphore, #tpu.memory_space<semaphore_mem>>)
    %scan3A_51 = arith.constant 0 : i32
    %scan3A_52 = arith.constant 0 : i32
    %scan3A_53 = arith.constant 16 : i32
    %scan3A_54 = arith.addi %scan3A_52, %scan3A_53 : i32
    %scan3A_55 = arith.constant 1 : i32
    %scan3A_56 = scf.for %scan3A_93 = %scan3A_52 to %scan3A_54 step %scan3A_55 iter_args(%scan3A_94 = %scan3A_51) -> (i32)  : i32 {
      %mul3A_95 = arith.constant 2 : i32
      %mul3A_96 = arith.muli %scan3A_93, %mul3A_95 : i32
      %add3A_97 = arith.constant 0 : i32
      %add3A_98 = arith.addi %mul3A_96, %add3A_97 : i32
      %add3A_99 = arith.constant 1 : i32
      %add3A_100 = arith.addi %add3A_98, %add3A_99 : i32
      %lt3A = arith.constant 32 : i32
      %lt3A_101 = arith.cmpi slt, %add3A_100, %lt3A : i32
      %convert_element_type3A = arith.extui %lt3A_101 : i1 to i32
      %cond3A = arith.constant 0 : i32
      %cond3A_102 = arith.cmpi ne, %convert_element_type3A, %cond3A : i32
      scf.if %cond3A_102 {
        %add3A_258 = arith.constant 1 : i32
        %add3A_259 = arith.addi %add3A_98, %add3A_258 : i32
        %mul3A_260 = arith.constant 512 : i32
        %mul3A_261 = arith.muli %add3A_259, %mul3A_260 : i32
        %dma_start3A_262 = arith.constant 1 : i32
        %dma_start3A_263 = arith.constant 0 : i32
        %dma_start3A_264 = arith.constant 0 : i32
        %dma_start3A_265 = tpu.memref_slice %arg6[%dma_start3A_262, %dma_start3A_263, %dma_start3A_264] : memref<2x32x512xf32, #tpu.memory_space<vmem>> -> memref<1x32x512xf32, #tpu.memory_space<vmem>>
        %dma_start3A_266 = tpu.memref_squeeze %dma_start3A_265 : memref<1x32x512xf32, #tpu.memory_space<vmem>> -> memref<32x512xf32, #tpu.memory_space<vmem>>
        %dma_start3A_267 = arith.constant 0 : i32
        %dma_start3A_268 = tpu.memref_slice %arg2[%add3A_4, %dma_start3A_267, %mul3A_261] : memref<32x32x16384xf32, #tpu.memory_space<hbm>> -> memref<1x32x512xf32, #tpu.memory_space<hbm>>
        %dma_start3A_269 = tpu.memref_squeeze %dma_start3A_268 : memref<1x32x512xf32, #tpu.memory_space<hbm>> -> memref<32x512xf32, #tpu.memory_space<hbm>>
        %dma_start3A_270 = arith.constant 0 : i32
        %dma_start3A_271 = arith.constant 0 : i32
        %dma_start3A_272 = tpu.memref_slice %arg6[%dma_start3A_262, %dma_start3A_270, %dma_start3A_271] : memref<2x32x512xf32, #tpu.memory_space<vmem>> -> memref<1x32x512xf32, #tpu.memory_space<vmem>>
        %dma_start3A_273 = tpu.memref_squeeze %dma_start3A_272 : memref<1x32x512xf32, #tpu.memory_space<vmem>> -> memref<32x512xf32, #tpu.memory_space<vmem>>
        %dma_start3A_274 = arith.constant 0 : i32
        %dma_start3A_275 = tpu.memref_slice %arg2[%add3A_4, %dma_start3A_274, %mul3A_261] : memref<32x32x16384xf32, #tpu.memory_space<hbm>> -> memref<1x32x512xf32, #tpu.memory_space<hbm>>
        %dma_start3A_276 = tpu.memref_squeeze %dma_start3A_275 : memref<1x32x512xf32, #tpu.memory_space<hbm>> -> memref<32x512xf32, #tpu.memory_space<hbm>>
        tpu.enqueue_dma source(%dma_start3A_276 : memref<32x512xf32, #tpu.memory_space<hbm>>) target(%dma_start3A_273 : memref<32x512xf32, #tpu.memory_space<vmem>>) target_semaphore(%arg11 : memref<!tpu.dma_semaphore, #tpu.memory_space<semaphore_mem>>)
        %dma_start3A_277 = arith.constant 1 : i32
        %dma_start3A_278 = arith.constant 0 : i32
        %dma_start3A_279 = arith.constant 0 : i32
        %dma_start3A_280 = tpu.memref_slice %arg7[%dma_start3A_277, %dma_start3A_278, %dma_start3A_279] : memref<2x32x512xf32, #tpu.memory_space<vmem>> -> memref<1x32x512xf32, #tpu.memory_space<vmem>>
        %dma_start3A_281 = tpu.memref_squeeze %dma_start3A_280 : memref<1x32x512xf32, #tpu.memory_space<vmem>> -> memref<32x512xf32, #tpu.memory_space<vmem>>
        %dma_start3A_282 = arith.constant 0 : i32
        %dma_start3A_283 = tpu.memref_slice %arg3[%add3A_4, %dma_start3A_282, %mul3A_261] : memref<32x32x16384xf32, #tpu.memory_space<hbm>> -> memref<1x32x512xf32, #tpu.memory_space<hbm>>
        %dma_start3A_284 = tpu.memref_squeeze %dma_start3A_283 : memref<1x32x512xf32, #tpu.memory_space<hbm>> -> memref<32x512xf32, #tpu.memory_space<hbm>>
        %dma_start3A_285 = arith.constant 0 : i32
        %dma_start3A_286 = arith.constant 0 : i32
        %dma_start3A_287 = tpu.memref_slice %arg7[%dma_start3A_277, %dma_start3A_285, %dma_start3A_286] : memref<2x32x512xf32, #tpu.memory_space<vmem>> -> memref<1x32x512xf32, #tpu.memory_space<vmem>>
        %dma_start3A_288 = tpu.memref_squeeze %dma_start3A_287 : memref<1x32x512xf32, #tpu.memory_space<vmem>> -> memref<32x512xf32, #tpu.memory_space<vmem>>
        %dma_start3A_289 = arith.constant 0 : i32
        %dma_start3A_290 = tpu.memref_slice %arg3[%add3A_4, %dma_start3A_289, %mul3A_261] : memref<32x32x16384xf32, #tpu.memory_space<hbm>> -> memref<1x32x512xf32, #tpu.memory_space<hbm>>
        %dma_start3A_291 = tpu.memref_squeeze %dma_start3A_290 : memref<1x32x512xf32, #tpu.memory_space<hbm>> -> memref<32x512xf32, #tpu.memory_space<hbm>>
        tpu.enqueue_dma source(%dma_start3A_291 : memref<32x512xf32, #tpu.memory_space<hbm>>) target(%dma_start3A_288 : memref<32x512xf32, #tpu.memory_space<vmem>>) target_semaphore(%arg11 : memref<!tpu.dma_semaphore, #tpu.memory_space<semaphore_mem>>)
        %dma_start3A_292 = arith.constant 1 : i32
        %dma_start3A_293 = arith.constant 0 : i32
        %dma_start3A_294 = tpu.memref_slice %arg9[%dma_start3A_292, %dma_start3A_293] : memref<2x512xf32, #tpu.memory_space<vmem>> -> memref<1x512xf32, #tpu.memory_space<vmem>>
        %dma_start3A_295 = tpu.memref_squeeze %dma_start3A_294 : memref<1x512xf32, #tpu.memory_space<vmem>> -> memref<512xf32, #tpu.memory_space<vmem>>
        %dma_start3A_296 = tpu.memref_slice %arg4[%add3A_4, %mul3A_261] : memref<32x16384xf32, #tpu.memory_space<hbm>> -> memref<1x512xf32, #tpu.memory_space<hbm>>
        %dma_start3A_297 = tpu.memref_squeeze %dma_start3A_296 : memref<1x512xf32, #tpu.memory_space<hbm>> -> memref<512xf32, #tpu.memory_space<hbm>>
        %dma_start3A_298 = arith.constant 0 : i32
        %dma_start3A_299 = tpu.memref_slice %arg9[%dma_start3A_292, %dma_start3A_298] : memref<2x512xf32, #tpu.memory_space<vmem>> -> memref<1x512xf32, #tpu.memory_space<vmem>>
        %dma_start3A_300 = tpu.memref_squeeze %dma_start3A_299 : memref<1x512xf32, #tpu.memory_space<vmem>> -> memref<512xf32, #tpu.memory_space<vmem>>
        %dma_start3A_301 = tpu.memref_slice %arg4[%add3A_4, %mul3A_261] : memref<32x16384xf32, #tpu.memory_space<hbm>> -> memref<1x512xf32, #tpu.memory_space<hbm>>
        %dma_start3A_302 = tpu.memref_squeeze %dma_start3A_301 : memref<1x512xf32, #tpu.memory_space<hbm>> -> memref<512xf32, #tpu.memory_space<hbm>>
        tpu.enqueue_dma source(%dma_start3A_302 : memref<512xf32, #tpu.memory_space<hbm>>) target(%dma_start3A_300 : memref<512xf32, #tpu.memory_space<vmem>>) target_semaphore(%arg11 : memref<!tpu.dma_semaphore, #tpu.memory_space<semaphore_mem>>)
      } else {
      }
      %mul3A_103 = arith.constant 512 : i32
      %mul3A_104 = arith.muli %add3A_98, %mul3A_103 : i32
      %dma_wait3A_105 = arith.constant 0 : i32
      %dma_wait3A_106 = arith.constant 0 : i32
      %dma_wait3A_107 = arith.constant 0 : i32
      %dma_wait3A_108 = tpu.memref_slice %arg6[%dma_wait3A_105, %dma_wait3A_106, %dma_wait3A_107] : memref<2x32x512xf32, #tpu.memory_space<vmem>> -> memref<1x32x512xf32, #tpu.memory_space<vmem>>
      %dma_wait3A_109 = tpu.memref_squeeze %dma_wait3A_108 : memref<1x32x512xf32, #tpu.memory_space<vmem>> -> memref<32x512xf32, #tpu.memory_space<vmem>>
      %dma_wait3A_110 = arith.constant 0 : i32
      %dma_wait3A_111 = tpu.memref_slice %arg2[%add3A_4, %dma_wait3A_110, %mul3A_104] : memref<32x32x16384xf32, #tpu.memory_space<hbm>> -> memref<1x32x512xf32, #tpu.memory_space<hbm>>
      %dma_wait3A_112 = tpu.memref_squeeze %dma_wait3A_111 : memref<1x32x512xf32, #tpu.memory_space<hbm>> -> memref<32x512xf32, #tpu.memory_space<hbm>>
      %dma_wait3A_113 = arith.constant 0 : i32
      %dma_wait3A_114 = arith.constant 0 : i32
      %dma_wait3A_115 = tpu.memref_slice %arg6[%dma_wait3A_105, %dma_wait3A_113, %dma_wait3A_114] : memref<2x32x512xf32, #tpu.memory_space<vmem>> -> memref<1x32x512xf32, #tpu.memory_space<vmem>>
      %dma_wait3A_116 = tpu.memref_squeeze %dma_wait3A_115 : memref<1x32x512xf32, #tpu.memory_space<vmem>> -> memref<32x512xf32, #tpu.memory_space<vmem>>
      %dma_wait3A_117 = arith.constant 0 : i32
      %dma_wait3A_118 = tpu.memref_slice %arg2[%add3A_4, %dma_wait3A_117, %mul3A_104] : memref<32x32x16384xf32, #tpu.memory_space<hbm>> -> memref<1x32x512xf32, #tpu.memory_space<hbm>>
      %dma_wait3A_119 = tpu.memref_squeeze %dma_wait3A_118 : memref<1x32x512xf32, #tpu.memory_space<hbm>> -> memref<32x512xf32, #tpu.memory_space<hbm>>
      tpu.wait_dma2 semaphore(%arg10 : memref<!tpu.dma_semaphore, #tpu.memory_space<semaphore_mem>>) src(%dma_wait3A_119 : memref<32x512xf32, #tpu.memory_space<hbm>>) dst(%dma_wait3A_116 : memref<32x512xf32, #tpu.memory_space<vmem>>)
      %dma_wait3A_120 = arith.constant 0 : i32
      %dma_wait3A_121 = arith.constant 0 : i32
      %dma_wait3A_122 = arith.constant 0 : i32
      %dma_wait3A_123 = tpu.memref_slice %arg7[%dma_wait3A_120, %dma_wait3A_121, %dma_wait3A_122] : memref<2x32x512xf32, #tpu.memory_space<vmem>> -> memref<1x32x512xf32, #tpu.memory_space<vmem>>
      %dma_wait3A_124 = tpu.memref_squeeze %dma_wait3A_123 : memref<1x32x512xf32, #tpu.memory_space<vmem>> -> memref<32x512xf32, #tpu.memory_space<vmem>>
      %dma_wait3A_125 = arith.constant 0 : i32
      %dma_wait3A_126 = tpu.memref_slice %arg3[%add3A_4, %dma_wait3A_125, %mul3A_104] : memref<32x32x16384xf32, #tpu.memory_space<hbm>> -> memref<1x32x512xf32, #tpu.memory_space<hbm>>
      %dma_wait3A_127 = tpu.memref_squeeze %dma_wait3A_126 : memref<1x32x512xf32, #tpu.memory_space<hbm>> -> memref<32x512xf32, #tpu.memory_space<hbm>>
      %dma_wait3A_128 = arith.constant 0 : i32
      %dma_wait3A_129 = arith.constant 0 : i32
      %dma_wait3A_130 = tpu.memref_slice %arg7[%dma_wait3A_120, %dma_wait3A_128, %dma_wait3A_129] : memref<2x32x512xf32, #tpu.memory_space<vmem>> -> memref<1x32x512xf32, #tpu.memory_space<vmem>>
      %dma_wait3A_131 = tpu.memref_squeeze %dma_wait3A_130 : memref<1x32x512xf32, #tpu.memory_space<vmem>> -> memref<32x512xf32, #tpu.memory_space<vmem>>
      %dma_wait3A_132 = arith.constant 0 : i32
      %dma_wait3A_133 = tpu.memref_slice %arg3[%add3A_4, %dma_wait3A_132, %mul3A_104] : memref<32x32x16384xf32, #tpu.memory_space<hbm>> -> memref<1x32x512xf32, #tpu.memory_space<hbm>>
      %dma_wait3A_134 = tpu.memref_squeeze %dma_wait3A_133 : memref<1x32x512xf32, #tpu.memory_space<hbm>> -> memref<32x512xf32, #tpu.memory_space<hbm>>
      tpu.wait_dma2 semaphore(%arg10 : memref<!tpu.dma_semaphore, #tpu.memory_space<semaphore_mem>>) src(%dma_wait3A_134 : memref<32x512xf32, #tpu.memory_space<hbm>>) dst(%dma_wait3A_131 : memref<32x512xf32, #tpu.memory_space<vmem>>)
      %dma_wait3A_135 = arith.constant 0 : i32
      %dma_wait3A_136 = arith.constant 0 : i32
      %dma_wait3A_137 = tpu.memref_slice %arg9[%dma_wait3A_135, %dma_wait3A_136] : memref<2x512xf32, #tpu.memory_space<vmem>> -> memref<1x512xf32, #tpu.memory_space<vmem>>
      %dma_wait3A_138 = tpu.memref_squeeze %dma_wait3A_137 : memref<1x512xf32, #tpu.memory_space<vmem>> -> memref<512xf32, #tpu.memory_space<vmem>>
      %dma_wait3A_139 = tpu.memref_slice %arg4[%add3A_4, %mul3A_104] : memref<32x16384xf32, #tpu.memory_space<hbm>> -> memref<1x512xf32, #tpu.memory_space<hbm>>
      %dma_wait3A_140 = tpu.memref_squeeze %dma_wait3A_139 : memref<1x512xf32, #tpu.memory_space<hbm>> -> memref<512xf32, #tpu.memory_space<hbm>>
      %dma_wait3A_141 = arith.constant 0 : i32
      %dma_wait3A_142 = tpu.memref_slice %arg9[%dma_wait3A_135, %dma_wait3A_141] : memref<2x512xf32, #tpu.memory_space<vmem>> -> memref<1x512xf32, #tpu.memory_space<vmem>>
      %dma_wait3A_143 = tpu.memref_squeeze %dma_wait3A_142 : memref<1x512xf32, #tpu.memory_space<vmem>> -> memref<512xf32, #tpu.memory_space<vmem>>
      %dma_wait3A_144 = tpu.memref_slice %arg4[%add3A_4, %mul3A_104] : memref<32x16384xf32, #tpu.memory_space<hbm>> -> memref<1x512xf32, #tpu.memory_space<hbm>>
      %dma_wait3A_145 = tpu.memref_squeeze %dma_wait3A_144 : memref<1x512xf32, #tpu.memory_space<hbm>> -> memref<512xf32, #tpu.memory_space<hbm>>
      tpu.wait_dma2 semaphore(%arg10 : memref<!tpu.dma_semaphore, #tpu.memory_space<semaphore_mem>>) src(%dma_wait3A_145 : memref<512xf32, #tpu.memory_space<hbm>>) dst(%dma_wait3A_143 : memref<512xf32, #tpu.memory_space<vmem>>)
      %ge3A = arith.constant 2 : i32
      %ge3A_146 = arith.cmpi sge, %add3A_98, %ge3A : i32
      %convert_element_type3A_147 = arith.extui %ge3A_146 : i1 to i32
      %cond3A_148 = arith.constant 0 : i32
      %cond3A_149 = arith.cmpi ne, %convert_element_type3A_147, %cond3A_148 : i32
      scf.if %cond3A_149 {
        %sub3A = arith.constant 2 : i32
        %sub3A_258 = arith.subi %add3A_98, %sub3A : i32
        %mul3A_259 = arith.constant 512 : i32
        %mul3A_260 = arith.muli %sub3A_258, %mul3A_259 : i32
        %dma_wait3A_261 = arith.constant 0 : i32
        %dma_wait3A_262 = arith.constant 0 : i32
        %dma_wait3A_263 = arith.constant 0 : i32
        %dma_wait3A_264 = tpu.memref_slice %arg8[%dma_wait3A_261, %dma_wait3A_262, %dma_wait3A_263] : memref<2x32x512xf32, #tpu.memory_space<vmem>> -> memref<1x32x512xf32, #tpu.memory_space<vmem>>
        %dma_wait3A_265 = tpu.memref_squeeze %dma_wait3A_264 : memref<1x32x512xf32, #tpu.memory_space<vmem>> -> memref<32x512xf32, #tpu.memory_space<vmem>>
        %dma_wait3A_266 = arith.constant 0 : i32
        %dma_wait3A_267 = tpu.memref_slice %arg5[%add3A_4, %dma_wait3A_266, %mul3A_260] : memref<32x32x16384xf32, #tpu.memory_space<hbm>> -> memref<1x32x512xf32, #tpu.memory_space<hbm>>
        %dma_wait3A_268 = tpu.memref_squeeze %dma_wait3A_267 : memref<1x32x512xf32, #tpu.memory_space<hbm>> -> memref<32x512xf32, #tpu.memory_space<hbm>>
        %dma_wait3A_269 = arith.constant 0 : i32
        %dma_wait3A_270 = tpu.memref_slice %arg5[%add3A_4, %dma_wait3A_269, %mul3A_260] : memref<32x32x16384xf32, #tpu.memory_space<hbm>> -> memref<1x32x512xf32, #tpu.memory_space<hbm>>
        %dma_wait3A_271 = tpu.memref_squeeze %dma_wait3A_270 : memref<1x32x512xf32, #tpu.memory_space<hbm>> -> memref<32x512xf32, #tpu.memory_space<hbm>>
        %dma_wait3A_272 = arith.constant 0 : i32
        %dma_wait3A_273 = arith.constant 0 : i32
        %dma_wait3A_274 = tpu.memref_slice %arg8[%dma_wait3A_261, %dma_wait3A_272, %dma_wait3A_273] : memref<2x32x512xf32, #tpu.memory_space<vmem>> -> memref<1x32x512xf32, #tpu.memory_space<vmem>>
        %dma_wait3A_275 = tpu.memref_squeeze %dma_wait3A_274 : memref<1x32x512xf32, #tpu.memory_space<vmem>> -> memref<32x512xf32, #tpu.memory_space<vmem>>
        tpu.wait_dma2 semaphore(%arg12 : memref<!tpu.dma_semaphore, #tpu.memory_space<semaphore_mem>>) src(%dma_wait3A_275 : memref<32x512xf32, #tpu.memory_space<vmem>>) dst(%dma_wait3A_271 : memref<32x512xf32, #tpu.memory_space<hbm>>)
      } else {
      }
      %scan3A_150 = arith.constant 0 : i32
      %scan3A_151 = arith.constant 0 : i32
      %scan3A_152 = arith.constant 32 : i32
      %scan3A_153 = arith.addi %scan3A_151, %scan3A_152 : i32
      %scan3A_154 = arith.constant 1 : i32
      %scan3A_155 = scf.for %scan3A_258 = %scan3A_151 to %scan3A_153 step %scan3A_154 iter_args(%scan3A_259 = %scan3A_150) -> (i32)  : i32 {
        %mul3A_260 = arith.constant 16 : i32
        %mul3A_261 = arith.muli %scan3A_258, %mul3A_260 : i32
        %add3A_262 = arith.constant 0 : i32
        %add3A_263 = arith.addi %mul3A_261, %add3A_262 : i32
        %get3A = arith.constant 0 : i32
        %get3A_264 = arith.index_cast %get3A : i32 to index
        %get3A_265 = arith.index_cast %add3A_263 : i32 to index
        %get3A_266 = tpu.vector_load %arg9[%get3A_264, %get3A_265] {strides = array<i32>} : memref<2x512xf32, #tpu.memory_space<vmem>>, vector<1x16xf32>,
        %get3A_267 = vector.shape_cast %get3A_266 : vector<1x16xf32> to vector<16xf32>
        %add3A_268 = arith.constant 0 : i32
        %add3A_269 = arith.addi %mul3A_261, %add3A_268 : i32
        %get3A_270 = arith.constant 0 : i32
        %get3A_271 = arith.constant 31 : i32
        %get3A_272 = arith.index_cast %get3A_270 : i32 to index
        %get3A_273 = arith.index_cast %get3A_271 : i32 to index
        %get3A_274 = arith.index_cast %add3A_269 : i32 to index
        %get3A_275 = tpu.vector_load %arg6[%get3A_272, %get3A_273, %get3A_274] {strides = array<i32>} : memref<2x32x512xf32, #tpu.memory_space<vmem>>, vector<1x1x16xf32>,
        %get3A_276 = vector.shape_cast %get3A_275 : vector<1x1x16xf32> to vector<16xf32>
        %get3A_277 = arith.constant 0 : i32
        %get3A_278 = arith.constant 31 : i32
        %get3A_279 = arith.index_cast %get3A_277 : i32 to index
        %get3A_280 = arith.index_cast %get3A_278 : i32 to index
        %get3A_281 = arith.index_cast %add3A_269 : i32 to index
        %get3A_282 = tpu.vector_load %arg7[%get3A_279, %get3A_280, %get3A_281] {strides = array<i32>} : memref<2x32x512xf32, #tpu.memory_space<vmem>>, vector<1x1x16xf32>,
        %get3A_283 = vector.shape_cast %get3A_282 : vector<1x1x16xf32> to vector<16xf32>
        %sub3A = arith.subf %get3A_283, %get3A_267 : vector<16xf32>
        %mul3A_284 = arith.mulf %get3A_276, %sub3A : vector<16xf32>
        %add3A_285 = arith.addf %get3A_267, %mul3A_284 : vector<16xf32>
        %swap3A = arith.constant 0 : i32
        %swap3A_286 = arith.constant 31 : i32
        %swap3A_287 = arith.index_cast %swap3A : i32 to index
        %swap3A_288 = arith.index_cast %swap3A_286 : i32 to index
        %swap3A_289 = arith.index_cast %add3A_269 : i32 to index
        %swap3A_290 = tpu.vector_load %arg8[%swap3A_287, %swap3A_288, %swap3A_289] {strides = array<i32>} : memref<2x32x512xf32, #tpu.memory_space<vmem>>, vector<1x1x16xf32>,
        %swap3A_291 = vector.shape_cast %swap3A_290 : vector<1x1x16xf32> to vector<16xf32>
        %swap3A_292 = vector.shape_cast %add3A_285 : vector<16xf32> to vector<1x1x16xf32>
        tpu.vector_store %arg8[%swap3A_287, %swap3A_288, %swap3A_289], %swap3A_292 {strides = array<i32>} : memref<2x32x512xf32, #tpu.memory_space<vmem>>, vector<1x1x16xf32>,
        %add3A_293 = arith.constant 0 : i32
        %add3A_294 = arith.addi %mul3A_261, %add3A_293 : i32
        %get3A_295 = arith.constant 0 : i32
        %get3A_296 = arith.constant 30 : i32
        %get3A_297 = arith.index_cast %get3A_295 : i32 to index
        %get3A_298 = arith.index_cast %get3A_296 : i32 to index
        %get3A_299 = arith.index_cast %add3A_294 : i32 to index
        %get3A_300 = tpu.vector_load %arg6[%get3A_297, %get3A_298, %get3A_299] {strides = array<i32>} : memref<2x32x512xf32, #tpu.memory_space<vmem>>, vector<1x1x16xf32>,
        %get3A_301 = vector.shape_cast %get3A_300 : vector<1x1x16xf32> to vector<16xf32>
        %get3A_302 = arith.constant 0 : i32
        %get3A_303 = arith.constant 30 : i32
        %get3A_304 = arith.index_cast %get3A_302 : i32 to index
        %get3A_305 = arith.index_cast %get3A_303 : i32 to index
        %get3A_306 = arith.index_cast %add3A_294 : i32 to index
        %get3A_307 = tpu.vector_load %arg7[%get3A_304, %get3A_305, %get3A_306] {strides = array<i32>} : memref<2x32x512xf32, #tpu.memory_space<vmem>>, vector<1x1x16xf32>,
        %get3A_308 = vector.shape_cast %get3A_307 : vector<1x1x16xf32> to vector<16xf32>
        %sub3A_309 = arith.subf %get3A_308, %add3A_285 : vector<16xf32>
        %mul3A_310 = arith.mulf %get3A_301, %sub3A_309 : vector<16xf32>
        %add3A_311 = arith.addf %add3A_285, %mul3A_310 : vector<16xf32>
        %swap3A_312 = arith.constant 0 : i32
        %swap3A_313 = arith.constant 30 : i32
        %swap3A_314 = arith.index_cast %swap3A_312 : i32 to index
        %swap3A_315 = arith.index_cast %swap3A_313 : i32 to index
        %swap3A_316 = arith.index_cast %add3A_294 : i32 to index
        %swap3A_317 = tpu.vector_load %arg8[%swap3A_314, %swap3A_315, %swap3A_316] {strides = array<i32>} : memref<2x32x512xf32, #tpu.memory_space<vmem>>, vector<1x1x16xf32>,
        %swap3A_318 = vector.shape_cast %swap3A_317 : vector<1x1x16xf32> to vector<16xf32>
        %swap3A_319 = vector.shape_cast %add3A_311 : vector<16xf32> to vector<1x1x16xf32>
        tpu.vector_store %arg8[%swap3A_314, %swap3A_315, %swap3A_316], %swap3A_319 {strides = array<i32>} : memref<2x32x512xf32, #tpu.memory_space<vmem>>, vector<1x1x16xf32>,
        %add3A_320 = arith.constant 0 : i32
        %add3A_321 = arith.addi %mul3A_261, %add3A_320 : i32
        %get3A_322 = arith.constant 0 : i32
        %get3A_323 = arith.constant 29 : i32
        %get3A_324 = arith.index_cast %get3A_322 : i32 to index
        %get3A_325 = arith.index_cast %get3A_323 : i32 to index
        %get3A_326 = arith.index_cast %add3A_321 : i32 to index
        %get3A_327 = tpu.vector_load %arg6[%get3A_324, %get3A_325, %get3A_326] {strides = array<i32>} : memref<2x32x512xf32, #tpu.memory_space<vmem>>, vector<1x1x16xf32>,
        %get3A_328 = vector.shape_cast %get3A_327 : vector<1x1x16xf32> to vector<16xf32>
        %get3A_329 = arith.constant 0 : i32
        %get3A_330 = arith.constant 29 : i32
        %get3A_331 = arith.index_cast %get3A_329 : i32 to index
        %get3A_332 = arith.index_cast %get3A_330 : i32 to index
        %get3A_333 = arith.index_cast %add3A_321 : i32 to index
        %get3A_334 = tpu.vector_load %arg7[%get3A_331, %get3A_332, %get3A_333] {strides = array<i32>} : memref<2x32x512xf32, #tpu.memory_space<vmem>>, vector<1x1x16xf32>,
        %get3A_335 = vector.shape_cast %get3A_334 : vector<1x1x16xf32> to vector<16xf32>
        %sub3A_336 = arith.subf %get3A_335, %add3A_311 : vector<16xf32>
        %mul3A_337 = arith.mulf %get3A_328, %sub3A_336 : vector<16xf32>
        %add3A_338 = arith.addf %add3A_311, %mul3A_337 : vector<16xf32>
        %swap3A_339 = arith.constant 0 : i32
        %swap3A_340 = arith.constant 29 : i32
        %swap3A_341 = arith.index_cast %swap3A_339 : i32 to index
        %swap3A_342 = arith.index_cast %swap3A_340 : i32 to index
        %swap3A_343 = arith.index_cast %add3A_321 : i32 to index
        %swap3A_344 = tpu.vector_load %arg8[%swap3A_341, %swap3A_342, %swap3A_343] {strides = array<i32>} : memref<2x32x512xf32, #tpu.memory_space<vmem>>, vector<1x1x16xf32>,
        %swap3A_345 = vector.shape_cast %swap3A_344 : vector<1x1x16xf32> to vector<16xf32>
        %swap3A_346 = vector.shape_cast %add3A_338 : vector<16xf32> to vector<1x1x16xf32>
        tpu.vector_store %arg8[%swap3A_341, %swap3A_342, %swap3A_343], %swap3A_346 {strides = array<i32>} : memref<2x32x512xf32, #tpu.memory_space<vmem>>, vector<1x1x16xf32>,
        %add3A_347 = arith.constant 0 : i32
        %add3A_348 = arith.addi %mul3A_261, %add3A_347 : i32
        %get3A_349 = arith.constant 0 : i32
        %get3A_350 = arith.constant 28 : i32
        %get3A_351 = arith.index_cast %get3A_349 : i32 to index
        %get3A_352 = arith.index_cast %get3A_350 : i32 to index
        %get3A_353 = arith.index_cast %add3A_348 : i32 to index
        %get3A_354 = tpu.vector_load %arg6[%get3A_351, %get3A_352, %get3A_353] {strides = array<i32>} : memref<2x32x512xf32, #tpu.memory_space<vmem>>, vector<1x1x16xf32>,
        %get3A_355 = vector.shape_cast %get3A_354 : vector<1x1x16xf32> to vector<16xf32>
        %get3A_356 = arith.constant 0 : i32
        %get3A_357 = arith.constant 28 : i32
        %get3A_358 = arith.index_cast %get3A_356 : i32 to index
        %get3A_359 = arith.index_cast %get3A_357 : i32 to index
        %get3A_360 = arith.index_cast %add3A_348 : i32 to index
        %get3A_361 = tpu.vector_load %arg7[%get3A_358, %get3A_359, %get3A_360] {strides = array<i32>} : memref<2x32x512xf32, #tpu.memory_space<vmem>>, vector<1x1x16xf32>,
        %get3A_362 = vector.shape_cast %get3A_361 : vector<1x1x16xf32> to vector<16xf32>
        %sub3A_363 = arith.subf %get3A_362, %add3A_338 : vector<16xf32>
        %mul3A_364 = arith.mulf %get3A_355, %sub3A_363 : vector<16xf32>
        %add3A_365 = arith.addf %add3A_338, %mul3A_364 : vector<16xf32>
        %swap3A_366 = arith.constant 0 : i32
        %swap3A_367 = arith.constant 28 : i32
        %swap3A_368 = arith.index_cast %swap3A_366 : i32 to index
        %swap3A_369 = arith.index_cast %swap3A_367 : i32 to index
        %swap3A_370 = arith.index_cast %add3A_348 : i32 to index
        %swap3A_371 = tpu.vector_load %arg8[%swap3A_368, %swap3A_369, %swap3A_370] {strides = array<i32>} : memref<2x32x512xf32, #tpu.memory_space<vmem>>, vector<1x1x16xf32>,
        %swap3A_372 = vector.shape_cast %swap3A_371 : vector<1x1x16xf32> to vector<16xf32>
        %swap3A_373 = vector.shape_cast %add3A_365 : vector<16xf32> to vector<1x1x16xf32>
        tpu.vector_store %arg8[%swap3A_368, %swap3A_369, %swap3A_370], %swap3A_373 {strides = array<i32>} : memref<2x32x512xf32, #tpu.memory_space<vmem>>, vector<1x1x16xf32>,
        %add3A_374 = arith.constant 0 : i32
        %add3A_375 = arith.addi %mul3A_261, %add3A_374 : i32
        %get3A_376 = arith.constant 0 : i32
        %get3A_377 = arith.constant 27 : i32
        %get3A_378 = arith.index_cast %get3A_376 : i32 to index
        %get3A_379 = arith.index_cast %get3A_377 : i32 to index
        %get3A_380 = arith.index_cast %add3A_375 : i32 to index
        %get3A_381 = tpu.vector_load %arg6[%get3A_378, %get3A_379, %get3A_380] {strides = array<i32>} : memref<2x32x512xf32, #tpu.memory_space<vmem>>, vector<1x1x16xf32>,
        %get3A_382 = vector.shape_cast %get3A_381 : vector<1x1x16xf32> to vector<16xf32>
        %get3A_383 = arith.constant 0 : i32
        %get3A_384 = arith.constant 27 : i32
        %get3A_385 = arith.index_cast %get3A_383 : i32 to index
        %get3A_386 = arith.index_cast %get3A_384 : i32 to index
        %get3A_387 = arith.index_cast %add3A_375 : i32 to index
        %get3A_388 = tpu.vector_load %arg7[%get3A_385, %get3A_386, %get3A_387] {strides = array<i32>} : memref<2x32x512xf32, #tpu.memory_space<vmem>>, vector<1x1x16xf32>,
        %get3A_389 = vector.shape_cast %get3A_388 : vector<1x1x16xf32> to vector<16xf32>
        %sub3A_390 = arith.subf %get3A_389, %add3A_365 : vector<16xf32>
        %mul3A_391 = arith.mulf %get3A_382, %sub3A_390 : vector<16xf32>
        %add3A_392 = arith.addf %add3A_365, %mul3A_391 : vector<16xf32>
        %swap3A_393 = arith.constant 0 : i32
        %swap3A_394 = arith.constant 27 : i32
        %swap3A_395 = arith.index_cast %swap3A_393 : i32 to index
        %swap3A_396 = arith.index_cast %swap3A_394 : i32 to index
        %swap3A_397 = arith.index_cast %add3A_375 : i32 to index
        %swap3A_398 = tpu.vector_load %arg8[%swap3A_395, %swap3A_396, %swap3A_397] {strides = array<i32>} : memref<2x32x512xf32, #tpu.memory_space<vmem>>, vector<1x1x16xf32>,
        %swap3A_399 = vector.shape_cast %swap3A_398 : vector<1x1x16xf32> to vector<16xf32>
        %swap3A_400 = vector.shape_cast %add3A_392 : vector<16xf32> to vector<1x1x16xf32>
        tpu.vector_store %arg8[%swap3A_395, %swap3A_396, %swap3A_397], %swap3A_400 {strides = array<i32>} : memref<2x32x512xf32, #tpu.memory_space<vmem>>, vector<1x1x16xf32>,
        %add3A_401 = arith.constant 0 : i32
        %add3A_402 = arith.addi %mul3A_261, %add3A_401 : i32
        %get3A_403 = arith.constant 0 : i32
        %get3A_404 = arith.constant 26 : i32
        %get3A_405 = arith.index_cast %get3A_403 : i32 to index
        %get3A_406 = arith.index_cast %get3A_404 : i32 to index
        %get3A_407 = arith.index_cast %add3A_402 : i32 to index
        %get3A_408 = tpu.vector_load %arg6[%get3A_405, %get3A_406, %get3A_407] {strides = array<i32>} : memref<2x32x512xf32, #tpu.memory_space<vmem>>, vector<1x1x16xf32>,
        %get3A_409 = vector.shape_cast %get3A_408 : vector<1x1x16xf32> to vector<16xf32>
        %get3A_410 = arith.constant 0 : i32
        %get3A_411 = arith.constant 26 : i32
        %get3A_412 = arith.index_cast %get3A_410 : i32 to index
        %get3A_413 = arith.index_cast %get3A_411 : i32 to index
        %get3A_414 = arith.index_cast %add3A_402 : i32 to index
        %get3A_415 = tpu.vector_load %arg7[%get3A_412, %get3A_413, %get3A_414] {strides = array<i32>} : memref<2x32x512xf32, #tpu.memory_space<vmem>>, vector<1x1x16xf32>,
        %get3A_416 = vector.shape_cast %get3A_415 : vector<1x1x16xf32> to vector<16xf32>
        %sub3A_417 = arith.subf %get3A_416, %add3A_392 : vector<16xf32>
        %mul3A_418 = arith.mulf %get3A_409, %sub3A_417 : vector<16xf32>
        %add3A_419 = arith.addf %add3A_392, %mul3A_418 : vector<16xf32>
        %swap3A_420 = arith.constant 0 : i32
        %swap3A_421 = arith.constant 26 : i32
        %swap3A_422 = arith.index_cast %swap3A_420 : i32 to index
        %swap3A_423 = arith.index_cast %swap3A_421 : i32 to index
        %swap3A_424 = arith.index_cast %add3A_402 : i32 to index
        %swap3A_425 = tpu.vector_load %arg8[%swap3A_422, %swap3A_423, %swap3A_424] {strides = array<i32>} : memref<2x32x512xf32, #tpu.memory_space<vmem>>, vector<1x1x16xf32>,
        %swap3A_426 = vector.shape_cast %swap3A_425 : vector<1x1x16xf32> to vector<16xf32>
        %swap3A_427 = vector.shape_cast %add3A_419 : vector<16xf32> to vector<1x1x16xf32>
        tpu.vector_store %arg8[%swap3A_422, %swap3A_423, %swap3A_424], %swap3A_427 {strides = array<i32>} : memref<2x32x512xf32, #tpu.memory_space<vmem>>, vector<1x1x16xf32>,
        %add3A_428 = arith.constant 0 : i32
        %add3A_429 = arith.addi %mul3A_261, %add3A_428 : i32
        %get3A_430 = arith.constant 0 : i32
        %get3A_431 = arith.constant 25 : i32
        %get3A_432 = arith.index_cast %get3A_430 : i32 to index
        %get3A_433 = arith.index_cast %get3A_431 : i32 to index
        %get3A_434 = arith.index_cast %add3A_429 : i32 to index
        %get3A_435 = tpu.vector_load %arg6[%get3A_432, %get3A_433, %get3A_434] {strides = array<i32>} : memref<2x32x512xf32, #tpu.memory_space<vmem>>, vector<1x1x16xf32>,
        %get3A_436 = vector.shape_cast %get3A_435 : vector<1x1x16xf32> to vector<16xf32>
        %get3A_437 = arith.constant 0 : i32
        %get3A_438 = arith.constant 25 : i32
        %get3A_439 = arith.index_cast %get3A_437 : i32 to index
        %get3A_440 = arith.index_cast %get3A_438 : i32 to index
        %get3A_441 = arith.index_cast %add3A_429 : i32 to index
        %get3A_442 = tpu.vector_load %arg7[%get3A_439, %get3A_440, %get3A_441] {strides = array<i32>} : memref<2x32x512xf32, #tpu.memory_space<vmem>>, vector<1x1x16xf32>,
        %get3A_443 = vector.shape_cast %get3A_442 : vector<1x1x16xf32> to vector<16xf32>
        %sub3A_444 = arith.subf %get3A_443, %add3A_419 : vector<16xf32>
        %mul3A_445 = arith.mulf %get3A_436, %sub3A_444 : vector<16xf32>
        %add3A_446 = arith.addf %add3A_419, %mul3A_445 : vector<16xf32>
        %swap3A_447 = arith.constant 0 : i32
        %swap3A_448 = arith.constant 25 : i32
        %swap3A_449 = arith.index_cast %swap3A_447 : i32 to index
        %swap3A_450 = arith.index_cast %swap3A_448 : i32 to index
        %swap3A_451 = arith.index_cast %add3A_429 : i32 to index
        %swap3A_452 = tpu.vector_load %arg8[%swap3A_449, %swap3A_450, %swap3A_451] {strides = array<i32>} : memref<2x32x512xf32, #tpu.memory_space<vmem>>, vector<1x1x16xf32>,
        %swap3A_453 = vector.shape_cast %swap3A_452 : vector<1x1x16xf32> to vector<16xf32>
        %swap3A_454 = vector.shape_cast %add3A_446 : vector<16xf32> to vector<1x1x16xf32>
        tpu.vector_store %arg8[%swap3A_449, %swap3A_450, %swap3A_451], %swap3A_454 {strides = array<i32>} : memref<2x32x512xf32, #tpu.memory_space<vmem>>, vector<1x1x16xf32>,
        %add3A_455 = arith.constant 0 : i32
        %add3A_456 = arith.addi %mul3A_261, %add3A_455 : i32
        %get3A_457 = arith.constant 0 : i32
        %get3A_458 = arith.constant 24 : i32
        %get3A_459 = arith.index_cast %get3A_457 : i32 to index
        %get3A_460 = arith.index_cast %get3A_458 : i32 to index
        %get3A_461 = arith.index_cast %add3A_456 : i32 to index
        %get3A_462 = tpu.vector_load %arg6[%get3A_459, %get3A_460, %get3A_461] {strides = array<i32>} : memref<2x32x512xf32, #tpu.memory_space<vmem>>, vector<1x1x16xf32>,
        %get3A_463 = vector.shape_cast %get3A_462 : vector<1x1x16xf32> to vector<16xf32>
        %get3A_464 = arith.constant 0 : i32
        %get3A_465 = arith.constant 24 : i32
        %get3A_466 = arith.index_cast %get3A_464 : i32 to index
        %get3A_467 = arith.index_cast %get3A_465 : i32 to index
        %get3A_468 = arith.index_cast %add3A_456 : i32 to index
        %get3A_469 = tpu.vector_load %arg7[%get3A_466, %get3A_467, %get3A_468] {strides = array<i32>} : memref<2x32x512xf32, #tpu.memory_space<vmem>>, vector<1x1x16xf32>,
        %get3A_470 = vector.shape_cast %get3A_469 : vector<1x1x16xf32> to vector<16xf32>
        %sub3A_471 = arith.subf %get3A_470, %add3A_446 : vector<16xf32>
        %mul3A_472 = arith.mulf %get3A_463, %sub3A_471 : vector<16xf32>
        %add3A_473 = arith.addf %add3A_446, %mul3A_472 : vector<16xf32>
        %swap3A_474 = arith.constant 0 : i32
        %swap3A_475 = arith.constant 24 : i32
        %swap3A_476 = arith.index_cast %swap3A_474 : i32 to index
        %swap3A_477 = arith.index_cast %swap3A_475 : i32 to index
        %swap3A_478 = arith.index_cast %add3A_456 : i32 to index
        %swap3A_479 = tpu.vector_load %arg8[%swap3A_476, %swap3A_477, %swap3A_478] {strides = array<i32>} : memref<2x32x512xf32, #tpu.memory_space<vmem>>, vector<1x1x16xf32>,
        %swap3A_480 = vector.shape_cast %swap3A_479 : vector<1x1x16xf32> to vector<16xf32>
        %swap3A_481 = vector.shape_cast %add3A_473 : vector<16xf32> to vector<1x1x16xf32>
        tpu.vector_store %arg8[%swap3A_476, %swap3A_477, %swap3A_478], %swap3A_481 {strides = array<i32>} : memref<2x32x512xf32, #tpu.memory_space<vmem>>, vector<1x1x16xf32>,
        %add3A_482 = arith.constant 0 : i32
        %add3A_483 = arith.addi %mul3A_261, %add3A_482 : i32
        %get3A_484 = arith.constant 0 : i32
        %get3A_485 = arith.constant 23 : i32
        %get3A_486 = arith.index_cast %get3A_484 : i32 to index
        %get3A_487 = arith.index_cast %get3A_485 : i32 to index
        %get3A_488 = arith.index_cast %add3A_483 : i32 to index
        %get3A_489 = tpu.vector_load %arg6[%get3A_486, %get3A_487, %get3A_488] {strides = array<i32>} : memref<2x32x512xf32, #tpu.memory_space<vmem>>, vector<1x1x16xf32>,
        %get3A_490 = vector.shape_cast %get3A_489 : vector<1x1x16xf32> to vector<16xf32>
        %get3A_491 = arith.constant 0 : i32
        %get3A_492 = arith.constant 23 : i32
        %get3A_493 = arith.index_cast %get3A_491 : i32 to index
        %get3A_494 = arith.index_cast %get3A_492 : i32 to index
        %get3A_495 = arith.index_cast %add3A_483 : i32 to index
        %get3A_496 = tpu.vector_load %arg7[%get3A_493, %get3A_494, %get3A_495] {strides = array<i32>} : memref<2x32x512xf32, #tpu.memory_space<vmem>>, vector<1x1x16xf32>,
        %get3A_497 = vector.shape_cast %get3A_496 : vector<1x1x16xf32> to vector<16xf32>
        %sub3A_498 = arith.subf %get3A_497, %add3A_473 : vector<16xf32>
        %mul3A_499 = arith.mulf %get3A_490, %sub3A_498 : vector<16xf32>
        %add3A_500 = arith.addf %add3A_473, %mul3A_499 : vector<16xf32>
        %swap3A_501 = arith.constant 0 : i32
        %swap3A_502 = arith.constant 23 : i32
        %swap3A_503 = arith.index_cast %swap3A_501 : i32 to index
        %swap3A_504 = arith.index_cast %swap3A_502 : i32 to index
        %swap3A_505 = arith.index_cast %add3A_483 : i32 to index
        %swap3A_506 = tpu.vector_load %arg8[%swap3A_503, %swap3A_504, %swap3A_505] {strides = array<i32>} : memref<2x32x512xf32, #tpu.memory_space<vmem>>, vector<1x1x16xf32>,
        %swap3A_507 = vector.shape_cast %swap3A_506 : vector<1x1x16xf32> to vector<16xf32>
        %swap3A_508 = vector.shape_cast %add3A_500 : vector<16xf32> to vector<1x1x16xf32>
        tpu.vector_store %arg8[%swap3A_503, %swap3A_504, %swap3A_505], %swap3A_508 {strides = array<i32>} : memref<2x32x512xf32, #tpu.memory_space<vmem>>, vector<1x1x16xf32>,
        %add3A_509 = arith.constant 0 : i32
        %add3A_510 = arith.addi %mul3A_261, %add3A_509 : i32
        %get3A_511 = arith.constant 0 : i32
        %get3A_512 = arith.constant 22 : i32
        %get3A_513 = arith.index_cast %get3A_511 : i32 to index
        %get3A_514 = arith.index_cast %get3A_512 : i32 to index
        %get3A_515 = arith.index_cast %add3A_510 : i32 to index
        %get3A_516 = tpu.vector_load %arg6[%get3A_513, %get3A_514, %get3A_515] {strides = array<i32>} : memref<2x32x512xf32, #tpu.memory_space<vmem>>, vector<1x1x16xf32>,
        %get3A_517 = vector.shape_cast %get3A_516 : vector<1x1x16xf32> to vector<16xf32>
        %get3A_518 = arith.constant 0 : i32
        %get3A_519 = arith.constant 22 : i32
        %get3A_520 = arith.index_cast %get3A_518 : i32 to index
        %get3A_521 = arith.index_cast %get3A_519 : i32 to index
        %get3A_522 = arith.index_cast %add3A_510 : i32 to index
        %get3A_523 = tpu.vector_load %arg7[%get3A_520, %get3A_521, %get3A_522] {strides = array<i32>} : memref<2x32x512xf32, #tpu.memory_space<vmem>>, vector<1x1x16xf32>,
        %get3A_524 = vector.shape_cast %get3A_523 : vector<1x1x16xf32> to vector<16xf32>
        %sub3A_525 = arith.subf %get3A_524, %add3A_500 : vector<16xf32>
        %mul3A_526 = arith.mulf %get3A_517, %sub3A_525 : vector<16xf32>
        %add3A_527 = arith.addf %add3A_500, %mul3A_526 : vector<16xf32>
        %swap3A_528 = arith.constant 0 : i32
        %swap3A_529 = arith.constant 22 : i32
        %swap3A_530 = arith.index_cast %swap3A_528 : i32 to index
        %swap3A_531 = arith.index_cast %swap3A_529 : i32 to index
        %swap3A_532 = arith.index_cast %add3A_510 : i32 to index
        %swap3A_533 = tpu.vector_load %arg8[%swap3A_530, %swap3A_531, %swap3A_532] {strides = array<i32>} : memref<2x32x512xf32, #tpu.memory_space<vmem>>, vector<1x1x16xf32>,
        %swap3A_534 = vector.shape_cast %swap3A_533 : vector<1x1x16xf32> to vector<16xf32>
        %swap3A_535 = vector.shape_cast %add3A_527 : vector<16xf32> to vector<1x1x16xf32>
        tpu.vector_store %arg8[%swap3A_530, %swap3A_531, %swap3A_532], %swap3A_535 {strides = array<i32>} : memref<2x32x512xf32, #tpu.memory_space<vmem>>, vector<1x1x16xf32>,
        %add3A_536 = arith.constant 0 : i32
        %add3A_537 = arith.addi %mul3A_261, %add3A_536 : i32
        %get3A_538 = arith.constant 0 : i32
        %get3A_539 = arith.constant 21 : i32
        %get3A_540 = arith.index_cast %get3A_538 : i32 to index
        %get3A_541 = arith.index_cast %get3A_539 : i32 to index
        %get3A_542 = arith.index_cast %add3A_537 : i32 to index
        %get3A_543 = tpu.vector_load %arg6[%get3A_540, %get3A_541, %get3A_542] {strides = array<i32>} : memref<2x32x512xf32, #tpu.memory_space<vmem>>, vector<1x1x16xf32>,
        %get3A_544 = vector.shape_cast %get3A_543 : vector<1x1x16xf32> to vector<16xf32>
        %get3A_545 = arith.constant 0 : i32
        %get3A_546 = arith.constant 21 : i32
        %get3A_547 = arith.index_cast %get3A_545 : i32 to index
        %get3A_548 = arith.index_cast %get3A_546 : i32 to index
        %get3A_549 = arith.index_cast %add3A_537 : i32 to index
        %get3A_550 = tpu.vector_load %arg7[%get3A_547, %get3A_548, %get3A_549] {strides = array<i32>} : memref<2x32x512xf32, #tpu.memory_space<vmem>>, vector<1x1x16xf32>,
        %get3A_551 = vector.shape_cast %get3A_550 : vector<1x1x16xf32> to vector<16xf32>
        %sub3A_552 = arith.subf %get3A_551, %add3A_527 : vector<16xf32>
        %mul3A_553 = arith.mulf %get3A_544, %sub3A_552 : vector<16xf32>
        %add3A_554 = arith.addf %add3A_527, %mul3A_553 : vector<16xf32>
        %swap3A_555 = arith.constant 0 : i32
        %swap3A_556 = arith.constant 21 : i32
        %swap3A_557 = arith.index_cast %swap3A_555 : i32 to index
        %swap3A_558 = arith.index_cast %swap3A_556 : i32 to index
        %swap3A_559 = arith.index_cast %add3A_537 : i32 to index
        %swap3A_560 = tpu.vector_load %arg8[%swap3A_557, %swap3A_558, %swap3A_559] {strides = array<i32>} : memref<2x32x512xf32, #tpu.memory_space<vmem>>, vector<1x1x16xf32>,
        %swap3A_561 = vector.shape_cast %swap3A_560 : vector<1x1x16xf32> to vector<16xf32>
        %swap3A_562 = vector.shape_cast %add3A_554 : vector<16xf32> to vector<1x1x16xf32>
        tpu.vector_store %arg8[%swap3A_557, %swap3A_558, %swap3A_559], %swap3A_562 {strides = array<i32>} : memref<2x32x512xf32, #tpu.memory_space<vmem>>, vector<1x1x16xf32>,
        %add3A_563 = arith.constant 0 : i32
        %add3A_564 = arith.addi %mul3A_261, %add3A_563 : i32
        %get3A_565 = arith.constant 0 : i32
        %get3A_566 = arith.constant 20 : i32
        %get3A_567 = arith.index_cast %get3A_565 : i32 to index
        %get3A_568 = arith.index_cast %get3A_566 : i32 to index
        %get3A_569 = arith.index_cast %add3A_564 : i32 to index
        %get3A_570 = tpu.vector_load %arg6[%get3A_567, %get3A_568, %get3A_569] {strides = array<i32>} : memref<2x32x512xf32, #tpu.memory_space<vmem>>, vector<1x1x16xf32>,
        %get3A_571 = vector.shape_cast %get3A_570 : vector<1x1x16xf32> to vector<16xf32>
        %get3A_572 = arith.constant 0 : i32
        %get3A_573 = arith.constant 20 : i32
        %get3A_574 = arith.index_cast %get3A_572 : i32 to index
        %get3A_575 = arith.index_cast %get3A_573 : i32 to index
        %get3A_576 = arith.index_cast %add3A_564 : i32 to index
        %get3A_577 = tpu.vector_load %arg7[%get3A_574, %get3A_575, %get3A_576] {strides = array<i32>} : memref<2x32x512xf32, #tpu.memory_space<vmem>>, vector<1x1x16xf32>,
        %get3A_578 = vector.shape_cast %get3A_577 : vector<1x1x16xf32> to vector<16xf32>
        %sub3A_579 = arith.subf %get3A_578, %add3A_554 : vector<16xf32>
        %mul3A_580 = arith.mulf %get3A_571, %sub3A_579 : vector<16xf32>
        %add3A_581 = arith.addf %add3A_554, %mul3A_580 : vector<16xf32>
        %swap3A_582 = arith.constant 0 : i32
        %swap3A_583 = arith.constant 20 : i32
        %swap3A_584 = arith.index_cast %swap3A_582 : i32 to index
        %swap3A_585 = arith.index_cast %swap3A_583 : i32 to index
        %swap3A_586 = arith.index_cast %add3A_564 : i32 to index
        %swap3A_587 = tpu.vector_load %arg8[%swap3A_584, %swap3A_585, %swap3A_586] {strides = array<i32>} : memref<2x32x512xf32, #tpu.memory_space<vmem>>, vector<1x1x16xf32>,
        %swap3A_588 = vector.shape_cast %swap3A_587 : vector<1x1x16xf32> to vector<16xf32>
        %swap3A_589 = vector.shape_cast %add3A_581 : vector<16xf32> to vector<1x1x16xf32>
        tpu.vector_store %arg8[%swap3A_584, %swap3A_585, %swap3A_586], %swap3A_589 {strides = array<i32>} : memref<2x32x512xf32, #tpu.memory_space<vmem>>, vector<1x1x16xf32>,
        %add3A_590 = arith.constant 0 : i32
        %add3A_591 = arith.addi %mul3A_261, %add3A_590 : i32
        %get3A_592 = arith.constant 0 : i32
        %get3A_593 = arith.constant 19 : i32
        %get3A_594 = arith.index_cast %get3A_592 : i32 to index
        %get3A_595 = arith.index_cast %get3A_593 : i32 to index
        %get3A_596 = arith.index_cast %add3A_591 : i32 to index
        %get3A_597 = tpu.vector_load %arg6[%get3A_594, %get3A_595, %get3A_596] {strides = array<i32>} : memref<2x32x512xf32, #tpu.memory_space<vmem>>, vector<1x1x16xf32>,
        %get3A_598 = vector.shape_cast %get3A_597 : vector<1x1x16xf32> to vector<16xf32>
        %get3A_599 = arith.constant 0 : i32
        %get3A_600 = arith.constant 19 : i32
        %get3A_601 = arith.index_cast %get3A_599 : i32 to index
        %get3A_602 = arith.index_cast %get3A_600 : i32 to index
        %get3A_603 = arith.index_cast %add3A_591 : i32 to index
        %get3A_604 = tpu.vector_load %arg7[%get3A_601, %get3A_602, %get3A_603] {strides = array<i32>} : memref<2x32x512xf32, #tpu.memory_space<vmem>>, vector<1x1x16xf32>,
        %get3A_605 = vector.shape_cast %get3A_604 : vector<1x1x16xf32> to vector<16xf32>
        %sub3A_606 = arith.subf %get3A_605, %add3A_581 : vector<16xf32>
        %mul3A_607 = arith.mulf %get3A_598, %sub3A_606 : vector<16xf32>
        %add3A_608 = arith.addf %add3A_581, %mul3A_607 : vector<16xf32>
        %swap3A_609 = arith.constant 0 : i32
        %swap3A_610 = arith.constant 19 : i32
        %swap3A_611 = arith.index_cast %swap3A_609 : i32 to index
        %swap3A_612 = arith.index_cast %swap3A_610 : i32 to index
        %swap3A_613 = arith.index_cast %add3A_591 : i32 to index
        %swap3A_614 = tpu.vector_load %arg8[%swap3A_611, %swap3A_612, %swap3A_613] {strides = array<i32>} : memref<2x32x512xf32, #tpu.memory_space<vmem>>, vector<1x1x16xf32>,
        %swap3A_615 = vector.shape_cast %swap3A_614 : vector<1x1x16xf32> to vector<16xf32>
        %swap3A_616 = vector.shape_cast %add3A_608 : vector<16xf32> to vector<1x1x16xf32>
        tpu.vector_store %arg8[%swap3A_611, %swap3A_612, %swap3A_613], %swap3A_616 {strides = array<i32>} : memref<2x32x512xf32, #tpu.memory_space<vmem>>, vector<1x1x16xf32>,
        %add3A_617 = arith.constant 0 : i32
        %add3A_618 = arith.addi %mul3A_261, %add3A_617 : i32
        %get3A_619 = arith.constant 0 : i32
        %get3A_620 = arith.constant 18 : i32
        %get3A_621 = arith.index_cast %get3A_619 : i32 to index
        %get3A_622 = arith.index_cast %get3A_620 : i32 to index
        %get3A_623 = arith.index_cast %add3A_618 : i32 to index
        %get3A_624 = tpu.vector_load %arg6[%get3A_621, %get3A_622, %get3A_623] {strides = array<i32>} : memref<2x32x512xf32, #tpu.memory_space<vmem>>, vector<1x1x16xf32>,
        %get3A_625 = vector.shape_cast %get3A_624 : vector<1x1x16xf32> to vector<16xf32>
        %get3A_626 = arith.constant 0 : i32
        %get3A_627 = arith.constant 18 : i32
        %get3A_628 = arith.index_cast %get3A_626 : i32 to index
        %get3A_629 = arith.index_cast %get3A_627 : i32 to index
        %get3A_630 = arith.index_cast %add3A_618 : i32 to index
        %get3A_631 = tpu.vector_load %arg7[%get3A_628, %get3A_629, %get3A_630] {strides = array<i32>} : memref<2x32x512xf32, #tpu.memory_space<vmem>>, vector<1x1x16xf32>,
        %get3A_632 = vector.shape_cast %get3A_631 : vector<1x1x16xf32> to vector<16xf32>
        %sub3A_633 = arith.subf %get3A_632, %add3A_608 : vector<16xf32>
        %mul3A_634 = arith.mulf %get3A_625, %sub3A_633 : vector<16xf32>
        %add3A_635 = arith.addf %add3A_608, %mul3A_634 : vector<16xf32>
        %swap3A_636 = arith.constant 0 : i32
        %swap3A_637 = arith.constant 18 : i32
        %swap3A_638 = arith.index_cast %swap3A_636 : i32 to index
        %swap3A_639 = arith.index_cast %swap3A_637 : i32 to index
        %swap3A_640 = arith.index_cast %add3A_618 : i32 to index
        %swap3A_641 = tpu.vector_load %arg8[%swap3A_638, %swap3A_639, %swap3A_640] {strides = array<i32>} : memref<2x32x512xf32, #tpu.memory_space<vmem>>, vector<1x1x16xf32>,
        %swap3A_642 = vector.shape_cast %swap3A_641 : vector<1x1x16xf32> to vector<16xf32>
        %swap3A_643 = vector.shape_cast %add3A_635 : vector<16xf32> to vector<1x1x16xf32>
        tpu.vector_store %arg8[%swap3A_638, %swap3A_639, %swap3A_640], %swap3A_643 {strides = array<i32>} : memref<2x32x512xf32, #tpu.memory_space<vmem>>, vector<1x1x16xf32>,
        %add3A_644 = arith.constant 0 : i32
        %add3A_645 = arith.addi %mul3A_261, %add3A_644 : i32
        %get3A_646 = arith.constant 0 : i32
        %get3A_647 = arith.constant 17 : i32
        %get3A_648 = arith.index_cast %get3A_646 : i32 to index
        %get3A_649 = arith.index_cast %get3A_647 : i32 to index
        %get3A_650 = arith.index_cast %add3A_645 : i32 to index
        %get3A_651 = tpu.vector_load %arg6[%get3A_648, %get3A_649, %get3A_650] {strides = array<i32>} : memref<2x32x512xf32, #tpu.memory_space<vmem>>, vector<1x1x16xf32>,
        %get3A_652 = vector.shape_cast %get3A_651 : vector<1x1x16xf32> to vector<16xf32>
        %get3A_653 = arith.constant 0 : i32
        %get3A_654 = arith.constant 17 : i32
        %get3A_655 = arith.index_cast %get3A_653 : i32 to index
        %get3A_656 = arith.index_cast %get3A_654 : i32 to index
        %get3A_657 = arith.index_cast %add3A_645 : i32 to index
        %get3A_658 = tpu.vector_load %arg7[%get3A_655, %get3A_656, %get3A_657] {strides = array<i32>} : memref<2x32x512xf32, #tpu.memory_space<vmem>>, vector<1x1x16xf32>,
        %get3A_659 = vector.shape_cast %get3A_658 : vector<1x1x16xf32> to vector<16xf32>
        %sub3A_660 = arith.subf %get3A_659, %add3A_635 : vector<16xf32>
        %mul3A_661 = arith.mulf %get3A_652, %sub3A_660 : vector<16xf32>
        %add3A_662 = arith.addf %add3A_635, %mul3A_661 : vector<16xf32>
        %swap3A_663 = arith.constant 0 : i32
        %swap3A_664 = arith.constant 17 : i32
        %swap3A_665 = arith.index_cast %swap3A_663 : i32 to index
        %swap3A_666 = arith.index_cast %swap3A_664 : i32 to index
        %swap3A_667 = arith.index_cast %add3A_645 : i32 to index
        %swap3A_668 = tpu.vector_load %arg8[%swap3A_665, %swap3A_666, %swap3A_667] {strides = array<i32>} : memref<2x32x512xf32, #tpu.memory_space<vmem>>, vector<1x1x16xf32>,
        %swap3A_669 = vector.shape_cast %swap3A_668 : vector<1x1x16xf32> to vector<16xf32>
        %swap3A_670 = vector.shape_cast %add3A_662 : vector<16xf32> to vector<1x1x16xf32>
        tpu.vector_store %arg8[%swap3A_665, %swap3A_666, %swap3A_667], %swap3A_670 {strides = array<i32>} : memref<2x32x512xf32, #tpu.memory_space<vmem>>, vector<1x1x16xf32>,
        %add3A_671 = arith.constant 0 : i32
        %add3A_672 = arith.addi %mul3A_261, %add3A_671 : i32
        %get3A_673 = arith.constant 0 : i32
        %get3A_674 = arith.constant 16 : i32
        %get3A_675 = arith.index_cast %get3A_673 : i32 to index
        %get3A_676 = arith.index_cast %get3A_674 : i32 to index
        %get3A_677 = arith.index_cast %add3A_672 : i32 to index
        %get3A_678 = tpu.vector_load %arg6[%get3A_675, %get3A_676, %get3A_677] {strides = array<i32>} : memref<2x32x512xf32, #tpu.memory_space<vmem>>, vector<1x1x16xf32>,
        %get3A_679 = vector.shape_cast %get3A_678 : vector<1x1x16xf32> to vector<16xf32>
        %get3A_680 = arith.constant 0 : i32
        %get3A_681 = arith.constant 16 : i32
        %get3A_682 = arith.index_cast %get3A_680 : i32 to index
        %get3A_683 = arith.index_cast %get3A_681 : i32 to index
        %get3A_684 = arith.index_cast %add3A_672 : i32 to index
        %get3A_685 = tpu.vector_load %arg7[%get3A_682, %get3A_683, %get3A_684] {strides = array<i32>} : memref<2x32x512xf32, #tpu.memory_space<vmem>>, vector<1x1x16xf32>,
        %get3A_686 = vector.shape_cast %get3A_685 : vector<1x1x16xf32> to vector<16xf32>
        %sub3A_687 = arith.subf %get3A_686, %add3A_662 : vector<16xf32>
        %mul3A_688 = arith.mulf %get3A_679, %sub3A_687 : vector<16xf32>
        %add3A_689 = arith.addf %add3A_662, %mul3A_688 : vector<16xf32>
        %swap3A_690 = arith.constant 0 : i32
        %swap3A_691 = arith.constant 16 : i32
        %swap3A_692 = arith.index_cast %swap3A_690 : i32 to index
        %swap3A_693 = arith.index_cast %swap3A_691 : i32 to index
        %swap3A_694 = arith.index_cast %add3A_672 : i32 to index
        %swap3A_695 = tpu.vector_load %arg8[%swap3A_692, %swap3A_693, %swap3A_694] {strides = array<i32>} : memref<2x32x512xf32, #tpu.memory_space<vmem>>, vector<1x1x16xf32>,
        %swap3A_696 = vector.shape_cast %swap3A_695 : vector<1x1x16xf32> to vector<16xf32>
        %swap3A_697 = vector.shape_cast %add3A_689 : vector<16xf32> to vector<1x1x16xf32>
        tpu.vector_store %arg8[%swap3A_692, %swap3A_693, %swap3A_694], %swap3A_697 {strides = array<i32>} : memref<2x32x512xf32, #tpu.memory_space<vmem>>, vector<1x1x16xf32>,
        %add3A_698 = arith.constant 0 : i32
        %add3A_699 = arith.addi %mul3A_261, %add3A_698 : i32
        %get3A_700 = arith.constant 0 : i32
        %get3A_701 = arith.constant 15 : i32
        %get3A_702 = arith.index_cast %get3A_700 : i32 to index
        %get3A_703 = arith.index_cast %get3A_701 : i32 to index
        %get3A_704 = arith.index_cast %add3A_699 : i32 to index
        %get3A_705 = tpu.vector_load %arg6[%get3A_702, %get3A_703, %get3A_704] {strides = array<i32>} : memref<2x32x512xf32, #tpu.memory_space<vmem>>, vector<1x1x16xf32>,
        %get3A_706 = vector.shape_cast %get3A_705 : vector<1x1x16xf32> to vector<16xf32>
        %get3A_707 = arith.constant 0 : i32
        %get3A_708 = arith.constant 15 : i32
        %get3A_709 = arith.index_cast %get3A_707 : i32 to index
        %get3A_710 = arith.index_cast %get3A_708 : i32 to index
        %get3A_711 = arith.index_cast %add3A_699 : i32 to index
        %get3A_712 = tpu.vector_load %arg7[%get3A_709, %get3A_710, %get3A_711] {strides = array<i32>} : memref<2x32x512xf32, #tpu.memory_space<vmem>>, vector<1x1x16xf32>,
        %get3A_713 = vector.shape_cast %get3A_712 : vector<1x1x16xf32> to vector<16xf32>
        %sub3A_714 = arith.subf %get3A_713, %add3A_689 : vector<16xf32>
        %mul3A_715 = arith.mulf %get3A_706, %sub3A_714 : vector<16xf32>
        %add3A_716 = arith.addf %add3A_689, %mul3A_715 : vector<16xf32>
        %swap3A_717 = arith.constant 0 : i32
        %swap3A_718 = arith.constant 15 : i32
        %swap3A_719 = arith.index_cast %swap3A_717 : i32 to index
        %swap3A_720 = arith.index_cast %swap3A_718 : i32 to index
        %swap3A_721 = arith.index_cast %add3A_699 : i32 to index
        %swap3A_722 = tpu.vector_load %arg8[%swap3A_719, %swap3A_720, %swap3A_721] {strides = array<i32>} : memref<2x32x512xf32, #tpu.memory_space<vmem>>, vector<1x1x16xf32>,
        %swap3A_723 = vector.shape_cast %swap3A_722 : vector<1x1x16xf32> to vector<16xf32>
        %swap3A_724 = vector.shape_cast %add3A_716 : vector<16xf32> to vector<1x1x16xf32>
        tpu.vector_store %arg8[%swap3A_719, %swap3A_720, %swap3A_721], %swap3A_724 {strides = array<i32>} : memref<2x32x512xf32, #tpu.memory_space<vmem>>, vector<1x1x16xf32>,
        %add3A_725 = arith.constant 0 : i32
        %add3A_726 = arith.addi %mul3A_261, %add3A_725 : i32
        %get3A_727 = arith.constant 0 : i32
        %get3A_728 = arith.constant 14 : i32
        %get3A_729 = arith.index_cast %get3A_727 : i32 to index
        %get3A_730 = arith.index_cast %get3A_728 : i32 to index
        %get3A_731 = arith.index_cast %add3A_726 : i32 to index
        %get3A_732 = tpu.vector_load %arg6[%get3A_729, %get3A_730, %get3A_731] {strides = array<i32>} : memref<2x32x512xf32, #tpu.memory_space<vmem>>, vector<1x1x16xf32>,
        %get3A_733 = vector.shape_cast %get3A_732 : vector<1x1x16xf32> to vector<16xf32>
        %get3A_734 = arith.constant 0 : i32
        %get3A_735 = arith.constant 14 : i32
        %get3A_736 = arith.index_cast %get3A_734 : i32 to index
        %get3A_737 = arith.index_cast %get3A_735 : i32 to index
        %get3A_738 = arith.index_cast %add3A_726 : i32 to index
        %get3A_739 = tpu.vector_load %arg7[%get3A_736, %get3A_737, %get3A_738] {strides = array<i32>} : memref<2x32x512xf32, #tpu.memory_space<vmem>>, vector<1x1x16xf32>,
        %get3A_740 = vector.shape_cast %get3A_739 : vector<1x1x16xf32> to vector<16xf32>
        %sub3A_741 = arith.subf %get3A_740, %add3A_716 : vector<16xf32>
        %mul3A_742 = arith.mulf %get3A_733, %sub3A_741 : vector<16xf32>
        %add3A_743 = arith.addf %add3A_716, %mul3A_742 : vector<16xf32>
        %swap3A_744 = arith.constant 0 : i32
        %swap3A_745 = arith.constant 14 : i32
        %swap3A_746 = arith.index_cast %swap3A_744 : i32 to index
        %swap3A_747 = arith.index_cast %swap3A_745 : i32 to index
        %swap3A_748 = arith.index_cast %add3A_726 : i32 to index
        %swap3A_749 = tpu.vector_load %arg8[%swap3A_746, %swap3A_747, %swap3A_748] {strides = array<i32>} : memref<2x32x512xf32, #tpu.memory_space<vmem>>, vector<1x1x16xf32>,
        %swap3A_750 = vector.shape_cast %swap3A_749 : vector<1x1x16xf32> to vector<16xf32>
        %swap3A_751 = vector.shape_cast %add3A_743 : vector<16xf32> to vector<1x1x16xf32>
        tpu.vector_store %arg8[%swap3A_746, %swap3A_747, %swap3A_748], %swap3A_751 {strides = array<i32>} : memref<2x32x512xf32, #tpu.memory_space<vmem>>, vector<1x1x16xf32>,
        %add3A_752 = arith.constant 0 : i32
        %add3A_753 = arith.addi %mul3A_261, %add3A_752 : i32
        %get3A_754 = arith.constant 0 : i32
        %get3A_755 = arith.constant 13 : i32
        %get3A_756 = arith.index_cast %get3A_754 : i32 to index
        %get3A_757 = arith.index_cast %get3A_755 : i32 to index
        %get3A_758 = arith.index_cast %add3A_753 : i32 to index
        %get3A_759 = tpu.vector_load %arg6[%get3A_756, %get3A_757, %get3A_758] {strides = array<i32>} : memref<2x32x512xf32, #tpu.memory_space<vmem>>, vector<1x1x16xf32>,
        %get3A_760 = vector.shape_cast %get3A_759 : vector<1x1x16xf32> to vector<16xf32>
        %get3A_761 = arith.constant 0 : i32
        %get3A_762 = arith.constant 13 : i32
        %get3A_763 = arith.index_cast %get3A_761 : i32 to index
        %get3A_764 = arith.index_cast %get3A_762 : i32 to index
        %get3A_765 = arith.index_cast %add3A_753 : i32 to index
        %get3A_766 = tpu.vector_load %arg7[%get3A_763, %get3A_764, %get3A_765] {strides = array<i32>} : memref<2x32x512xf32, #tpu.memory_space<vmem>>, vector<1x1x16xf32>,
        %get3A_767 = vector.shape_cast %get3A_766 : vector<1x1x16xf32> to vector<16xf32>
        %sub3A_768 = arith.subf %get3A_767, %add3A_743 : vector<16xf32>
        %mul3A_769 = arith.mulf %get3A_760, %sub3A_768 : vector<16xf32>
        %add3A_770 = arith.addf %add3A_743, %mul3A_769 : vector<16xf32>
        %swap3A_771 = arith.constant 0 : i32
        %swap3A_772 = arith.constant 13 : i32
        %swap3A_773 = arith.index_cast %swap3A_771 : i32 to index
        %swap3A_774 = arith.index_cast %swap3A_772 : i32 to index
        %swap3A_775 = arith.index_cast %add3A_753 : i32 to index
        %swap3A_776 = tpu.vector_load %arg8[%swap3A_773, %swap3A_774, %swap3A_775] {strides = array<i32>} : memref<2x32x512xf32, #tpu.memory_space<vmem>>, vector<1x1x16xf32>,
        %swap3A_777 = vector.shape_cast %swap3A_776 : vector<1x1x16xf32> to vector<16xf32>
        %swap3A_778 = vector.shape_cast %add3A_770 : vector<16xf32> to vector<1x1x16xf32>
        tpu.vector_store %arg8[%swap3A_773, %swap3A_774, %swap3A_775], %swap3A_778 {strides = array<i32>} : memref<2x32x512xf32, #tpu.memory_space<vmem>>, vector<1x1x16xf32>,
        %add3A_779 = arith.constant 0 : i32
        %add3A_780 = arith.addi %mul3A_261, %add3A_779 : i32
        %get3A_781 = arith.constant 0 : i32
        %get3A_782 = arith.constant 12 : i32
        %get3A_783 = arith.index_cast %get3A_781 : i32 to index
        %get3A_784 = arith.index_cast %get3A_782 : i32 to index
        %get3A_785 = arith.index_cast %add3A_780 : i32 to index
        %get3A_786 = tpu.vector_load %arg6[%get3A_783, %get3A_784, %get3A_785] {strides = array<i32>} : memref<2x32x512xf32, #tpu.memory_space<vmem>>, vector<1x1x16xf32>,
        %get3A_787 = vector.shape_cast %get3A_786 : vector<1x1x16xf32> to vector<16xf32>
        %get3A_788 = arith.constant 0 : i32
        %get3A_789 = arith.constant 12 : i32
        %get3A_790 = arith.index_cast %get3A_788 : i32 to index
        %get3A_791 = arith.index_cast %get3A_789 : i32 to index
        %get3A_792 = arith.index_cast %add3A_780 : i32 to index
        %get3A_793 = tpu.vector_load %arg7[%get3A_790, %get3A_791, %get3A_792] {strides = array<i32>} : memref<2x32x512xf32, #tpu.memory_space<vmem>>, vector<1x1x16xf32>,
        %get3A_794 = vector.shape_cast %get3A_793 : vector<1x1x16xf32> to vector<16xf32>
        %sub3A_795 = arith.subf %get3A_794, %add3A_770 : vector<16xf32>
        %mul3A_796 = arith.mulf %get3A_787, %sub3A_795 : vector<16xf32>
        %add3A_797 = arith.addf %add3A_770, %mul3A_796 : vector<16xf32>
        %swap3A_798 = arith.constant 0 : i32
        %swap3A_799 = arith.constant 12 : i32
        %swap3A_800 = arith.index_cast %swap3A_798 : i32 to index
        %swap3A_801 = arith.index_cast %swap3A_799 : i32 to index
        %swap3A_802 = arith.index_cast %add3A_780 : i32 to index
        %swap3A_803 = tpu.vector_load %arg8[%swap3A_800, %swap3A_801, %swap3A_802] {strides = array<i32>} : memref<2x32x512xf32, #tpu.memory_space<vmem>>, vector<1x1x16xf32>,
        %swap3A_804 = vector.shape_cast %swap3A_803 : vector<1x1x16xf32> to vector<16xf32>
        %swap3A_805 = vector.shape_cast %add3A_797 : vector<16xf32> to vector<1x1x16xf32>
        tpu.vector_store %arg8[%swap3A_800, %swap3A_801, %swap3A_802], %swap3A_805 {strides = array<i32>} : memref<2x32x512xf32, #tpu.memory_space<vmem>>, vector<1x1x16xf32>,
        %add3A_806 = arith.constant 0 : i32
        %add3A_807 = arith.addi %mul3A_261, %add3A_806 : i32
        %get3A_808 = arith.constant 0 : i32
        %get3A_809 = arith.constant 11 : i32
        %get3A_810 = arith.index_cast %get3A_808 : i32 to index
        %get3A_811 = arith.index_cast %get3A_809 : i32 to index
        %get3A_812 = arith.index_cast %add3A_807 : i32 to index
        %get3A_813 = tpu.vector_load %arg6[%get3A_810, %get3A_811, %get3A_812] {strides = array<i32>} : memref<2x32x512xf32, #tpu.memory_space<vmem>>, vector<1x1x16xf32>,
        %get3A_814 = vector.shape_cast %get3A_813 : vector<1x1x16xf32> to vector<16xf32>
        %get3A_815 = arith.constant 0 : i32
        %get3A_816 = arith.constant 11 : i32
        %get3A_817 = arith.index_cast %get3A_815 : i32 to index
        %get3A_818 = arith.index_cast %get3A_816 : i32 to index
        %get3A_819 = arith.index_cast %add3A_807 : i32 to index
        %get3A_820 = tpu.vector_load %arg7[%get3A_817, %get3A_818, %get3A_819] {strides = array<i32>} : memref<2x32x512xf32, #tpu.memory_space<vmem>>, vector<1x1x16xf32>,
        %get3A_821 = vector.shape_cast %get3A_820 : vector<1x1x16xf32> to vector<16xf32>
        %sub3A_822 = arith.subf %get3A_821, %add3A_797 : vector<16xf32>
        %mul3A_823 = arith.mulf %get3A_814, %sub3A_822 : vector<16xf32>
        %add3A_824 = arith.addf %add3A_797, %mul3A_823 : vector<16xf32>
        %swap3A_825 = arith.constant 0 : i32
        %swap3A_826 = arith.constant 11 : i32
        %swap3A_827 = arith.index_cast %swap3A_825 : i32 to index
        %swap3A_828 = arith.index_cast %swap3A_826 : i32 to index
        %swap3A_829 = arith.index_cast %add3A_807 : i32 to index
        %swap3A_830 = tpu.vector_load %arg8[%swap3A_827, %swap3A_828, %swap3A_829] {strides = array<i32>} : memref<2x32x512xf32, #tpu.memory_space<vmem>>, vector<1x1x16xf32>,
        %swap3A_831 = vector.shape_cast %swap3A_830 : vector<1x1x16xf32> to vector<16xf32>
        %swap3A_832 = vector.shape_cast %add3A_824 : vector<16xf32> to vector<1x1x16xf32>
        tpu.vector_store %arg8[%swap3A_827, %swap3A_828, %swap3A_829], %swap3A_832 {strides = array<i32>} : memref<2x32x512xf32, #tpu.memory_space<vmem>>, vector<1x1x16xf32>,
        %add3A_833 = arith.constant 0 : i32
        %add3A_834 = arith.addi %mul3A_261, %add3A_833 : i32
        %get3A_835 = arith.constant 0 : i32
        %get3A_836 = arith.constant 10 : i32
        %get3A_837 = arith.index_cast %get3A_835 : i32 to index
        %get3A_838 = arith.index_cast %get3A_836 : i32 to index
        %get3A_839 = arith.index_cast %add3A_834 : i32 to index
        %get3A_840 = tpu.vector_load %arg6[%get3A_837, %get3A_838, %get3A_839] {strides = array<i32>} : memref<2x32x512xf32, #tpu.memory_space<vmem>>, vector<1x1x16xf32>,
        %get3A_841 = vector.shape_cast %get3A_840 : vector<1x1x16xf32> to vector<16xf32>
        %get3A_842 = arith.constant 0 : i32
        %get3A_843 = arith.constant 10 : i32
        %get3A_844 = arith.index_cast %get3A_842 : i32 to index
        %get3A_845 = arith.index_cast %get3A_843 : i32 to index
        %get3A_846 = arith.index_cast %add3A_834 : i32 to index
        %get3A_847 = tpu.vector_load %arg7[%get3A_844, %get3A_845, %get3A_846] {strides = array<i32>} : memref<2x32x512xf32, #tpu.memory_space<vmem>>, vector<1x1x16xf32>,
        %get3A_848 = vector.shape_cast %get3A_847 : vector<1x1x16xf32> to vector<16xf32>
        %sub3A_849 = arith.subf %get3A_848, %add3A_824 : vector<16xf32>
        %mul3A_850 = arith.mulf %get3A_841, %sub3A_849 : vector<16xf32>
        %add3A_851 = arith.addf %add3A_824, %mul3A_850 : vector<16xf32>
        %swap3A_852 = arith.constant 0 : i32
        %swap3A_853 = arith.constant 10 : i32
        %swap3A_854 = arith.index_cast %swap3A_852 : i32 to index
        %swap3A_855 = arith.index_cast %swap3A_853 : i32 to index
        %swap3A_856 = arith.index_cast %add3A_834 : i32 to index
        %swap3A_857 = tpu.vector_load %arg8[%swap3A_854, %swap3A_855, %swap3A_856] {strides = array<i32>} : memref<2x32x512xf32, #tpu.memory_space<vmem>>, vector<1x1x16xf32>,
        %swap3A_858 = vector.shape_cast %swap3A_857 : vector<1x1x16xf32> to vector<16xf32>
        %swap3A_859 = vector.shape_cast %add3A_851 : vector<16xf32> to vector<1x1x16xf32>
        tpu.vector_store %arg8[%swap3A_854, %swap3A_855, %swap3A_856], %swap3A_859 {strides = array<i32>} : memref<2x32x512xf32, #tpu.memory_space<vmem>>, vector<1x1x16xf32>,
        %add3A_860 = arith.constant 0 : i32
        %add3A_861 = arith.addi %mul3A_261, %add3A_860 : i32
        %get3A_862 = arith.constant 0 : i32
        %get3A_863 = arith.constant 9 : i32
        %get3A_864 = arith.index_cast %get3A_862 : i32 to index
        %get3A_865 = arith.index_cast %get3A_863 : i32 to index
        %get3A_866 = arith.index_cast %add3A_861 : i32 to index
        %get3A_867 = tpu.vector_load %arg6[%get3A_864, %get3A_865, %get3A_866] {strides = array<i32>} : memref<2x32x512xf32, #tpu.memory_space<vmem>>, vector<1x1x16xf32>,
        %get3A_868 = vector.shape_cast %get3A_867 : vector<1x1x16xf32> to vector<16xf32>
        %get3A_869 = arith.constant 0 : i32
        %get3A_870 = arith.constant 9 : i32
        %get3A_871 = arith.index_cast %get3A_869 : i32 to index
        %get3A_872 = arith.index_cast %get3A_870 : i32 to index
        %get3A_873 = arith.index_cast %add3A_861 : i32 to index
        %get3A_874 = tpu.vector_load %arg7[%get3A_871, %get3A_872, %get3A_873] {strides = array<i32>} : memref<2x32x512xf32, #tpu.memory_space<vmem>>, vector<1x1x16xf32>,
        %get3A_875 = vector.shape_cast %get3A_874 : vector<1x1x16xf32> to vector<16xf32>
        %sub3A_876 = arith.subf %get3A_875, %add3A_851 : vector<16xf32>
        %mul3A_877 = arith.mulf %get3A_868, %sub3A_876 : vector<16xf32>
        %add3A_878 = arith.addf %add3A_851, %mul3A_877 : vector<16xf32>
        %swap3A_879 = arith.constant 0 : i32
        %swap3A_880 = arith.constant 9 : i32
        %swap3A_881 = arith.index_cast %swap3A_879 : i32 to index
        %swap3A_882 = arith.index_cast %swap3A_880 : i32 to index
        %swap3A_883 = arith.index_cast %add3A_861 : i32 to index
        %swap3A_884 = tpu.vector_load %arg8[%swap3A_881, %swap3A_882, %swap3A_883] {strides = array<i32>} : memref<2x32x512xf32, #tpu.memory_space<vmem>>, vector<1x1x16xf32>,
        %swap3A_885 = vector.shape_cast %swap3A_884 : vector<1x1x16xf32> to vector<16xf32>
        %swap3A_886 = vector.shape_cast %add3A_878 : vector<16xf32> to vector<1x1x16xf32>
        tpu.vector_store %arg8[%swap3A_881, %swap3A_882, %swap3A_883], %swap3A_886 {strides = array<i32>} : memref<2x32x512xf32, #tpu.memory_space<vmem>>, vector<1x1x16xf32>,
        %add3A_887 = arith.constant 0 : i32
        %add3A_888 = arith.addi %mul3A_261, %add3A_887 : i32
        %get3A_889 = arith.constant 0 : i32
        %get3A_890 = arith.constant 8 : i32
        %get3A_891 = arith.index_cast %get3A_889 : i32 to index
        %get3A_892 = arith.index_cast %get3A_890 : i32 to index
        %get3A_893 = arith.index_cast %add3A_888 : i32 to index
        %get3A_894 = tpu.vector_load %arg6[%get3A_891, %get3A_892, %get3A_893] {strides = array<i32>} : memref<2x32x512xf32, #tpu.memory_space<vmem>>, vector<1x1x16xf32>,
        %get3A_895 = vector.shape_cast %get3A_894 : vector<1x1x16xf32> to vector<16xf32>
        %get3A_896 = arith.constant 0 : i32
        %get3A_897 = arith.constant 8 : i32
        %get3A_898 = arith.index_cast %get3A_896 : i32 to index
        %get3A_899 = arith.index_cast %get3A_897 : i32 to index
        %get3A_900 = arith.index_cast %add3A_888 : i32 to index
        %get3A_901 = tpu.vector_load %arg7[%get3A_898, %get3A_899, %get3A_900] {strides = array<i32>} : memref<2x32x512xf32, #tpu.memory_space<vmem>>, vector<1x1x16xf32>,
        %get3A_902 = vector.shape_cast %get3A_901 : vector<1x1x16xf32> to vector<16xf32>
        %sub3A_903 = arith.subf %get3A_902, %add3A_878 : vector<16xf32>
        %mul3A_904 = arith.mulf %get3A_895, %sub3A_903 : vector<16xf32>
        %add3A_905 = arith.addf %add3A_878, %mul3A_904 : vector<16xf32>
        %swap3A_906 = arith.constant 0 : i32
        %swap3A_907 = arith.constant 8 : i32
        %swap3A_908 = arith.index_cast %swap3A_906 : i32 to index
        %swap3A_909 = arith.index_cast %swap3A_907 : i32 to index
        %swap3A_910 = arith.index_cast %add3A_888 : i32 to index
        %swap3A_911 = tpu.vector_load %arg8[%swap3A_908, %swap3A_909, %swap3A_910] {strides = array<i32>} : memref<2x32x512xf32, #tpu.memory_space<vmem>>, vector<1x1x16xf32>,
        %swap3A_912 = vector.shape_cast %swap3A_911 : vector<1x1x16xf32> to vector<16xf32>
        %swap3A_913 = vector.shape_cast %add3A_905 : vector<16xf32> to vector<1x1x16xf32>
        tpu.vector_store %arg8[%swap3A_908, %swap3A_909, %swap3A_910], %swap3A_913 {strides = array<i32>} : memref<2x32x512xf32, #tpu.memory_space<vmem>>, vector<1x1x16xf32>,
        %add3A_914 = arith.constant 0 : i32
        %add3A_915 = arith.addi %mul3A_261, %add3A_914 : i32
        %get3A_916 = arith.constant 0 : i32
        %get3A_917 = arith.constant 7 : i32
        %get3A_918 = arith.index_cast %get3A_916 : i32 to index
        %get3A_919 = arith.index_cast %get3A_917 : i32 to index
        %get3A_920 = arith.index_cast %add3A_915 : i32 to index
        %get3A_921 = tpu.vector_load %arg6[%get3A_918, %get3A_919, %get3A_920] {strides = array<i32>} : memref<2x32x512xf32, #tpu.memory_space<vmem>>, vector<1x1x16xf32>,
        %get3A_922 = vector.shape_cast %get3A_921 : vector<1x1x16xf32> to vector<16xf32>
        %get3A_923 = arith.constant 0 : i32
        %get3A_924 = arith.constant 7 : i32
        %get3A_925 = arith.index_cast %get3A_923 : i32 to index
        %get3A_926 = arith.index_cast %get3A_924 : i32 to index
        %get3A_927 = arith.index_cast %add3A_915 : i32 to index
        %get3A_928 = tpu.vector_load %arg7[%get3A_925, %get3A_926, %get3A_927] {strides = array<i32>} : memref<2x32x512xf32, #tpu.memory_space<vmem>>, vector<1x1x16xf32>,
        %get3A_929 = vector.shape_cast %get3A_928 : vector<1x1x16xf32> to vector<16xf32>
        %sub3A_930 = arith.subf %get3A_929, %add3A_905 : vector<16xf32>
        %mul3A_931 = arith.mulf %get3A_922, %sub3A_930 : vector<16xf32>
        %add3A_932 = arith.addf %add3A_905, %mul3A_931 : vector<16xf32>
        %swap3A_933 = arith.constant 0 : i32
        %swap3A_934 = arith.constant 7 : i32
        %swap3A_935 = arith.index_cast %swap3A_933 : i32 to index
        %swap3A_936 = arith.index_cast %swap3A_934 : i32 to index
        %swap3A_937 = arith.index_cast %add3A_915 : i32 to index
        %swap3A_938 = tpu.vector_load %arg8[%swap3A_935, %swap3A_936, %swap3A_937] {strides = array<i32>} : memref<2x32x512xf32, #tpu.memory_space<vmem>>, vector<1x1x16xf32>,
        %swap3A_939 = vector.shape_cast %swap3A_938 : vector<1x1x16xf32> to vector<16xf32>
        %swap3A_940 = vector.shape_cast %add3A_932 : vector<16xf32> to vector<1x1x16xf32>
        tpu.vector_store %arg8[%swap3A_935, %swap3A_936, %swap3A_937], %swap3A_940 {strides = array<i32>} : memref<2x32x512xf32, #tpu.memory_space<vmem>>, vector<1x1x16xf32>,
        %add3A_941 = arith.constant 0 : i32
        %add3A_942 = arith.addi %mul3A_261, %add3A_941 : i32
        %get3A_943 = arith.constant 0 : i32
        %get3A_944 = arith.constant 6 : i32
        %get3A_945 = arith.index_cast %get3A_943 : i32 to index
        %get3A_946 = arith.index_cast %get3A_944 : i32 to index
        %get3A_947 = arith.index_cast %add3A_942 : i32 to index
        %get3A_948 = tpu.vector_load %arg6[%get3A_945, %get3A_946, %get3A_947] {strides = array<i32>} : memref<2x32x512xf32, #tpu.memory_space<vmem>>, vector<1x1x16xf32>,
        %get3A_949 = vector.shape_cast %get3A_948 : vector<1x1x16xf32> to vector<16xf32>
        %get3A_950 = arith.constant 0 : i32
        %get3A_951 = arith.constant 6 : i32
        %get3A_952 = arith.index_cast %get3A_950 : i32 to index
        %get3A_953 = arith.index_cast %get3A_951 : i32 to index
        %get3A_954 = arith.index_cast %add3A_942 : i32 to index
        %get3A_955 = tpu.vector_load %arg7[%get3A_952, %get3A_953, %get3A_954] {strides = array<i32>} : memref<2x32x512xf32, #tpu.memory_space<vmem>>, vector<1x1x16xf32>,
        %get3A_956 = vector.shape_cast %get3A_955 : vector<1x1x16xf32> to vector<16xf32>
        %sub3A_957 = arith.subf %get3A_956, %add3A_932 : vector<16xf32>
        %mul3A_958 = arith.mulf %get3A_949, %sub3A_957 : vector<16xf32>
        %add3A_959 = arith.addf %add3A_932, %mul3A_958 : vector<16xf32>
        %swap3A_960 = arith.constant 0 : i32
        %swap3A_961 = arith.constant 6 : i32
        %swap3A_962 = arith.index_cast %swap3A_960 : i32 to index
        %swap3A_963 = arith.index_cast %swap3A_961 : i32 to index
        %swap3A_964 = arith.index_cast %add3A_942 : i32 to index
        %swap3A_965 = tpu.vector_load %arg8[%swap3A_962, %swap3A_963, %swap3A_964] {strides = array<i32>} : memref<2x32x512xf32, #tpu.memory_space<vmem>>, vector<1x1x16xf32>,
        %swap3A_966 = vector.shape_cast %swap3A_965 : vector<1x1x16xf32> to vector<16xf32>
        %swap3A_967 = vector.shape_cast %add3A_959 : vector<16xf32> to vector<1x1x16xf32>
        tpu.vector_store %arg8[%swap3A_962, %swap3A_963, %swap3A_964], %swap3A_967 {strides = array<i32>} : memref<2x32x512xf32, #tpu.memory_space<vmem>>, vector<1x1x16xf32>,
        %add3A_968 = arith.constant 0 : i32
        %add3A_969 = arith.addi %mul3A_261, %add3A_968 : i32
        %get3A_970 = arith.constant 0 : i32
        %get3A_971 = arith.constant 5 : i32
        %get3A_972 = arith.index_cast %get3A_970 : i32 to index
        %get3A_973 = arith.index_cast %get3A_971 : i32 to index
        %get3A_974 = arith.index_cast %add3A_969 : i32 to index
        %get3A_975 = tpu.vector_load %arg6[%get3A_972, %get3A_973, %get3A_974] {strides = array<i32>} : memref<2x32x512xf32, #tpu.memory_space<vmem>>, vector<1x1x16xf32>,
        %get3A_976 = vector.shape_cast %get3A_975 : vector<1x1x16xf32> to vector<16xf32>
        %get3A_977 = arith.constant 0 : i32
        %get3A_978 = arith.constant 5 : i32
        %get3A_979 = arith.index_cast %get3A_977 : i32 to index
        %get3A_980 = arith.index_cast %get3A_978 : i32 to index
        %get3A_981 = arith.index_cast %add3A_969 : i32 to index
        %get3A_982 = tpu.vector_load %arg7[%get3A_979, %get3A_980, %get3A_981] {strides = array<i32>} : memref<2x32x512xf32, #tpu.memory_space<vmem>>, vector<1x1x16xf32>,
        %get3A_983 = vector.shape_cast %get3A_982 : vector<1x1x16xf32> to vector<16xf32>
        %sub3A_984 = arith.subf %get3A_983, %add3A_959 : vector<16xf32>
        %mul3A_985 = arith.mulf %get3A_976, %sub3A_984 : vector<16xf32>
        %add3A_986 = arith.addf %add3A_959, %mul3A_985 : vector<16xf32>
        %swap3A_987 = arith.constant 0 : i32
        %swap3A_988 = arith.constant 5 : i32
        %swap3A_989 = arith.index_cast %swap3A_987 : i32 to index
        %swap3A_990 = arith.index_cast %swap3A_988 : i32 to index
        %swap3A_991 = arith.index_cast %add3A_969 : i32 to index
        %swap3A_992 = tpu.vector_load %arg8[%swap3A_989, %swap3A_990, %swap3A_991] {strides = array<i32>} : memref<2x32x512xf32, #tpu.memory_space<vmem>>, vector<1x1x16xf32>,
        %swap3A_993 = vector.shape_cast %swap3A_992 : vector<1x1x16xf32> to vector<16xf32>
        %swap3A_994 = vector.shape_cast %add3A_986 : vector<16xf32> to vector<1x1x16xf32>
        tpu.vector_store %arg8[%swap3A_989, %swap3A_990, %swap3A_991], %swap3A_994 {strides = array<i32>} : memref<2x32x512xf32, #tpu.memory_space<vmem>>, vector<1x1x16xf32>,
        %add3A_995 = arith.constant 0 : i32
        %add3A_996 = arith.addi %mul3A_261, %add3A_995 : i32
        %get3A_997 = arith.constant 0 : i32
        %get3A_998 = arith.constant 4 : i32
        %get3A_999 = arith.index_cast %get3A_997 : i32 to index
        %get3A_1000 = arith.index_cast %get3A_998 : i32 to index
        %get3A_1001 = arith.index_cast %add3A_996 : i32 to index
        %get3A_1002 = tpu.vector_load %arg6[%get3A_999, %get3A_1000, %get3A_1001] {strides = array<i32>} : memref<2x32x512xf32, #tpu.memory_space<vmem>>, vector<1x1x16xf32>,
        %get3A_1003 = vector.shape_cast %get3A_1002 : vector<1x1x16xf32> to vector<16xf32>
        %get3A_1004 = arith.constant 0 : i32
        %get3A_1005 = arith.constant 4 : i32
        %get3A_1006 = arith.index_cast %get3A_1004 : i32 to index
        %get3A_1007 = arith.index_cast %get3A_1005 : i32 to index
        %get3A_1008 = arith.index_cast %add3A_996 : i32 to index
        %get3A_1009 = tpu.vector_load %arg7[%get3A_1006, %get3A_1007, %get3A_1008] {strides = array<i32>} : memref<2x32x512xf32, #tpu.memory_space<vmem>>, vector<1x1x16xf32>,
        %get3A_1010 = vector.shape_cast %get3A_1009 : vector<1x1x16xf32> to vector<16xf32>
        %sub3A_1011 = arith.subf %get3A_1010, %add3A_986 : vector<16xf32>
        %mul3A_1012 = arith.mulf %get3A_1003, %sub3A_1011 : vector<16xf32>
        %add3A_1013 = arith.addf %add3A_986, %mul3A_1012 : vector<16xf32>
        %swap3A_1014 = arith.constant 0 : i32
        %swap3A_1015 = arith.constant 4 : i32
        %swap3A_1016 = arith.index_cast %swap3A_1014 : i32 to index
        %swap3A_1017 = arith.index_cast %swap3A_1015 : i32 to index
        %swap3A_1018 = arith.index_cast %add3A_996 : i32 to index
        %swap3A_1019 = tpu.vector_load %arg8[%swap3A_1016, %swap3A_1017, %swap3A_1018] {strides = array<i32>} : memref<2x32x512xf32, #tpu.memory_space<vmem>>, vector<1x1x16xf32>,
        %swap3A_1020 = vector.shape_cast %swap3A_1019 : vector<1x1x16xf32> to vector<16xf32>
        %swap3A_1021 = vector.shape_cast %add3A_1013 : vector<16xf32> to vector<1x1x16xf32>
        tpu.vector_store %arg8[%swap3A_1016, %swap3A_1017, %swap3A_1018], %swap3A_1021 {strides = array<i32>} : memref<2x32x512xf32, #tpu.memory_space<vmem>>, vector<1x1x16xf32>,
        %add3A_1022 = arith.constant 0 : i32
        %add3A_1023 = arith.addi %mul3A_261, %add3A_1022 : i32
        %get3A_1024 = arith.constant 0 : i32
        %get3A_1025 = arith.constant 3 : i32
        %get3A_1026 = arith.index_cast %get3A_1024 : i32 to index
        %get3A_1027 = arith.index_cast %get3A_1025 : i32 to index
        %get3A_1028 = arith.index_cast %add3A_1023 : i32 to index
        %get3A_1029 = tpu.vector_load %arg6[%get3A_1026, %get3A_1027, %get3A_1028] {strides = array<i32>} : memref<2x32x512xf32, #tpu.memory_space<vmem>>, vector<1x1x16xf32>,
        %get3A_1030 = vector.shape_cast %get3A_1029 : vector<1x1x16xf32> to vector<16xf32>
        %get3A_1031 = arith.constant 0 : i32
        %get3A_1032 = arith.constant 3 : i32
        %get3A_1033 = arith.index_cast %get3A_1031 : i32 to index
        %get3A_1034 = arith.index_cast %get3A_1032 : i32 to index
        %get3A_1035 = arith.index_cast %add3A_1023 : i32 to index
        %get3A_1036 = tpu.vector_load %arg7[%get3A_1033, %get3A_1034, %get3A_1035] {strides = array<i32>} : memref<2x32x512xf32, #tpu.memory_space<vmem>>, vector<1x1x16xf32>,
        %get3A_1037 = vector.shape_cast %get3A_1036 : vector<1x1x16xf32> to vector<16xf32>
        %sub3A_1038 = arith.subf %get3A_1037, %add3A_1013 : vector<16xf32>
        %mul3A_1039 = arith.mulf %get3A_1030, %sub3A_1038 : vector<16xf32>
        %add3A_1040 = arith.addf %add3A_1013, %mul3A_1039 : vector<16xf32>
        %swap3A_1041 = arith.constant 0 : i32
        %swap3A_1042 = arith.constant 3 : i32
        %swap3A_1043 = arith.index_cast %swap3A_1041 : i32 to index
        %swap3A_1044 = arith.index_cast %swap3A_1042 : i32 to index
        %swap3A_1045 = arith.index_cast %add3A_1023 : i32 to index
        %swap3A_1046 = tpu.vector_load %arg8[%swap3A_1043, %swap3A_1044, %swap3A_1045] {strides = array<i32>} : memref<2x32x512xf32, #tpu.memory_space<vmem>>, vector<1x1x16xf32>,
        %swap3A_1047 = vector.shape_cast %swap3A_1046 : vector<1x1x16xf32> to vector<16xf32>
        %swap3A_1048 = vector.shape_cast %add3A_1040 : vector<16xf32> to vector<1x1x16xf32>
        tpu.vector_store %arg8[%swap3A_1043, %swap3A_1044, %swap3A_1045], %swap3A_1048 {strides = array<i32>} : memref<2x32x512xf32, #tpu.memory_space<vmem>>, vector<1x1x16xf32>,
        %add3A_1049 = arith.constant 0 : i32
        %add3A_1050 = arith.addi %mul3A_261, %add3A_1049 : i32
        %get3A_1051 = arith.constant 0 : i32
        %get3A_1052 = arith.constant 2 : i32
        %get3A_1053 = arith.index_cast %get3A_1051 : i32 to index
        %get3A_1054 = arith.index_cast %get3A_1052 : i32 to index
        %get3A_1055 = arith.index_cast %add3A_1050 : i32 to index
        %get3A_1056 = tpu.vector_load %arg6[%get3A_1053, %get3A_1054, %get3A_1055] {strides = array<i32>} : memref<2x32x512xf32, #tpu.memory_space<vmem>>, vector<1x1x16xf32>,
        %get3A_1057 = vector.shape_cast %get3A_1056 : vector<1x1x16xf32> to vector<16xf32>
        %get3A_1058 = arith.constant 0 : i32
        %get3A_1059 = arith.constant 2 : i32
        %get3A_1060 = arith.index_cast %get3A_1058 : i32 to index
        %get3A_1061 = arith.index_cast %get3A_1059 : i32 to index
        %get3A_1062 = arith.index_cast %add3A_1050 : i32 to index
        %get3A_1063 = tpu.vector_load %arg7[%get3A_1060, %get3A_1061, %get3A_1062] {strides = array<i32>} : memref<2x32x512xf32, #tpu.memory_space<vmem>>, vector<1x1x16xf32>,
        %get3A_1064 = vector.shape_cast %get3A_1063 : vector<1x1x16xf32> to vector<16xf32>
        %sub3A_1065 = arith.subf %get3A_1064, %add3A_1040 : vector<16xf32>
        %mul3A_1066 = arith.mulf %get3A_1057, %sub3A_1065 : vector<16xf32>
        %add3A_1067 = arith.addf %add3A_1040, %mul3A_1066 : vector<16xf32>
        %swap3A_1068 = arith.constant 0 : i32
        %swap3A_1069 = arith.constant 2 : i32
        %swap3A_1070 = arith.index_cast %swap3A_1068 : i32 to index
        %swap3A_1071 = arith.index_cast %swap3A_1069 : i32 to index
        %swap3A_1072 = arith.index_cast %add3A_1050 : i32 to index
        %swap3A_1073 = tpu.vector_load %arg8[%swap3A_1070, %swap3A_1071, %swap3A_1072] {strides = array<i32>} : memref<2x32x512xf32, #tpu.memory_space<vmem>>, vector<1x1x16xf32>,
        %swap3A_1074 = vector.shape_cast %swap3A_1073 : vector<1x1x16xf32> to vector<16xf32>
        %swap3A_1075 = vector.shape_cast %add3A_1067 : vector<16xf32> to vector<1x1x16xf32>
        tpu.vector_store %arg8[%swap3A_1070, %swap3A_1071, %swap3A_1072], %swap3A_1075 {strides = array<i32>} : memref<2x32x512xf32, #tpu.memory_space<vmem>>, vector<1x1x16xf32>,
        %add3A_1076 = arith.constant 0 : i32
        %add3A_1077 = arith.addi %mul3A_261, %add3A_1076 : i32
        %get3A_1078 = arith.constant 0 : i32
        %get3A_1079 = arith.constant 1 : i32
        %get3A_1080 = arith.index_cast %get3A_1078 : i32 to index
        %get3A_1081 = arith.index_cast %get3A_1079 : i32 to index
        %get3A_1082 = arith.index_cast %add3A_1077 : i32 to index
        %get3A_1083 = tpu.vector_load %arg6[%get3A_1080, %get3A_1081, %get3A_1082] {strides = array<i32>} : memref<2x32x512xf32, #tpu.memory_space<vmem>>, vector<1x1x16xf32>,
        %get3A_1084 = vector.shape_cast %get3A_1083 : vector<1x1x16xf32> to vector<16xf32>
        %get3A_1085 = arith.constant 0 : i32
        %get3A_1086 = arith.constant 1 : i32
        %get3A_1087 = arith.index_cast %get3A_1085 : i32 to index
        %get3A_1088 = arith.index_cast %get3A_1086 : i32 to index
        %get3A_1089 = arith.index_cast %add3A_1077 : i32 to index
        %get3A_1090 = tpu.vector_load %arg7[%get3A_1087, %get3A_1088, %get3A_1089] {strides = array<i32>} : memref<2x32x512xf32, #tpu.memory_space<vmem>>, vector<1x1x16xf32>,
        %get3A_1091 = vector.shape_cast %get3A_1090 : vector<1x1x16xf32> to vector<16xf32>
        %sub3A_1092 = arith.subf %get3A_1091, %add3A_1067 : vector<16xf32>
        %mul3A_1093 = arith.mulf %get3A_1084, %sub3A_1092 : vector<16xf32>
        %add3A_1094 = arith.addf %add3A_1067, %mul3A_1093 : vector<16xf32>
        %swap3A_1095 = arith.constant 0 : i32
        %swap3A_1096 = arith.constant 1 : i32
        %swap3A_1097 = arith.index_cast %swap3A_1095 : i32 to index
        %swap3A_1098 = arith.index_cast %swap3A_1096 : i32 to index
        %swap3A_1099 = arith.index_cast %add3A_1077 : i32 to index
        %swap3A_1100 = tpu.vector_load %arg8[%swap3A_1097, %swap3A_1098, %swap3A_1099] {strides = array<i32>} : memref<2x32x512xf32, #tpu.memory_space<vmem>>, vector<1x1x16xf32>,
        %swap3A_1101 = vector.shape_cast %swap3A_1100 : vector<1x1x16xf32> to vector<16xf32>
        %swap3A_1102 = vector.shape_cast %add3A_1094 : vector<16xf32> to vector<1x1x16xf32>
        tpu.vector_store %arg8[%swap3A_1097, %swap3A_1098, %swap3A_1099], %swap3A_1102 {strides = array<i32>} : memref<2x32x512xf32, #tpu.memory_space<vmem>>, vector<1x1x16xf32>,
        %add3A_1103 = arith.constant 0 : i32
        %add3A_1104 = arith.addi %mul3A_261, %add3A_1103 : i32
        %get3A_1105 = arith.constant 0 : i32
        %get3A_1106 = arith.constant 0 : i32
        %get3A_1107 = arith.index_cast %get3A_1105 : i32 to index
        %get3A_1108 = arith.index_cast %get3A_1106 : i32 to index
        %get3A_1109 = arith.index_cast %add3A_1104 : i32 to index
        %get3A_1110 = tpu.vector_load %arg6[%get3A_1107, %get3A_1108, %get3A_1109] {strides = array<i32>} : memref<2x32x512xf32, #tpu.memory_space<vmem>>, vector<1x1x16xf32>,
        %get3A_1111 = vector.shape_cast %get3A_1110 : vector<1x1x16xf32> to vector<16xf32>
        %get3A_1112 = arith.constant 0 : i32
        %get3A_1113 = arith.constant 0 : i32
        %get3A_1114 = arith.index_cast %get3A_1112 : i32 to index
        %get3A_1115 = arith.index_cast %get3A_1113 : i32 to index
        %get3A_1116 = arith.index_cast %add3A_1104 : i32 to index
        %get3A_1117 = tpu.vector_load %arg7[%get3A_1114, %get3A_1115, %get3A_1116] {strides = array<i32>} : memref<2x32x512xf32, #tpu.memory_space<vmem>>, vector<1x1x16xf32>,
        %get3A_1118 = vector.shape_cast %get3A_1117 : vector<1x1x16xf32> to vector<16xf32>
        %sub3A_1119 = arith.subf %get3A_1118, %add3A_1094 : vector<16xf32>
        %mul3A_1120 = arith.mulf %get3A_1111, %sub3A_1119 : vector<16xf32>
        %add3A_1121 = arith.addf %add3A_1094, %mul3A_1120 : vector<16xf32>
        %swap3A_1122 = arith.constant 0 : i32
        %swap3A_1123 = arith.constant 0 : i32
        %swap3A_1124 = arith.index_cast %swap3A_1122 : i32 to index
        %swap3A_1125 = arith.index_cast %swap3A_1123 : i32 to index
        %swap3A_1126 = arith.index_cast %add3A_1104 : i32 to index
        %swap3A_1127 = tpu.vector_load %arg8[%swap3A_1124, %swap3A_1125, %swap3A_1126] {strides = array<i32>} : memref<2x32x512xf32, #tpu.memory_space<vmem>>, vector<1x1x16xf32>,
        %swap3A_1128 = vector.shape_cast %swap3A_1127 : vector<1x1x16xf32> to vector<16xf32>
        %swap3A_1129 = vector.shape_cast %add3A_1121 : vector<16xf32> to vector<1x1x16xf32>
        tpu.vector_store %arg8[%swap3A_1124, %swap3A_1125, %swap3A_1126], %swap3A_1129 {strides = array<i32>} : memref<2x32x512xf32, #tpu.memory_space<vmem>>, vector<1x1x16xf32>,
        %scan3A_1130 = arith.constant 0 : i32
        scf.yield %scan3A_1130 : i32
      }
      %scan3A_156 = arith.constant 32 : i32
      %mul3A_157 = arith.constant 512 : i32
      %mul3A_158 = arith.muli %add3A_98, %mul3A_157 : i32
      %dma_start3A_159 = arith.constant 0 : i32
      %dma_start3A_160 = arith.constant 0 : i32
      %dma_start3A_161 = arith.constant 0 : i32
      %dma_start3A_162 = tpu.memref_slice %arg8[%dma_start3A_159, %dma_start3A_160, %dma_start3A_161] : memref<2x32x512xf32, #tpu.memory_space<vmem>> -> memref<1x32x512xf32, #tpu.memory_space<vmem>>
      %dma_start3A_163 = tpu.memref_squeeze %dma_start3A_162 : memref<1x32x512xf32, #tpu.memory_space<vmem>> -> memref<32x512xf32, #tpu.memory_space<vmem>>
      %dma_start3A_164 = arith.constant 0 : i32
      %dma_start3A_165 = tpu.memref_slice %arg5[%add3A_4, %dma_start3A_164, %mul3A_158] : memref<32x32x16384xf32, #tpu.memory_space<hbm>> -> memref<1x32x512xf32, #tpu.memory_space<hbm>>
      %dma_start3A_166 = tpu.memref_squeeze %dma_start3A_165 : memref<1x32x512xf32, #tpu.memory_space<hbm>> -> memref<32x512xf32, #tpu.memory_space<hbm>>
      %dma_start3A_167 = arith.constant 0 : i32
      %dma_start3A_168 = tpu.memref_slice %arg5[%add3A_4, %dma_start3A_167, %mul3A_158] : memref<32x32x16384xf32, #tpu.memory_space<hbm>> -> memref<1x32x512xf32, #tpu.memory_space<hbm>>
      %dma_start3A_169 = tpu.memref_squeeze %dma_start3A_168 : memref<1x32x512xf32, #tpu.memory_space<hbm>> -> memref<32x512xf32, #tpu.memory_space<hbm>>
      %dma_start3A_170 = arith.constant 0 : i32
      %dma_start3A_171 = arith.constant 0 : i32
      %dma_start3A_172 = tpu.memref_slice %arg8[%dma_start3A_159, %dma_start3A_170, %dma_start3A_171] : memref<2x32x512xf32, #tpu.memory_space<vmem>> -> memref<1x32x512xf32, #tpu.memory_space<vmem>>
      %dma_start3A_173 = tpu.memref_squeeze %dma_start3A_172 : memref<1x32x512xf32, #tpu.memory_space<vmem>> -> memref<32x512xf32, #tpu.memory_space<vmem>>
      tpu.enqueue_dma source(%dma_start3A_173 : memref<32x512xf32, #tpu.memory_space<vmem>>) target(%dma_start3A_169 : memref<32x512xf32, #tpu.memory_space<hbm>>) target_semaphore(%arg12 : memref<!tpu.dma_semaphore, #tpu.memory_space<semaphore_mem>>)
      %mul3A_174 = arith.constant 2 : i32
      %mul3A_175 = arith.muli %scan3A_93, %mul3A_174 : i32
      %add3A_176 = arith.constant 1 : i32
      %add3A_177 = arith.addi %mul3A_175, %add3A_176 : i32
      %add3A_178 = arith.constant 1 : i32
      %add3A_179 = arith.addi %add3A_177, %add3A_178 : i32
      %lt3A_180 = arith.constant 32 : i32
      %lt3A_181 = arith.cmpi slt, %add3A_179, %lt3A_180 : i32
      %convert_element_type3A_182 = arith.extui %lt3A_181 : i1 to i32
      %cond3A_183 = arith.constant 0 : i32
      %cond3A_184 = arith.cmpi ne, %convert_element_type3A_182, %cond3A_183 : i32
      scf.if %cond3A_184 {
        %add3A_258 = arith.constant 1 : i32
        %add3A_259 = arith.addi %add3A_177, %add3A_258 : i32
        %mul3A_260 = arith.constant 512 : i32
        %mul3A_261 = arith.muli %add3A_259, %mul3A_260 : i32
        %dma_start3A_262 = arith.constant 0 : i32
        %dma_start3A_263 = arith.constant 0 : i32
        %dma_start3A_264 = arith.constant 0 : i32
        %dma_start3A_265 = tpu.memref_slice %arg6[%dma_start3A_262, %dma_start3A_263, %dma_start3A_264] : memref<2x32x512xf32, #tpu.memory_space<vmem>> -> memref<1x32x512xf32, #tpu.memory_space<vmem>>
        %dma_start3A_266 = tpu.memref_squeeze %dma_start3A_265 : memref<1x32x512xf32, #tpu.memory_space<vmem>> -> memref<32x512xf32, #tpu.memory_space<vmem>>
        %dma_start3A_267 = arith.constant 0 : i32
        %dma_start3A_268 = tpu.memref_slice %arg2[%add3A_4, %dma_start3A_267, %mul3A_261] : memref<32x32x16384xf32, #tpu.memory_space<hbm>> -> memref<1x32x512xf32, #tpu.memory_space<hbm>>
        %dma_start3A_269 = tpu.memref_squeeze %dma_start3A_268 : memref<1x32x512xf32, #tpu.memory_space<hbm>> -> memref<32x512xf32, #tpu.memory_space<hbm>>
        %dma_start3A_270 = arith.constant 0 : i32
        %dma_start3A_271 = arith.constant 0 : i32
        %dma_start3A_272 = tpu.memref_slice %arg6[%dma_start3A_262, %dma_start3A_270, %dma_start3A_271] : memref<2x32x512xf32, #tpu.memory_space<vmem>> -> memref<1x32x512xf32, #tpu.memory_space<vmem>>
        %dma_start3A_273 = tpu.memref_squeeze %dma_start3A_272 : memref<1x32x512xf32, #tpu.memory_space<vmem>> -> memref<32x512xf32, #tpu.memory_space<vmem>>
        %dma_start3A_274 = arith.constant 0 : i32
        %dma_start3A_275 = tpu.memref_slice %arg2[%add3A_4, %dma_start3A_274, %mul3A_261] : memref<32x32x16384xf32, #tpu.memory_space<hbm>> -> memref<1x32x512xf32, #tpu.memory_space<hbm>>
        %dma_start3A_276 = tpu.memref_squeeze %dma_start3A_275 : memref<1x32x512xf32, #tpu.memory_space<hbm>> -> memref<32x512xf32, #tpu.memory_space<hbm>>
        tpu.enqueue_dma source(%dma_start3A_276 : memref<32x512xf32, #tpu.memory_space<hbm>>) target(%dma_start3A_273 : memref<32x512xf32, #tpu.memory_space<vmem>>) target_semaphore(%arg10 : memref<!tpu.dma_semaphore, #tpu.memory_space<semaphore_mem>>)
        %dma_start3A_277 = arith.constant 0 : i32
        %dma_start3A_278 = arith.constant 0 : i32
        %dma_start3A_279 = arith.constant 0 : i32
        %dma_start3A_280 = tpu.memref_slice %arg7[%dma_start3A_277, %dma_start3A_278, %dma_start3A_279] : memref<2x32x512xf32, #tpu.memory_space<vmem>> -> memref<1x32x512xf32, #tpu.memory_space<vmem>>
        %dma_start3A_281 = tpu.memref_squeeze %dma_start3A_280 : memref<1x32x512xf32, #tpu.memory_space<vmem>> -> memref<32x512xf32, #tpu.memory_space<vmem>>
        %dma_start3A_282 = arith.constant 0 : i32
        %dma_start3A_283 = tpu.memref_slice %arg3[%add3A_4, %dma_start3A_282, %mul3A_261] : memref<32x32x16384xf32, #tpu.memory_space<hbm>> -> memref<1x32x512xf32, #tpu.memory_space<hbm>>
        %dma_start3A_284 = tpu.memref_squeeze %dma_start3A_283 : memref<1x32x512xf32, #tpu.memory_space<hbm>> -> memref<32x512xf32, #tpu.memory_space<hbm>>
        %dma_start3A_285 = arith.constant 0 : i32
        %dma_start3A_286 = arith.constant 0 : i32
        %dma_start3A_287 = tpu.memref_slice %arg7[%dma_start3A_277, %dma_start3A_285, %dma_start3A_286] : memref<2x32x512xf32, #tpu.memory_space<vmem>> -> memref<1x32x512xf32, #tpu.memory_space<vmem>>
        %dma_start3A_288 = tpu.memref_squeeze %dma_start3A_287 : memref<1x32x512xf32, #tpu.memory_space<vmem>> -> memref<32x512xf32, #tpu.memory_space<vmem>>
        %dma_start3A_289 = arith.constant 0 : i32
        %dma_start3A_290 = tpu.memref_slice %arg3[%add3A_4, %dma_start3A_289, %mul3A_261] : memref<32x32x16384xf32, #tpu.memory_space<hbm>> -> memref<1x32x512xf32, #tpu.memory_space<hbm>>
        %dma_start3A_291 = tpu.memref_squeeze %dma_start3A_290 : memref<1x32x512xf32, #tpu.memory_space<hbm>> -> memref<32x512xf32, #tpu.memory_space<hbm>>
        tpu.enqueue_dma source(%dma_start3A_291 : memref<32x512xf32, #tpu.memory_space<hbm>>) target(%dma_start3A_288 : memref<32x512xf32, #tpu.memory_space<vmem>>) target_semaphore(%arg10 : memref<!tpu.dma_semaphore, #tpu.memory_space<semaphore_mem>>)
        %dma_start3A_292 = arith.constant 0 : i32
        %dma_start3A_293 = arith.constant 0 : i32
        %dma_start3A_294 = tpu.memref_slice %arg9[%dma_start3A_292, %dma_start3A_293] : memref<2x512xf32, #tpu.memory_space<vmem>> -> memref<1x512xf32, #tpu.memory_space<vmem>>
        %dma_start3A_295 = tpu.memref_squeeze %dma_start3A_294 : memref<1x512xf32, #tpu.memory_space<vmem>> -> memref<512xf32, #tpu.memory_space<vmem>>
        %dma_start3A_296 = tpu.memref_slice %arg4[%add3A_4, %mul3A_261] : memref<32x16384xf32, #tpu.memory_space<hbm>> -> memref<1x512xf32, #tpu.memory_space<hbm>>
        %dma_start3A_297 = tpu.memref_squeeze %dma_start3A_296 : memref<1x512xf32, #tpu.memory_space<hbm>> -> memref<512xf32, #tpu.memory_space<hbm>>
        %dma_start3A_298 = arith.constant 0 : i32
        %dma_start3A_299 = tpu.memref_slice %arg9[%dma_start3A_292, %dma_start3A_298] : memref<2x512xf32, #tpu.memory_space<vmem>> -> memref<1x512xf32, #tpu.memory_space<vmem>>
        %dma_start3A_300 = tpu.memref_squeeze %dma_start3A_299 : memref<1x512xf32, #tpu.memory_space<vmem>> -> memref<512xf32, #tpu.memory_space<vmem>>
        %dma_start3A_301 = tpu.memref_slice %arg4[%add3A_4, %mul3A_261] : memref<32x16384xf32, #tpu.memory_space<hbm>> -> memref<1x512xf32, #tpu.memory_space<hbm>>
        %dma_start3A_302 = tpu.memref_squeeze %dma_start3A_301 : memref<1x512xf32, #tpu.memory_space<hbm>> -> memref<512xf32, #tpu.memory_space<hbm>>
        tpu.enqueue_dma source(%dma_start3A_302 : memref<512xf32, #tpu.memory_space<hbm>>) target(%dma_start3A_300 : memref<512xf32, #tpu.memory_space<vmem>>) target_semaphore(%arg10 : memref<!tpu.dma_semaphore, #tpu.memory_space<semaphore_mem>>)
      } else {
      }
      %mul3A_185 = arith.constant 512 : i32
      %mul3A_186 = arith.muli %add3A_177, %mul3A_185 : i32
      %dma_wait3A_187 = arith.constant 1 : i32
      %dma_wait3A_188 = arith.constant 0 : i32
      %dma_wait3A_189 = arith.constant 0 : i32
      %dma_wait3A_190 = tpu.memref_slice %arg6[%dma_wait3A_187, %dma_wait3A_188, %dma_wait3A_189] : memref<2x32x512xf32, #tpu.memory_space<vmem>> -> memref<1x32x512xf32, #tpu.memory_space<vmem>>
      %dma_wait3A_191 = tpu.memref_squeeze %dma_wait3A_190 : memref<1x32x512xf32, #tpu.memory_space<vmem>> -> memref<32x512xf32, #tpu.memory_space<vmem>>
      %dma_wait3A_192 = arith.constant 0 : i32
      %dma_wait3A_193 = tpu.memref_slice %arg2[%add3A_4, %dma_wait3A_192, %mul3A_186] : memref<32x32x16384xf32, #tpu.memory_space<hbm>> -> memref<1x32x512xf32, #tpu.memory_space<hbm>>
      %dma_wait3A_194 = tpu.memref_squeeze %dma_wait3A_193 : memref<1x32x512xf32, #tpu.memory_space<hbm>> -> memref<32x512xf32, #tpu.memory_space<hbm>>
      %dma_wait3A_195 = arith.constant 0 : i32
      %dma_wait3A_196 = arith.constant 0 : i32
      %dma_wait3A_197 = tpu.memref_slice %arg6[%dma_wait3A_187, %dma_wait3A_195, %dma_wait3A_196] : memref<2x32x512xf32, #tpu.memory_space<vmem>> -> memref<1x32x512xf32, #tpu.memory_space<vmem>>
      %dma_wait3A_198 = tpu.memref_squeeze %dma_wait3A_197 : memref<1x32x512xf32, #tpu.memory_space<vmem>> -> memref<32x512xf32, #tpu.memory_space<vmem>>
      %dma_wait3A_199 = arith.constant 0 : i32
      %dma_wait3A_200 = tpu.memref_slice %arg2[%add3A_4, %dma_wait3A_199, %mul3A_186] : memref<32x32x16384xf32, #tpu.memory_space<hbm>> -> memref<1x32x512xf32, #tpu.memory_space<hbm>>
      %dma_wait3A_201 = tpu.memref_squeeze %dma_wait3A_200 : memref<1x32x512xf32, #tpu.memory_space<hbm>> -> memref<32x512xf32, #tpu.memory_space<hbm>>
      tpu.wait_dma2 semaphore(%arg11 : memref<!tpu.dma_semaphore, #tpu.memory_space<semaphore_mem>>) src(%dma_wait3A_201 : memref<32x512xf32, #tpu.memory_space<hbm>>) dst(%dma_wait3A_198 : memref<32x512xf32, #tpu.memory_space<vmem>>)
      %dma_wait3A_202 = arith.constant 1 : i32
      %dma_wait3A_203 = arith.constant 0 : i32
      %dma_wait3A_204 = arith.constant 0 : i32
      %dma_wait3A_205 = tpu.memref_slice %arg7[%dma_wait3A_202, %dma_wait3A_203, %dma_wait3A_204] : memref<2x32x512xf32, #tpu.memory_space<vmem>> -> memref<1x32x512xf32, #tpu.memory_space<vmem>>
      %dma_wait3A_206 = tpu.memref_squeeze %dma_wait3A_205 : memref<1x32x512xf32, #tpu.memory_space<vmem>> -> memref<32x512xf32, #tpu.memory_space<vmem>>
      %dma_wait3A_207 = arith.constant 0 : i32
      %dma_wait3A_208 = tpu.memref_slice %arg3[%add3A_4, %dma_wait3A_207, %mul3A_186] : memref<32x32x16384xf32, #tpu.memory_space<hbm>> -> memref<1x32x512xf32, #tpu.memory_space<hbm>>
      %dma_wait3A_209 = tpu.memref_squeeze %dma_wait3A_208 : memref<1x32x512xf32, #tpu.memory_space<hbm>> -> memref<32x512xf32, #tpu.memory_space<hbm>>
      %dma_wait3A_210 = arith.constant 0 : i32
      %dma_wait3A_211 = arith.constant 0 : i32
      %dma_wait3A_212 = tpu.memref_slice %arg7[%dma_wait3A_202, %dma_wait3A_210, %dma_wait3A_211] : memref<2x32x512xf32, #tpu.memory_space<vmem>> -> memref<1x32x512xf32, #tpu.memory_space<vmem>>
      %dma_wait3A_213 = tpu.memref_squeeze %dma_wait3A_212 : memref<1x32x512xf32, #tpu.memory_space<vmem>> -> memref<32x512xf32, #tpu.memory_space<vmem>>
      %dma_wait3A_214 = arith.constant 0 : i32
      %dma_wait3A_215 = tpu.memref_slice %arg3[%add3A_4, %dma_wait3A_214, %mul3A_186] : memref<32x32x16384xf32, #tpu.memory_space<hbm>> -> memref<1x32x512xf32, #tpu.memory_space<hbm>>
      %dma_wait3A_216 = tpu.memref_squeeze %dma_wait3A_215 : memref<1x32x512xf32, #tpu.memory_space<hbm>> -> memref<32x512xf32, #tpu.memory_space<hbm>>
      tpu.wait_dma2 semaphore(%arg11 : memref<!tpu.dma_semaphore, #tpu.memory_space<semaphore_mem>>) src(%dma_wait3A_216 : memref<32x512xf32, #tpu.memory_space<hbm>>) dst(%dma_wait3A_213 : memref<32x512xf32, #tpu.memory_space<vmem>>)
      %dma_wait3A_217 = arith.constant 1 : i32
      %dma_wait3A_218 = arith.constant 0 : i32
      %dma_wait3A_219 = tpu.memref_slice %arg9[%dma_wait3A_217, %dma_wait3A_218] : memref<2x512xf32, #tpu.memory_space<vmem>> -> memref<1x512xf32, #tpu.memory_space<vmem>>
      %dma_wait3A_220 = tpu.memref_squeeze %dma_wait3A_219 : memref<1x512xf32, #tpu.memory_space<vmem>> -> memref<512xf32, #tpu.memory_space<vmem>>
      %dma_wait3A_221 = tpu.memref_slice %arg4[%add3A_4, %mul3A_186] : memref<32x16384xf32, #tpu.memory_space<hbm>> -> memref<1x512xf32, #tpu.memory_space<hbm>>
      %dma_wait3A_222 = tpu.memref_squeeze %dma_wait3A_221 : memref<1x512xf32, #tpu.memory_space<hbm>> -> memref<512xf32, #tpu.memory_space<hbm>>
      %dma_wait3A_223 = arith.constant 0 : i32
      %dma_wait3A_224 = tpu.memref_slice %arg9[%dma_wait3A_217, %dma_wait3A_223] : memref<2x512xf32, #tpu.memory_space<vmem>> -> memref<1x512xf32, #tpu.memory_space<vmem>>
      %dma_wait3A_225 = tpu.memref_squeeze %dma_wait3A_224 : memref<1x512xf32, #tpu.memory_space<vmem>> -> memref<512xf32, #tpu.memory_space<vmem>>
      %dma_wait3A_226 = tpu.memref_slice %arg4[%add3A_4, %mul3A_186] : memref<32x16384xf32, #tpu.memory_space<hbm>> -> memref<1x512xf32, #tpu.memory_space<hbm>>
      %dma_wait3A_227 = tpu.memref_squeeze %dma_wait3A_226 : memref<1x512xf32, #tpu.memory_space<hbm>> -> memref<512xf32, #tpu.memory_space<hbm>>
      tpu.wait_dma2 semaphore(%arg11 : memref<!tpu.dma_semaphore, #tpu.memory_space<semaphore_mem>>) src(%dma_wait3A_227 : memref<512xf32, #tpu.memory_space<hbm>>) dst(%dma_wait3A_225 : memref<512xf32, #tpu.memory_space<vmem>>)
      %ge3A_228 = arith.constant 2 : i32
      %ge3A_229 = arith.cmpi sge, %add3A_177, %ge3A_228 : i32
      %convert_element_type3A_230 = arith.extui %ge3A_229 : i1 to i32
      %cond3A_231 = arith.constant 0 : i32
      %cond3A_232 = arith.cmpi ne, %convert_element_type3A_230, %cond3A_231 : i32
      scf.if %cond3A_232 {
        %sub3A = arith.constant 2 : i32
        %sub3A_258 = arith.subi %add3A_177, %sub3A : i32
        %mul3A_259 = arith.constant 512 : i32
        %mul3A_260 = arith.muli %sub3A_258, %mul3A_259 : i32
        %dma_wait3A_261 = arith.constant 1 : i32
        %dma_wait3A_262 = arith.constant 0 : i32
        %dma_wait3A_263 = arith.constant 0 : i32
        %dma_wait3A_264 = tpu.memref_slice %arg8[%dma_wait3A_261, %dma_wait3A_262, %dma_wait3A_263] : memref<2x32x512xf32, #tpu.memory_space<vmem>> -> memref<1x32x512xf32, #tpu.memory_space<vmem>>
        %dma_wait3A_265 = tpu.memref_squeeze %dma_wait3A_264 : memref<1x32x512xf32, #tpu.memory_space<vmem>> -> memref<32x512xf32, #tpu.memory_space<vmem>>
        %dma_wait3A_266 = arith.constant 0 : i32
        %dma_wait3A_267 = tpu.memref_slice %arg5[%add3A_4, %dma_wait3A_266, %mul3A_260] : memref<32x32x16384xf32, #tpu.memory_space<hbm>> -> memref<1x32x512xf32, #tpu.memory_space<hbm>>
        %dma_wait3A_268 = tpu.memref_squeeze %dma_wait3A_267 : memref<1x32x512xf32, #tpu.memory_space<hbm>> -> memref<32x512xf32, #tpu.memory_space<hbm>>
        %dma_wait3A_269 = arith.constant 0 : i32
        %dma_wait3A_270 = tpu.memref_slice %arg5[%add3A_4, %dma_wait3A_269, %mul3A_260] : memref<32x32x16384xf32, #tpu.memory_space<hbm>> -> memref<1x32x512xf32, #tpu.memory_space<hbm>>
        %dma_wait3A_271 = tpu.memref_squeeze %dma_wait3A_270 : memref<1x32x512xf32, #tpu.memory_space<hbm>> -> memref<32x512xf32, #tpu.memory_space<hbm>>
        %dma_wait3A_272 = arith.constant 0 : i32
        %dma_wait3A_273 = arith.constant 0 : i32
        %dma_wait3A_274 = tpu.memref_slice %arg8[%dma_wait3A_261, %dma_wait3A_272, %dma_wait3A_273] : memref<2x32x512xf32, #tpu.memory_space<vmem>> -> memref<1x32x512xf32, #tpu.memory_space<vmem>>
        %dma_wait3A_275 = tpu.memref_squeeze %dma_wait3A_274 : memref<1x32x512xf32, #tpu.memory_space<vmem>> -> memref<32x512xf32, #tpu.memory_space<vmem>>
        tpu.wait_dma2 semaphore(%arg13 : memref<!tpu.dma_semaphore, #tpu.memory_space<semaphore_mem>>) src(%dma_wait3A_275 : memref<32x512xf32, #tpu.memory_space<vmem>>) dst(%dma_wait3A_271 : memref<32x512xf32, #tpu.memory_space<hbm>>)
      } else {
      }
      %scan3A_233 = arith.constant 0 : i32
      %scan3A_234 = arith.constant 0 : i32
      %scan3A_235 = arith.constant 32 : i32
      %scan3A_236 = arith.addi %scan3A_234, %scan3A_235 : i32
      %scan3A_237 = arith.constant 1 : i32
      %scan3A_238 = scf.for %scan3A_258 = %scan3A_234 to %scan3A_236 step %scan3A_237 iter_args(%scan3A_259 = %scan3A_233) -> (i32)  : i32 {
        %mul3A_260 = arith.constant 16 : i32
        %mul3A_261 = arith.muli %scan3A_258, %mul3A_260 : i32
        %add3A_262 = arith.constant 0 : i32
        %add3A_263 = arith.addi %mul3A_261, %add3A_262 : i32
        %get3A = arith.constant 1 : i32
        %get3A_264 = arith.index_cast %get3A : i32 to index
        %get3A_265 = arith.index_cast %add3A_263 : i32 to index
        %get3A_266 = tpu.vector_load %arg9[%get3A_264, %get3A_265] {strides = array<i32>} : memref<2x512xf32, #tpu.memory_space<vmem>>, vector<1x16xf32>,
        %get3A_267 = vector.shape_cast %get3A_266 : vector<1x16xf32> to vector<16xf32>
        %add3A_268 = arith.constant 0 : i32
        %add3A_269 = arith.addi %mul3A_261, %add3A_268 : i32
        %get3A_270 = arith.constant 1 : i32
        %get3A_271 = arith.constant 31 : i32
        %get3A_272 = arith.index_cast %get3A_270 : i32 to index
        %get3A_273 = arith.index_cast %get3A_271 : i32 to index
        %get3A_274 = arith.index_cast %add3A_269 : i32 to index
        %get3A_275 = tpu.vector_load %arg6[%get3A_272, %get3A_273, %get3A_274] {strides = array<i32>} : memref<2x32x512xf32, #tpu.memory_space<vmem>>, vector<1x1x16xf32>,
        %get3A_276 = vector.shape_cast %get3A_275 : vector<1x1x16xf32> to vector<16xf32>
        %get3A_277 = arith.constant 1 : i32
        %get3A_278 = arith.constant 31 : i32
        %get3A_279 = arith.index_cast %get3A_277 : i32 to index
        %get3A_280 = arith.index_cast %get3A_278 : i32 to index
        %get3A_281 = arith.index_cast %add3A_269 : i32 to index
        %get3A_282 = tpu.vector_load %arg7[%get3A_279, %get3A_280, %get3A_281] {strides = array<i32>} : memref<2x32x512xf32, #tpu.memory_space<vmem>>, vector<1x1x16xf32>,
        %get3A_283 = vector.shape_cast %get3A_282 : vector<1x1x16xf32> to vector<16xf32>
        %sub3A = arith.subf %get3A_283, %get3A_267 : vector<16xf32>
        %mul3A_284 = arith.mulf %get3A_276, %sub3A : vector<16xf32>
        %add3A_285 = arith.addf %get3A_267, %mul3A_284 : vector<16xf32>
        %swap3A = arith.constant 1 : i32
        %swap3A_286 = arith.constant 31 : i32
        %swap3A_287 = arith.index_cast %swap3A : i32 to index
        %swap3A_288 = arith.index_cast %swap3A_286 : i32 to index
        %swap3A_289 = arith.index_cast %add3A_269 : i32 to index
        %swap3A_290 = tpu.vector_load %arg8[%swap3A_287, %swap3A_288, %swap3A_289] {strides = array<i32>} : memref<2x32x512xf32, #tpu.memory_space<vmem>>, vector<1x1x16xf32>,
        %swap3A_291 = vector.shape_cast %swap3A_290 : vector<1x1x16xf32> to vector<16xf32>
        %swap3A_292 = vector.shape_cast %add3A_285 : vector<16xf32> to vector<1x1x16xf32>
        tpu.vector_store %arg8[%swap3A_287, %swap3A_288, %swap3A_289], %swap3A_292 {strides = array<i32>} : memref<2x32x512xf32, #tpu.memory_space<vmem>>, vector<1x1x16xf32>,
        %add3A_293 = arith.constant 0 : i32
        %add3A_294 = arith.addi %mul3A_261, %add3A_293 : i32
        %get3A_295 = arith.constant 1 : i32
        %get3A_296 = arith.constant 30 : i32
        %get3A_297 = arith.index_cast %get3A_295 : i32 to index
        %get3A_298 = arith.index_cast %get3A_296 : i32 to index
        %get3A_299 = arith.index_cast %add3A_294 : i32 to index
        %get3A_300 = tpu.vector_load %arg6[%get3A_297, %get3A_298, %get3A_299] {strides = array<i32>} : memref<2x32x512xf32, #tpu.memory_space<vmem>>, vector<1x1x16xf32>,
        %get3A_301 = vector.shape_cast %get3A_300 : vector<1x1x16xf32> to vector<16xf32>
        %get3A_302 = arith.constant 1 : i32
        %get3A_303 = arith.constant 30 : i32
        %get3A_304 = arith.index_cast %get3A_302 : i32 to index
        %get3A_305 = arith.index_cast %get3A_303 : i32 to index
        %get3A_306 = arith.index_cast %add3A_294 : i32 to index
        %get3A_307 = tpu.vector_load %arg7[%get3A_304, %get3A_305, %get3A_306] {strides = array<i32>} : memref<2x32x512xf32, #tpu.memory_space<vmem>>, vector<1x1x16xf32>,
        %get3A_308 = vector.shape_cast %get3A_307 : vector<1x1x16xf32> to vector<16xf32>
        %sub3A_309 = arith.subf %get3A_308, %add3A_285 : vector<16xf32>
        %mul3A_310 = arith.mulf %get3A_301, %sub3A_309 : vector<16xf32>
        %add3A_311 = arith.addf %add3A_285, %mul3A_310 : vector<16xf32>
        %swap3A_312 = arith.constant 1 : i32
        %swap3A_313 = arith.constant 30 : i32
        %swap3A_314 = arith.index_cast %swap3A_312 : i32 to index
        %swap3A_315 = arith.index_cast %swap3A_313 : i32 to index
        %swap3A_316 = arith.index_cast %add3A_294 : i32 to index
        %swap3A_317 = tpu.vector_load %arg8[%swap3A_314, %swap3A_315, %swap3A_316] {strides = array<i32>} : memref<2x32x512xf32, #tpu.memory_space<vmem>>, vector<1x1x16xf32>,
        %swap3A_318 = vector.shape_cast %swap3A_317 : vector<1x1x16xf32> to vector<16xf32>
        %swap3A_319 = vector.shape_cast %add3A_311 : vector<16xf32> to vector<1x1x16xf32>
        tpu.vector_store %arg8[%swap3A_314, %swap3A_315, %swap3A_316], %swap3A_319 {strides = array<i32>} : memref<2x32x512xf32, #tpu.memory_space<vmem>>, vector<1x1x16xf32>,
        %add3A_320 = arith.constant 0 : i32
        %add3A_321 = arith.addi %mul3A_261, %add3A_320 : i32
        %get3A_322 = arith.constant 1 : i32
        %get3A_323 = arith.constant 29 : i32
        %get3A_324 = arith.index_cast %get3A_322 : i32 to index
        %get3A_325 = arith.index_cast %get3A_323 : i32 to index
        %get3A_326 = arith.index_cast %add3A_321 : i32 to index
        %get3A_327 = tpu.vector_load %arg6[%get3A_324, %get3A_325, %get3A_326] {strides = array<i32>} : memref<2x32x512xf32, #tpu.memory_space<vmem>>, vector<1x1x16xf32>,
        %get3A_328 = vector.shape_cast %get3A_327 : vector<1x1x16xf32> to vector<16xf32>
        %get3A_329 = arith.constant 1 : i32
        %get3A_330 = arith.constant 29 : i32
        %get3A_331 = arith.index_cast %get3A_329 : i32 to index
        %get3A_332 = arith.index_cast %get3A_330 : i32 to index
        %get3A_333 = arith.index_cast %add3A_321 : i32 to index
        %get3A_334 = tpu.vector_load %arg7[%get3A_331, %get3A_332, %get3A_333] {strides = array<i32>} : memref<2x32x512xf32, #tpu.memory_space<vmem>>, vector<1x1x16xf32>,
        %get3A_335 = vector.shape_cast %get3A_334 : vector<1x1x16xf32> to vector<16xf32>
        %sub3A_336 = arith.subf %get3A_335, %add3A_311 : vector<16xf32>
        %mul3A_337 = arith.mulf %get3A_328, %sub3A_336 : vector<16xf32>
        %add3A_338 = arith.addf %add3A_311, %mul3A_337 : vector<16xf32>
        %swap3A_339 = arith.constant 1 : i32
        %swap3A_340 = arith.constant 29 : i32
        %swap3A_341 = arith.index_cast %swap3A_339 : i32 to index
        %swap3A_342 = arith.index_cast %swap3A_340 : i32 to index
        %swap3A_343 = arith.index_cast %add3A_321 : i32 to index
        %swap3A_344 = tpu.vector_load %arg8[%swap3A_341, %swap3A_342, %swap3A_343] {strides = array<i32>} : memref<2x32x512xf32, #tpu.memory_space<vmem>>, vector<1x1x16xf32>,
        %swap3A_345 = vector.shape_cast %swap3A_344 : vector<1x1x16xf32> to vector<16xf32>
        %swap3A_346 = vector.shape_cast %add3A_338 : vector<16xf32> to vector<1x1x16xf32>
        tpu.vector_store %arg8[%swap3A_341, %swap3A_342, %swap3A_343], %swap3A_346 {strides = array<i32>} : memref<2x32x512xf32, #tpu.memory_space<vmem>>, vector<1x1x16xf32>,
        %add3A_347 = arith.constant 0 : i32
        %add3A_348 = arith.addi %mul3A_261, %add3A_347 : i32
        %get3A_349 = arith.constant 1 : i32
        %get3A_350 = arith.constant 28 : i32
        %get3A_351 = arith.index_cast %get3A_349 : i32 to index
        %get3A_352 = arith.index_cast %get3A_350 : i32 to index
        %get3A_353 = arith.index_cast %add3A_348 : i32 to index
        %get3A_354 = tpu.vector_load %arg6[%get3A_351, %get3A_352, %get3A_353] {strides = array<i32>} : memref<2x32x512xf32, #tpu.memory_space<vmem>>, vector<1x1x16xf32>,
        %get3A_355 = vector.shape_cast %get3A_354 : vector<1x1x16xf32> to vector<16xf32>
        %get3A_356 = arith.constant 1 : i32
        %get3A_357 = arith.constant 28 : i32
        %get3A_358 = arith.index_cast %get3A_356 : i32 to index
        %get3A_359 = arith.index_cast %get3A_357 : i32 to index
        %get3A_360 = arith.index_cast %add3A_348 : i32 to index
        %get3A_361 = tpu.vector_load %arg7[%get3A_358, %get3A_359, %get3A_360] {strides = array<i32>} : memref<2x32x512xf32, #tpu.memory_space<vmem>>, vector<1x1x16xf32>,
        %get3A_362 = vector.shape_cast %get3A_361 : vector<1x1x16xf32> to vector<16xf32>
        %sub3A_363 = arith.subf %get3A_362, %add3A_338 : vector<16xf32>
        %mul3A_364 = arith.mulf %get3A_355, %sub3A_363 : vector<16xf32>
        %add3A_365 = arith.addf %add3A_338, %mul3A_364 : vector<16xf32>
        %swap3A_366 = arith.constant 1 : i32
        %swap3A_367 = arith.constant 28 : i32
        %swap3A_368 = arith.index_cast %swap3A_366 : i32 to index
        %swap3A_369 = arith.index_cast %swap3A_367 : i32 to index
        %swap3A_370 = arith.index_cast %add3A_348 : i32 to index
        %swap3A_371 = tpu.vector_load %arg8[%swap3A_368, %swap3A_369, %swap3A_370] {strides = array<i32>} : memref<2x32x512xf32, #tpu.memory_space<vmem>>, vector<1x1x16xf32>,
        %swap3A_372 = vector.shape_cast %swap3A_371 : vector<1x1x16xf32> to vector<16xf32>
        %swap3A_373 = vector.shape_cast %add3A_365 : vector<16xf32> to vector<1x1x16xf32>
        tpu.vector_store %arg8[%swap3A_368, %swap3A_369, %swap3A_370], %swap3A_373 {strides = array<i32>} : memref<2x32x512xf32, #tpu.memory_space<vmem>>, vector<1x1x16xf32>,
        %add3A_374 = arith.constant 0 : i32
        %add3A_375 = arith.addi %mul3A_261, %add3A_374 : i32
        %get3A_376 = arith.constant 1 : i32
        %get3A_377 = arith.constant 27 : i32
        %get3A_378 = arith.index_cast %get3A_376 : i32 to index
        %get3A_379 = arith.index_cast %get3A_377 : i32 to index
        %get3A_380 = arith.index_cast %add3A_375 : i32 to index
        %get3A_381 = tpu.vector_load %arg6[%get3A_378, %get3A_379, %get3A_380] {strides = array<i32>} : memref<2x32x512xf32, #tpu.memory_space<vmem>>, vector<1x1x16xf32>,
        %get3A_382 = vector.shape_cast %get3A_381 : vector<1x1x16xf32> to vector<16xf32>
        %get3A_383 = arith.constant 1 : i32
        %get3A_384 = arith.constant 27 : i32
        %get3A_385 = arith.index_cast %get3A_383 : i32 to index
        %get3A_386 = arith.index_cast %get3A_384 : i32 to index
        %get3A_387 = arith.index_cast %add3A_375 : i32 to index
        %get3A_388 = tpu.vector_load %arg7[%get3A_385, %get3A_386, %get3A_387] {strides = array<i32>} : memref<2x32x512xf32, #tpu.memory_space<vmem>>, vector<1x1x16xf32>,
        %get3A_389 = vector.shape_cast %get3A_388 : vector<1x1x16xf32> to vector<16xf32>
        %sub3A_390 = arith.subf %get3A_389, %add3A_365 : vector<16xf32>
        %mul3A_391 = arith.mulf %get3A_382, %sub3A_390 : vector<16xf32>
        %add3A_392 = arith.addf %add3A_365, %mul3A_391 : vector<16xf32>
        %swap3A_393 = arith.constant 1 : i32
        %swap3A_394 = arith.constant 27 : i32
        %swap3A_395 = arith.index_cast %swap3A_393 : i32 to index
        %swap3A_396 = arith.index_cast %swap3A_394 : i32 to index
        %swap3A_397 = arith.index_cast %add3A_375 : i32 to index
        %swap3A_398 = tpu.vector_load %arg8[%swap3A_395, %swap3A_396, %swap3A_397] {strides = array<i32>} : memref<2x32x512xf32, #tpu.memory_space<vmem>>, vector<1x1x16xf32>,
        %swap3A_399 = vector.shape_cast %swap3A_398 : vector<1x1x16xf32> to vector<16xf32>
        %swap3A_400 = vector.shape_cast %add3A_392 : vector<16xf32> to vector<1x1x16xf32>
        tpu.vector_store %arg8[%swap3A_395, %swap3A_396, %swap3A_397], %swap3A_400 {strides = array<i32>} : memref<2x32x512xf32, #tpu.memory_space<vmem>>, vector<1x1x16xf32>,
        %add3A_401 = arith.constant 0 : i32
        %add3A_402 = arith.addi %mul3A_261, %add3A_401 : i32
        %get3A_403 = arith.constant 1 : i32
        %get3A_404 = arith.constant 26 : i32
        %get3A_405 = arith.index_cast %get3A_403 : i32 to index
        %get3A_406 = arith.index_cast %get3A_404 : i32 to index
        %get3A_407 = arith.index_cast %add3A_402 : i32 to index
        %get3A_408 = tpu.vector_load %arg6[%get3A_405, %get3A_406, %get3A_407] {strides = array<i32>} : memref<2x32x512xf32, #tpu.memory_space<vmem>>, vector<1x1x16xf32>,
        %get3A_409 = vector.shape_cast %get3A_408 : vector<1x1x16xf32> to vector<16xf32>
        %get3A_410 = arith.constant 1 : i32
        %get3A_411 = arith.constant 26 : i32
        %get3A_412 = arith.index_cast %get3A_410 : i32 to index
        %get3A_413 = arith.index_cast %get3A_411 : i32 to index
        %get3A_414 = arith.index_cast %add3A_402 : i32 to index
        %get3A_415 = tpu.vector_load %arg7[%get3A_412, %get3A_413, %get3A_414] {strides = array<i32>} : memref<2x32x512xf32, #tpu.memory_space<vmem>>, vector<1x1x16xf32>,
        %get3A_416 = vector.shape_cast %get3A_415 : vector<1x1x16xf32> to vector<16xf32>
        %sub3A_417 = arith.subf %get3A_416, %add3A_392 : vector<16xf32>
        %mul3A_418 = arith.mulf %get3A_409, %sub3A_417 : vector<16xf32>
        %add3A_419 = arith.addf %add3A_392, %mul3A_418 : vector<16xf32>
        %swap3A_420 = arith.constant 1 : i32
        %swap3A_421 = arith.constant 26 : i32
        %swap3A_422 = arith.index_cast %swap3A_420 : i32 to index
        %swap3A_423 = arith.index_cast %swap3A_421 : i32 to index
        %swap3A_424 = arith.index_cast %add3A_402 : i32 to index
        %swap3A_425 = tpu.vector_load %arg8[%swap3A_422, %swap3A_423, %swap3A_424] {strides = array<i32>} : memref<2x32x512xf32, #tpu.memory_space<vmem>>, vector<1x1x16xf32>,
        %swap3A_426 = vector.shape_cast %swap3A_425 : vector<1x1x16xf32> to vector<16xf32>
        %swap3A_427 = vector.shape_cast %add3A_419 : vector<16xf32> to vector<1x1x16xf32>
        tpu.vector_store %arg8[%swap3A_422, %swap3A_423, %swap3A_424], %swap3A_427 {strides = array<i32>} : memref<2x32x512xf32, #tpu.memory_space<vmem>>, vector<1x1x16xf32>,
        %add3A_428 = arith.constant 0 : i32
        %add3A_429 = arith.addi %mul3A_261, %add3A_428 : i32
        %get3A_430 = arith.constant 1 : i32
        %get3A_431 = arith.constant 25 : i32
        %get3A_432 = arith.index_cast %get3A_430 : i32 to index
        %get3A_433 = arith.index_cast %get3A_431 : i32 to index
        %get3A_434 = arith.index_cast %add3A_429 : i32 to index
        %get3A_435 = tpu.vector_load %arg6[%get3A_432, %get3A_433, %get3A_434] {strides = array<i32>} : memref<2x32x512xf32, #tpu.memory_space<vmem>>, vector<1x1x16xf32>,
        %get3A_436 = vector.shape_cast %get3A_435 : vector<1x1x16xf32> to vector<16xf32>
        %get3A_437 = arith.constant 1 : i32
        %get3A_438 = arith.constant 25 : i32
        %get3A_439 = arith.index_cast %get3A_437 : i32 to index
        %get3A_440 = arith.index_cast %get3A_438 : i32 to index
        %get3A_441 = arith.index_cast %add3A_429 : i32 to index
        %get3A_442 = tpu.vector_load %arg7[%get3A_439, %get3A_440, %get3A_441] {strides = array<i32>} : memref<2x32x512xf32, #tpu.memory_space<vmem>>, vector<1x1x16xf32>,
        %get3A_443 = vector.shape_cast %get3A_442 : vector<1x1x16xf32> to vector<16xf32>
        %sub3A_444 = arith.subf %get3A_443, %add3A_419 : vector<16xf32>
        %mul3A_445 = arith.mulf %get3A_436, %sub3A_444 : vector<16xf32>
        %add3A_446 = arith.addf %add3A_419, %mul3A_445 : vector<16xf32>
        %swap3A_447 = arith.constant 1 : i32
        %swap3A_448 = arith.constant 25 : i32
        %swap3A_449 = arith.index_cast %swap3A_447 : i32 to index
        %swap3A_450 = arith.index_cast %swap3A_448 : i32 to index
        %swap3A_451 = arith.index_cast %add3A_429 : i32 to index
        %swap3A_452 = tpu.vector_load %arg8[%swap3A_449, %swap3A_450, %swap3A_451] {strides = array<i32>} : memref<2x32x512xf32, #tpu.memory_space<vmem>>, vector<1x1x16xf32>,
        %swap3A_453 = vector.shape_cast %swap3A_452 : vector<1x1x16xf32> to vector<16xf32>
        %swap3A_454 = vector.shape_cast %add3A_446 : vector<16xf32> to vector<1x1x16xf32>
        tpu.vector_store %arg8[%swap3A_449, %swap3A_450, %swap3A_451], %swap3A_454 {strides = array<i32>} : memref<2x32x512xf32, #tpu.memory_space<vmem>>, vector<1x1x16xf32>,
        %add3A_455 = arith.constant 0 : i32
        %add3A_456 = arith.addi %mul3A_261, %add3A_455 : i32
        %get3A_457 = arith.constant 1 : i32
        %get3A_458 = arith.constant 24 : i32
        %get3A_459 = arith.index_cast %get3A_457 : i32 to index
        %get3A_460 = arith.index_cast %get3A_458 : i32 to index
        %get3A_461 = arith.index_cast %add3A_456 : i32 to index
        %get3A_462 = tpu.vector_load %arg6[%get3A_459, %get3A_460, %get3A_461] {strides = array<i32>} : memref<2x32x512xf32, #tpu.memory_space<vmem>>, vector<1x1x16xf32>,
        %get3A_463 = vector.shape_cast %get3A_462 : vector<1x1x16xf32> to vector<16xf32>
        %get3A_464 = arith.constant 1 : i32
        %get3A_465 = arith.constant 24 : i32
        %get3A_466 = arith.index_cast %get3A_464 : i32 to index
        %get3A_467 = arith.index_cast %get3A_465 : i32 to index
        %get3A_468 = arith.index_cast %add3A_456 : i32 to index
        %get3A_469 = tpu.vector_load %arg7[%get3A_466, %get3A_467, %get3A_468] {strides = array<i32>} : memref<2x32x512xf32, #tpu.memory_space<vmem>>, vector<1x1x16xf32>,
        %get3A_470 = vector.shape_cast %get3A_469 : vector<1x1x16xf32> to vector<16xf32>
        %sub3A_471 = arith.subf %get3A_470, %add3A_446 : vector<16xf32>
        %mul3A_472 = arith.mulf %get3A_463, %sub3A_471 : vector<16xf32>
        %add3A_473 = arith.addf %add3A_446, %mul3A_472 : vector<16xf32>
        %swap3A_474 = arith.constant 1 : i32
        %swap3A_475 = arith.constant 24 : i32
        %swap3A_476 = arith.index_cast %swap3A_474 : i32 to index
        %swap3A_477 = arith.index_cast %swap3A_475 : i32 to index
        %swap3A_478 = arith.index_cast %add3A_456 : i32 to index
        %swap3A_479 = tpu.vector_load %arg8[%swap3A_476, %swap3A_477, %swap3A_478] {strides = array<i32>} : memref<2x32x512xf32, #tpu.memory_space<vmem>>, vector<1x1x16xf32>,
        %swap3A_480 = vector.shape_cast %swap3A_479 : vector<1x1x16xf32> to vector<16xf32>
        %swap3A_481 = vector.shape_cast %add3A_473 : vector<16xf32> to vector<1x1x16xf32>
        tpu.vector_store %arg8[%swap3A_476, %swap3A_477, %swap3A_478], %swap3A_481 {strides = array<i32>} : memref<2x32x512xf32, #tpu.memory_space<vmem>>, vector<1x1x16xf32>,
        %add3A_482 = arith.constant 0 : i32
        %add3A_483 = arith.addi %mul3A_261, %add3A_482 : i32
        %get3A_484 = arith.constant 1 : i32
        %get3A_485 = arith.constant 23 : i32
        %get3A_486 = arith.index_cast %get3A_484 : i32 to index
        %get3A_487 = arith.index_cast %get3A_485 : i32 to index
        %get3A_488 = arith.index_cast %add3A_483 : i32 to index
        %get3A_489 = tpu.vector_load %arg6[%get3A_486, %get3A_487, %get3A_488] {strides = array<i32>} : memref<2x32x512xf32, #tpu.memory_space<vmem>>, vector<1x1x16xf32>,
        %get3A_490 = vector.shape_cast %get3A_489 : vector<1x1x16xf32> to vector<16xf32>
        %get3A_491 = arith.constant 1 : i32
        %get3A_492 = arith.constant 23 : i32
        %get3A_493 = arith.index_cast %get3A_491 : i32 to index
        %get3A_494 = arith.index_cast %get3A_492 : i32 to index
        %get3A_495 = arith.index_cast %add3A_483 : i32 to index
        %get3A_496 = tpu.vector_load %arg7[%get3A_493, %get3A_494, %get3A_495] {strides = array<i32>} : memref<2x32x512xf32, #tpu.memory_space<vmem>>, vector<1x1x16xf32>,
        %get3A_497 = vector.shape_cast %get3A_496 : vector<1x1x16xf32> to vector<16xf32>
        %sub3A_498 = arith.subf %get3A_497, %add3A_473 : vector<16xf32>
        %mul3A_499 = arith.mulf %get3A_490, %sub3A_498 : vector<16xf32>
        %add3A_500 = arith.addf %add3A_473, %mul3A_499 : vector<16xf32>
        %swap3A_501 = arith.constant 1 : i32
        %swap3A_502 = arith.constant 23 : i32
        %swap3A_503 = arith.index_cast %swap3A_501 : i32 to index
        %swap3A_504 = arith.index_cast %swap3A_502 : i32 to index
        %swap3A_505 = arith.index_cast %add3A_483 : i32 to index
        %swap3A_506 = tpu.vector_load %arg8[%swap3A_503, %swap3A_504, %swap3A_505] {strides = array<i32>} : memref<2x32x512xf32, #tpu.memory_space<vmem>>, vector<1x1x16xf32>,
        %swap3A_507 = vector.shape_cast %swap3A_506 : vector<1x1x16xf32> to vector<16xf32>
        %swap3A_508 = vector.shape_cast %add3A_500 : vector<16xf32> to vector<1x1x16xf32>
        tpu.vector_store %arg8[%swap3A_503, %swap3A_504, %swap3A_505], %swap3A_508 {strides = array<i32>} : memref<2x32x512xf32, #tpu.memory_space<vmem>>, vector<1x1x16xf32>,
        %add3A_509 = arith.constant 0 : i32
        %add3A_510 = arith.addi %mul3A_261, %add3A_509 : i32
        %get3A_511 = arith.constant 1 : i32
        %get3A_512 = arith.constant 22 : i32
        %get3A_513 = arith.index_cast %get3A_511 : i32 to index
        %get3A_514 = arith.index_cast %get3A_512 : i32 to index
        %get3A_515 = arith.index_cast %add3A_510 : i32 to index
        %get3A_516 = tpu.vector_load %arg6[%get3A_513, %get3A_514, %get3A_515] {strides = array<i32>} : memref<2x32x512xf32, #tpu.memory_space<vmem>>, vector<1x1x16xf32>,
        %get3A_517 = vector.shape_cast %get3A_516 : vector<1x1x16xf32> to vector<16xf32>
        %get3A_518 = arith.constant 1 : i32
        %get3A_519 = arith.constant 22 : i32
        %get3A_520 = arith.index_cast %get3A_518 : i32 to index
        %get3A_521 = arith.index_cast %get3A_519 : i32 to index
        %get3A_522 = arith.index_cast %add3A_510 : i32 to index
        %get3A_523 = tpu.vector_load %arg7[%get3A_520, %get3A_521, %get3A_522] {strides = array<i32>} : memref<2x32x512xf32, #tpu.memory_space<vmem>>, vector<1x1x16xf32>,
        %get3A_524 = vector.shape_cast %get3A_523 : vector<1x1x16xf32> to vector<16xf32>
        %sub3A_525 = arith.subf %get3A_524, %add3A_500 : vector<16xf32>
        %mul3A_526 = arith.mulf %get3A_517, %sub3A_525 : vector<16xf32>
        %add3A_527 = arith.addf %add3A_500, %mul3A_526 : vector<16xf32>
        %swap3A_528 = arith.constant 1 : i32
        %swap3A_529 = arith.constant 22 : i32
        %swap3A_530 = arith.index_cast %swap3A_528 : i32 to index
        %swap3A_531 = arith.index_cast %swap3A_529 : i32 to index
        %swap3A_532 = arith.index_cast %add3A_510 : i32 to index
        %swap3A_533 = tpu.vector_load %arg8[%swap3A_530, %swap3A_531, %swap3A_532] {strides = array<i32>} : memref<2x32x512xf32, #tpu.memory_space<vmem>>, vector<1x1x16xf32>,
        %swap3A_534 = vector.shape_cast %swap3A_533 : vector<1x1x16xf32> to vector<16xf32>
        %swap3A_535 = vector.shape_cast %add3A_527 : vector<16xf32> to vector<1x1x16xf32>
        tpu.vector_store %arg8[%swap3A_530, %swap3A_531, %swap3A_532], %swap3A_535 {strides = array<i32>} : memref<2x32x512xf32, #tpu.memory_space<vmem>>, vector<1x1x16xf32>,
        %add3A_536 = arith.constant 0 : i32
        %add3A_537 = arith.addi %mul3A_261, %add3A_536 : i32
        %get3A_538 = arith.constant 1 : i32
        %get3A_539 = arith.constant 21 : i32
        %get3A_540 = arith.index_cast %get3A_538 : i32 to index
        %get3A_541 = arith.index_cast %get3A_539 : i32 to index
        %get3A_542 = arith.index_cast %add3A_537 : i32 to index
        %get3A_543 = tpu.vector_load %arg6[%get3A_540, %get3A_541, %get3A_542] {strides = array<i32>} : memref<2x32x512xf32, #tpu.memory_space<vmem>>, vector<1x1x16xf32>,
        %get3A_544 = vector.shape_cast %get3A_543 : vector<1x1x16xf32> to vector<16xf32>
        %get3A_545 = arith.constant 1 : i32
        %get3A_546 = arith.constant 21 : i32
        %get3A_547 = arith.index_cast %get3A_545 : i32 to index
        %get3A_548 = arith.index_cast %get3A_546 : i32 to index
        %get3A_549 = arith.index_cast %add3A_537 : i32 to index
        %get3A_550 = tpu.vector_load %arg7[%get3A_547, %get3A_548, %get3A_549] {strides = array<i32>} : memref<2x32x512xf32, #tpu.memory_space<vmem>>, vector<1x1x16xf32>,
        %get3A_551 = vector.shape_cast %get3A_550 : vector<1x1x16xf32> to vector<16xf32>
        %sub3A_552 = arith.subf %get3A_551, %add3A_527 : vector<16xf32>
        %mul3A_553 = arith.mulf %get3A_544, %sub3A_552 : vector<16xf32>
        %add3A_554 = arith.addf %add3A_527, %mul3A_553 : vector<16xf32>
        %swap3A_555 = arith.constant 1 : i32
        %swap3A_556 = arith.constant 21 : i32
        %swap3A_557 = arith.index_cast %swap3A_555 : i32 to index
        %swap3A_558 = arith.index_cast %swap3A_556 : i32 to index
        %swap3A_559 = arith.index_cast %add3A_537 : i32 to index
        %swap3A_560 = tpu.vector_load %arg8[%swap3A_557, %swap3A_558, %swap3A_559] {strides = array<i32>} : memref<2x32x512xf32, #tpu.memory_space<vmem>>, vector<1x1x16xf32>,
        %swap3A_561 = vector.shape_cast %swap3A_560 : vector<1x1x16xf32> to vector<16xf32>
        %swap3A_562 = vector.shape_cast %add3A_554 : vector<16xf32> to vector<1x1x16xf32>
        tpu.vector_store %arg8[%swap3A_557, %swap3A_558, %swap3A_559], %swap3A_562 {strides = array<i32>} : memref<2x32x512xf32, #tpu.memory_space<vmem>>, vector<1x1x16xf32>,
        %add3A_563 = arith.constant 0 : i32
        %add3A_564 = arith.addi %mul3A_261, %add3A_563 : i32
        %get3A_565 = arith.constant 1 : i32
        %get3A_566 = arith.constant 20 : i32
        %get3A_567 = arith.index_cast %get3A_565 : i32 to index
        %get3A_568 = arith.index_cast %get3A_566 : i32 to index
        %get3A_569 = arith.index_cast %add3A_564 : i32 to index
        %get3A_570 = tpu.vector_load %arg6[%get3A_567, %get3A_568, %get3A_569] {strides = array<i32>} : memref<2x32x512xf32, #tpu.memory_space<vmem>>, vector<1x1x16xf32>,
        %get3A_571 = vector.shape_cast %get3A_570 : vector<1x1x16xf32> to vector<16xf32>
        %get3A_572 = arith.constant 1 : i32
        %get3A_573 = arith.constant 20 : i32
        %get3A_574 = arith.index_cast %get3A_572 : i32 to index
        %get3A_575 = arith.index_cast %get3A_573 : i32 to index
        %get3A_576 = arith.index_cast %add3A_564 : i32 to index
        %get3A_577 = tpu.vector_load %arg7[%get3A_574, %get3A_575, %get3A_576] {strides = array<i32>} : memref<2x32x512xf32, #tpu.memory_space<vmem>>, vector<1x1x16xf32>,
        %get3A_578 = vector.shape_cast %get3A_577 : vector<1x1x16xf32> to vector<16xf32>
        %sub3A_579 = arith.subf %get3A_578, %add3A_554 : vector<16xf32>
        %mul3A_580 = arith.mulf %get3A_571, %sub3A_579 : vector<16xf32>
        %add3A_581 = arith.addf %add3A_554, %mul3A_580 : vector<16xf32>
        %swap3A_582 = arith.constant 1 : i32
        %swap3A_583 = arith.constant 20 : i32
        %swap3A_584 = arith.index_cast %swap3A_582 : i32 to index
        %swap3A_585 = arith.index_cast %swap3A_583 : i32 to index
        %swap3A_586 = arith.index_cast %add3A_564 : i32 to index
        %swap3A_587 = tpu.vector_load %arg8[%swap3A_584, %swap3A_585, %swap3A_586] {strides = array<i32>} : memref<2x32x512xf32, #tpu.memory_space<vmem>>, vector<1x1x16xf32>,
        %swap3A_588 = vector.shape_cast %swap3A_587 : vector<1x1x16xf32> to vector<16xf32>
        %swap3A_589 = vector.shape_cast %add3A_581 : vector<16xf32> to vector<1x1x16xf32>
        tpu.vector_store %arg8[%swap3A_584, %swap3A_585, %swap3A_586], %swap3A_589 {strides = array<i32>} : memref<2x32x512xf32, #tpu.memory_space<vmem>>, vector<1x1x16xf32>,
        %add3A_590 = arith.constant 0 : i32
        %add3A_591 = arith.addi %mul3A_261, %add3A_590 : i32
        %get3A_592 = arith.constant 1 : i32
        %get3A_593 = arith.constant 19 : i32
        %get3A_594 = arith.index_cast %get3A_592 : i32 to index
        %get3A_595 = arith.index_cast %get3A_593 : i32 to index
        %get3A_596 = arith.index_cast %add3A_591 : i32 to index
        %get3A_597 = tpu.vector_load %arg6[%get3A_594, %get3A_595, %get3A_596] {strides = array<i32>} : memref<2x32x512xf32, #tpu.memory_space<vmem>>, vector<1x1x16xf32>,
        %get3A_598 = vector.shape_cast %get3A_597 : vector<1x1x16xf32> to vector<16xf32>
        %get3A_599 = arith.constant 1 : i32
        %get3A_600 = arith.constant 19 : i32
        %get3A_601 = arith.index_cast %get3A_599 : i32 to index
        %get3A_602 = arith.index_cast %get3A_600 : i32 to index
        %get3A_603 = arith.index_cast %add3A_591 : i32 to index
        %get3A_604 = tpu.vector_load %arg7[%get3A_601, %get3A_602, %get3A_603] {strides = array<i32>} : memref<2x32x512xf32, #tpu.memory_space<vmem>>, vector<1x1x16xf32>,
        %get3A_605 = vector.shape_cast %get3A_604 : vector<1x1x16xf32> to vector<16xf32>
        %sub3A_606 = arith.subf %get3A_605, %add3A_581 : vector<16xf32>
        %mul3A_607 = arith.mulf %get3A_598, %sub3A_606 : vector<16xf32>
        %add3A_608 = arith.addf %add3A_581, %mul3A_607 : vector<16xf32>
        %swap3A_609 = arith.constant 1 : i32
        %swap3A_610 = arith.constant 19 : i32
        %swap3A_611 = arith.index_cast %swap3A_609 : i32 to index
        %swap3A_612 = arith.index_cast %swap3A_610 : i32 to index
        %swap3A_613 = arith.index_cast %add3A_591 : i32 to index
        %swap3A_614 = tpu.vector_load %arg8[%swap3A_611, %swap3A_612, %swap3A_613] {strides = array<i32>} : memref<2x32x512xf32, #tpu.memory_space<vmem>>, vector<1x1x16xf32>,
        %swap3A_615 = vector.shape_cast %swap3A_614 : vector<1x1x16xf32> to vector<16xf32>
        %swap3A_616 = vector.shape_cast %add3A_608 : vector<16xf32> to vector<1x1x16xf32>
        tpu.vector_store %arg8[%swap3A_611, %swap3A_612, %swap3A_613], %swap3A_616 {strides = array<i32>} : memref<2x32x512xf32, #tpu.memory_space<vmem>>, vector<1x1x16xf32>,
        %add3A_617 = arith.constant 0 : i32
        %add3A_618 = arith.addi %mul3A_261, %add3A_617 : i32
        %get3A_619 = arith.constant 1 : i32
        %get3A_620 = arith.constant 18 : i32
        %get3A_621 = arith.index_cast %get3A_619 : i32 to index
        %get3A_622 = arith.index_cast %get3A_620 : i32 to index
        %get3A_623 = arith.index_cast %add3A_618 : i32 to index
        %get3A_624 = tpu.vector_load %arg6[%get3A_621, %get3A_622, %get3A_623] {strides = array<i32>} : memref<2x32x512xf32, #tpu.memory_space<vmem>>, vector<1x1x16xf32>,
        %get3A_625 = vector.shape_cast %get3A_624 : vector<1x1x16xf32> to vector<16xf32>
        %get3A_626 = arith.constant 1 : i32
        %get3A_627 = arith.constant 18 : i32
        %get3A_628 = arith.index_cast %get3A_626 : i32 to index
        %get3A_629 = arith.index_cast %get3A_627 : i32 to index
        %get3A_630 = arith.index_cast %add3A_618 : i32 to index
        %get3A_631 = tpu.vector_load %arg7[%get3A_628, %get3A_629, %get3A_630] {strides = array<i32>} : memref<2x32x512xf32, #tpu.memory_space<vmem>>, vector<1x1x16xf32>,
        %get3A_632 = vector.shape_cast %get3A_631 : vector<1x1x16xf32> to vector<16xf32>
        %sub3A_633 = arith.subf %get3A_632, %add3A_608 : vector<16xf32>
        %mul3A_634 = arith.mulf %get3A_625, %sub3A_633 : vector<16xf32>
        %add3A_635 = arith.addf %add3A_608, %mul3A_634 : vector<16xf32>
        %swap3A_636 = arith.constant 1 : i32
        %swap3A_637 = arith.constant 18 : i32
        %swap3A_638 = arith.index_cast %swap3A_636 : i32 to index
        %swap3A_639 = arith.index_cast %swap3A_637 : i32 to index
        %swap3A_640 = arith.index_cast %add3A_618 : i32 to index
        %swap3A_641 = tpu.vector_load %arg8[%swap3A_638, %swap3A_639, %swap3A_640] {strides = array<i32>} : memref<2x32x512xf32, #tpu.memory_space<vmem>>, vector<1x1x16xf32>,
        %swap3A_642 = vector.shape_cast %swap3A_641 : vector<1x1x16xf32> to vector<16xf32>
        %swap3A_643 = vector.shape_cast %add3A_635 : vector<16xf32> to vector<1x1x16xf32>
        tpu.vector_store %arg8[%swap3A_638, %swap3A_639, %swap3A_640], %swap3A_643 {strides = array<i32>} : memref<2x32x512xf32, #tpu.memory_space<vmem>>, vector<1x1x16xf32>,
        %add3A_644 = arith.constant 0 : i32
        %add3A_645 = arith.addi %mul3A_261, %add3A_644 : i32
        %get3A_646 = arith.constant 1 : i32
        %get3A_647 = arith.constant 17 : i32
        %get3A_648 = arith.index_cast %get3A_646 : i32 to index
        %get3A_649 = arith.index_cast %get3A_647 : i32 to index
        %get3A_650 = arith.index_cast %add3A_645 : i32 to index
        %get3A_651 = tpu.vector_load %arg6[%get3A_648, %get3A_649, %get3A_650] {strides = array<i32>} : memref<2x32x512xf32, #tpu.memory_space<vmem>>, vector<1x1x16xf32>,
        %get3A_652 = vector.shape_cast %get3A_651 : vector<1x1x16xf32> to vector<16xf32>
        %get3A_653 = arith.constant 1 : i32
        %get3A_654 = arith.constant 17 : i32
        %get3A_655 = arith.index_cast %get3A_653 : i32 to index
        %get3A_656 = arith.index_cast %get3A_654 : i32 to index
        %get3A_657 = arith.index_cast %add3A_645 : i32 to index
        %get3A_658 = tpu.vector_load %arg7[%get3A_655, %get3A_656, %get3A_657] {strides = array<i32>} : memref<2x32x512xf32, #tpu.memory_space<vmem>>, vector<1x1x16xf32>,
        %get3A_659 = vector.shape_cast %get3A_658 : vector<1x1x16xf32> to vector<16xf32>
        %sub3A_660 = arith.subf %get3A_659, %add3A_635 : vector<16xf32>
        %mul3A_661 = arith.mulf %get3A_652, %sub3A_660 : vector<16xf32>
        %add3A_662 = arith.addf %add3A_635, %mul3A_661 : vector<16xf32>
        %swap3A_663 = arith.constant 1 : i32
        %swap3A_664 = arith.constant 17 : i32
        %swap3A_665 = arith.index_cast %swap3A_663 : i32 to index
        %swap3A_666 = arith.index_cast %swap3A_664 : i32 to index
        %swap3A_667 = arith.index_cast %add3A_645 : i32 to index
        %swap3A_668 = tpu.vector_load %arg8[%swap3A_665, %swap3A_666, %swap3A_667] {strides = array<i32>} : memref<2x32x512xf32, #tpu.memory_space<vmem>>, vector<1x1x16xf32>,
        %swap3A_669 = vector.shape_cast %swap3A_668 : vector<1x1x16xf32> to vector<16xf32>
        %swap3A_670 = vector.shape_cast %add3A_662 : vector<16xf32> to vector<1x1x16xf32>
        tpu.vector_store %arg8[%swap3A_665, %swap3A_666, %swap3A_667], %swap3A_670 {strides = array<i32>} : memref<2x32x512xf32, #tpu.memory_space<vmem>>, vector<1x1x16xf32>,
        %add3A_671 = arith.constant 0 : i32
        %add3A_672 = arith.addi %mul3A_261, %add3A_671 : i32
        %get3A_673 = arith.constant 1 : i32
        %get3A_674 = arith.constant 16 : i32
        %get3A_675 = arith.index_cast %get3A_673 : i32 to index
        %get3A_676 = arith.index_cast %get3A_674 : i32 to index
        %get3A_677 = arith.index_cast %add3A_672 : i32 to index
        %get3A_678 = tpu.vector_load %arg6[%get3A_675, %get3A_676, %get3A_677] {strides = array<i32>} : memref<2x32x512xf32, #tpu.memory_space<vmem>>, vector<1x1x16xf32>,
        %get3A_679 = vector.shape_cast %get3A_678 : vector<1x1x16xf32> to vector<16xf32>
        %get3A_680 = arith.constant 1 : i32
        %get3A_681 = arith.constant 16 : i32
        %get3A_682 = arith.index_cast %get3A_680 : i32 to index
        %get3A_683 = arith.index_cast %get3A_681 : i32 to index
        %get3A_684 = arith.index_cast %add3A_672 : i32 to index
        %get3A_685 = tpu.vector_load %arg7[%get3A_682, %get3A_683, %get3A_684] {strides = array<i32>} : memref<2x32x512xf32, #tpu.memory_space<vmem>>, vector<1x1x16xf32>,
        %get3A_686 = vector.shape_cast %get3A_685 : vector<1x1x16xf32> to vector<16xf32>
        %sub3A_687 = arith.subf %get3A_686, %add3A_662 : vector<16xf32>
        %mul3A_688 = arith.mulf %get3A_679, %sub3A_687 : vector<16xf32>
        %add3A_689 = arith.addf %add3A_662, %mul3A_688 : vector<16xf32>
        %swap3A_690 = arith.constant 1 : i32
        %swap3A_691 = arith.constant 16 : i32
        %swap3A_692 = arith.index_cast %swap3A_690 : i32 to index
        %swap3A_693 = arith.index_cast %swap3A_691 : i32 to index
        %swap3A_694 = arith.index_cast %add3A_672 : i32 to index
        %swap3A_695 = tpu.vector_load %arg8[%swap3A_692, %swap3A_693, %swap3A_694] {strides = array<i32>} : memref<2x32x512xf32, #tpu.memory_space<vmem>>, vector<1x1x16xf32>,
        %swap3A_696 = vector.shape_cast %swap3A_695 : vector<1x1x16xf32> to vector<16xf32>
        %swap3A_697 = vector.shape_cast %add3A_689 : vector<16xf32> to vector<1x1x16xf32>
        tpu.vector_store %arg8[%swap3A_692, %swap3A_693, %swap3A_694], %swap3A_697 {strides = array<i32>} : memref<2x32x512xf32, #tpu.memory_space<vmem>>, vector<1x1x16xf32>,
        %add3A_698 = arith.constant 0 : i32
        %add3A_699 = arith.addi %mul3A_261, %add3A_698 : i32
        %get3A_700 = arith.constant 1 : i32
        %get3A_701 = arith.constant 15 : i32
        %get3A_702 = arith.index_cast %get3A_700 : i32 to index
        %get3A_703 = arith.index_cast %get3A_701 : i32 to index
        %get3A_704 = arith.index_cast %add3A_699 : i32 to index
        %get3A_705 = tpu.vector_load %arg6[%get3A_702, %get3A_703, %get3A_704] {strides = array<i32>} : memref<2x32x512xf32, #tpu.memory_space<vmem>>, vector<1x1x16xf32>,
        %get3A_706 = vector.shape_cast %get3A_705 : vector<1x1x16xf32> to vector<16xf32>
        %get3A_707 = arith.constant 1 : i32
        %get3A_708 = arith.constant 15 : i32
        %get3A_709 = arith.index_cast %get3A_707 : i32 to index
        %get3A_710 = arith.index_cast %get3A_708 : i32 to index
        %get3A_711 = arith.index_cast %add3A_699 : i32 to index
        %get3A_712 = tpu.vector_load %arg7[%get3A_709, %get3A_710, %get3A_711] {strides = array<i32>} : memref<2x32x512xf32, #tpu.memory_space<vmem>>, vector<1x1x16xf32>,
        %get3A_713 = vector.shape_cast %get3A_712 : vector<1x1x16xf32> to vector<16xf32>
        %sub3A_714 = arith.subf %get3A_713, %add3A_689 : vector<16xf32>
        %mul3A_715 = arith.mulf %get3A_706, %sub3A_714 : vector<16xf32>
        %add3A_716 = arith.addf %add3A_689, %mul3A_715 : vector<16xf32>
        %swap3A_717 = arith.constant 1 : i32
        %swap3A_718 = arith.constant 15 : i32
        %swap3A_719 = arith.index_cast %swap3A_717 : i32 to index
        %swap3A_720 = arith.index_cast %swap3A_718 : i32 to index
        %swap3A_721 = arith.index_cast %add3A_699 : i32 to index
        %swap3A_722 = tpu.vector_load %arg8[%swap3A_719, %swap3A_720, %swap3A_721] {strides = array<i32>} : memref<2x32x512xf32, #tpu.memory_space<vmem>>, vector<1x1x16xf32>,
        %swap3A_723 = vector.shape_cast %swap3A_722 : vector<1x1x16xf32> to vector<16xf32>
        %swap3A_724 = vector.shape_cast %add3A_716 : vector<16xf32> to vector<1x1x16xf32>
        tpu.vector_store %arg8[%swap3A_719, %swap3A_720, %swap3A_721], %swap3A_724 {strides = array<i32>} : memref<2x32x512xf32, #tpu.memory_space<vmem>>, vector<1x1x16xf32>,
        %add3A_725 = arith.constant 0 : i32
        %add3A_726 = arith.addi %mul3A_261, %add3A_725 : i32
        %get3A_727 = arith.constant 1 : i32
        %get3A_728 = arith.constant 14 : i32
        %get3A_729 = arith.index_cast %get3A_727 : i32 to index
        %get3A_730 = arith.index_cast %get3A_728 : i32 to index
        %get3A_731 = arith.index_cast %add3A_726 : i32 to index
        %get3A_732 = tpu.vector_load %arg6[%get3A_729, %get3A_730, %get3A_731] {strides = array<i32>} : memref<2x32x512xf32, #tpu.memory_space<vmem>>, vector<1x1x16xf32>,
        %get3A_733 = vector.shape_cast %get3A_732 : vector<1x1x16xf32> to vector<16xf32>
        %get3A_734 = arith.constant 1 : i32
        %get3A_735 = arith.constant 14 : i32
        %get3A_736 = arith.index_cast %get3A_734 : i32 to index
        %get3A_737 = arith.index_cast %get3A_735 : i32 to index
        %get3A_738 = arith.index_cast %add3A_726 : i32 to index
        %get3A_739 = tpu.vector_load %arg7[%get3A_736, %get3A_737, %get3A_738] {strides = array<i32>} : memref<2x32x512xf32, #tpu.memory_space<vmem>>, vector<1x1x16xf32>,
        %get3A_740 = vector.shape_cast %get3A_739 : vector<1x1x16xf32> to vector<16xf32>
        %sub3A_741 = arith.subf %get3A_740, %add3A_716 : vector<16xf32>
        %mul3A_742 = arith.mulf %get3A_733, %sub3A_741 : vector<16xf32>
        %add3A_743 = arith.addf %add3A_716, %mul3A_742 : vector<16xf32>
        %swap3A_744 = arith.constant 1 : i32
        %swap3A_745 = arith.constant 14 : i32
        %swap3A_746 = arith.index_cast %swap3A_744 : i32 to index
        %swap3A_747 = arith.index_cast %swap3A_745 : i32 to index
        %swap3A_748 = arith.index_cast %add3A_726 : i32 to index
        %swap3A_749 = tpu.vector_load %arg8[%swap3A_746, %swap3A_747, %swap3A_748] {strides = array<i32>} : memref<2x32x512xf32, #tpu.memory_space<vmem>>, vector<1x1x16xf32>,
        %swap3A_750 = vector.shape_cast %swap3A_749 : vector<1x1x16xf32> to vector<16xf32>
        %swap3A_751 = vector.shape_cast %add3A_743 : vector<16xf32> to vector<1x1x16xf32>
        tpu.vector_store %arg8[%swap3A_746, %swap3A_747, %swap3A_748], %swap3A_751 {strides = array<i32>} : memref<2x32x512xf32, #tpu.memory_space<vmem>>, vector<1x1x16xf32>,
        %add3A_752 = arith.constant 0 : i32
        %add3A_753 = arith.addi %mul3A_261, %add3A_752 : i32
        %get3A_754 = arith.constant 1 : i32
        %get3A_755 = arith.constant 13 : i32
        %get3A_756 = arith.index_cast %get3A_754 : i32 to index
        %get3A_757 = arith.index_cast %get3A_755 : i32 to index
        %get3A_758 = arith.index_cast %add3A_753 : i32 to index
        %get3A_759 = tpu.vector_load %arg6[%get3A_756, %get3A_757, %get3A_758] {strides = array<i32>} : memref<2x32x512xf32, #tpu.memory_space<vmem>>, vector<1x1x16xf32>,
        %get3A_760 = vector.shape_cast %get3A_759 : vector<1x1x16xf32> to vector<16xf32>
        %get3A_761 = arith.constant 1 : i32
        %get3A_762 = arith.constant 13 : i32
        %get3A_763 = arith.index_cast %get3A_761 : i32 to index
        %get3A_764 = arith.index_cast %get3A_762 : i32 to index
        %get3A_765 = arith.index_cast %add3A_753 : i32 to index
        %get3A_766 = tpu.vector_load %arg7[%get3A_763, %get3A_764, %get3A_765] {strides = array<i32>} : memref<2x32x512xf32, #tpu.memory_space<vmem>>, vector<1x1x16xf32>,
        %get3A_767 = vector.shape_cast %get3A_766 : vector<1x1x16xf32> to vector<16xf32>
        %sub3A_768 = arith.subf %get3A_767, %add3A_743 : vector<16xf32>
        %mul3A_769 = arith.mulf %get3A_760, %sub3A_768 : vector<16xf32>
        %add3A_770 = arith.addf %add3A_743, %mul3A_769 : vector<16xf32>
        %swap3A_771 = arith.constant 1 : i32
        %swap3A_772 = arith.constant 13 : i32
        %swap3A_773 = arith.index_cast %swap3A_771 : i32 to index
        %swap3A_774 = arith.index_cast %swap3A_772 : i32 to index
        %swap3A_775 = arith.index_cast %add3A_753 : i32 to index
        %swap3A_776 = tpu.vector_load %arg8[%swap3A_773, %swap3A_774, %swap3A_775] {strides = array<i32>} : memref<2x32x512xf32, #tpu.memory_space<vmem>>, vector<1x1x16xf32>,
        %swap3A_777 = vector.shape_cast %swap3A_776 : vector<1x1x16xf32> to vector<16xf32>
        %swap3A_778 = vector.shape_cast %add3A_770 : vector<16xf32> to vector<1x1x16xf32>
        tpu.vector_store %arg8[%swap3A_773, %swap3A_774, %swap3A_775], %swap3A_778 {strides = array<i32>} : memref<2x32x512xf32, #tpu.memory_space<vmem>>, vector<1x1x16xf32>,
        %add3A_779 = arith.constant 0 : i32
        %add3A_780 = arith.addi %mul3A_261, %add3A_779 : i32
        %get3A_781 = arith.constant 1 : i32
        %get3A_782 = arith.constant 12 : i32
        %get3A_783 = arith.index_cast %get3A_781 : i32 to index
        %get3A_784 = arith.index_cast %get3A_782 : i32 to index
        %get3A_785 = arith.index_cast %add3A_780 : i32 to index
        %get3A_786 = tpu.vector_load %arg6[%get3A_783, %get3A_784, %get3A_785] {strides = array<i32>} : memref<2x32x512xf32, #tpu.memory_space<vmem>>, vector<1x1x16xf32>,
        %get3A_787 = vector.shape_cast %get3A_786 : vector<1x1x16xf32> to vector<16xf32>
        %get3A_788 = arith.constant 1 : i32
        %get3A_789 = arith.constant 12 : i32
        %get3A_790 = arith.index_cast %get3A_788 : i32 to index
        %get3A_791 = arith.index_cast %get3A_789 : i32 to index
        %get3A_792 = arith.index_cast %add3A_780 : i32 to index
        %get3A_793 = tpu.vector_load %arg7[%get3A_790, %get3A_791, %get3A_792] {strides = array<i32>} : memref<2x32x512xf32, #tpu.memory_space<vmem>>, vector<1x1x16xf32>,
        %get3A_794 = vector.shape_cast %get3A_793 : vector<1x1x16xf32> to vector<16xf32>
        %sub3A_795 = arith.subf %get3A_794, %add3A_770 : vector<16xf32>
        %mul3A_796 = arith.mulf %get3A_787, %sub3A_795 : vector<16xf32>
        %add3A_797 = arith.addf %add3A_770, %mul3A_796 : vector<16xf32>
        %swap3A_798 = arith.constant 1 : i32
        %swap3A_799 = arith.constant 12 : i32
        %swap3A_800 = arith.index_cast %swap3A_798 : i32 to index
        %swap3A_801 = arith.index_cast %swap3A_799 : i32 to index
        %swap3A_802 = arith.index_cast %add3A_780 : i32 to index
        %swap3A_803 = tpu.vector_load %arg8[%swap3A_800, %swap3A_801, %swap3A_802] {strides = array<i32>} : memref<2x32x512xf32, #tpu.memory_space<vmem>>, vector<1x1x16xf32>,
        %swap3A_804 = vector.shape_cast %swap3A_803 : vector<1x1x16xf32> to vector<16xf32>
        %swap3A_805 = vector.shape_cast %add3A_797 : vector<16xf32> to vector<1x1x16xf32>
        tpu.vector_store %arg8[%swap3A_800, %swap3A_801, %swap3A_802], %swap3A_805 {strides = array<i32>} : memref<2x32x512xf32, #tpu.memory_space<vmem>>, vector<1x1x16xf32>,
        %add3A_806 = arith.constant 0 : i32
        %add3A_807 = arith.addi %mul3A_261, %add3A_806 : i32
        %get3A_808 = arith.constant 1 : i32
        %get3A_809 = arith.constant 11 : i32
        %get3A_810 = arith.index_cast %get3A_808 : i32 to index
        %get3A_811 = arith.index_cast %get3A_809 : i32 to index
        %get3A_812 = arith.index_cast %add3A_807 : i32 to index
        %get3A_813 = tpu.vector_load %arg6[%get3A_810, %get3A_811, %get3A_812] {strides = array<i32>} : memref<2x32x512xf32, #tpu.memory_space<vmem>>, vector<1x1x16xf32>,
        %get3A_814 = vector.shape_cast %get3A_813 : vector<1x1x16xf32> to vector<16xf32>
        %get3A_815 = arith.constant 1 : i32
        %get3A_816 = arith.constant 11 : i32
        %get3A_817 = arith.index_cast %get3A_815 : i32 to index
        %get3A_818 = arith.index_cast %get3A_816 : i32 to index
        %get3A_819 = arith.index_cast %add3A_807 : i32 to index
        %get3A_820 = tpu.vector_load %arg7[%get3A_817, %get3A_818, %get3A_819] {strides = array<i32>} : memref<2x32x512xf32, #tpu.memory_space<vmem>>, vector<1x1x16xf32>,
        %get3A_821 = vector.shape_cast %get3A_820 : vector<1x1x16xf32> to vector<16xf32>
        %sub3A_822 = arith.subf %get3A_821, %add3A_797 : vector<16xf32>
        %mul3A_823 = arith.mulf %get3A_814, %sub3A_822 : vector<16xf32>
        %add3A_824 = arith.addf %add3A_797, %mul3A_823 : vector<16xf32>
        %swap3A_825 = arith.constant 1 : i32
        %swap3A_826 = arith.constant 11 : i32
        %swap3A_827 = arith.index_cast %swap3A_825 : i32 to index
        %swap3A_828 = arith.index_cast %swap3A_826 : i32 to index
        %swap3A_829 = arith.index_cast %add3A_807 : i32 to index
        %swap3A_830 = tpu.vector_load %arg8[%swap3A_827, %swap3A_828, %swap3A_829] {strides = array<i32>} : memref<2x32x512xf32, #tpu.memory_space<vmem>>, vector<1x1x16xf32>,
        %swap3A_831 = vector.shape_cast %swap3A_830 : vector<1x1x16xf32> to vector<16xf32>
        %swap3A_832 = vector.shape_cast %add3A_824 : vector<16xf32> to vector<1x1x16xf32>
        tpu.vector_store %arg8[%swap3A_827, %swap3A_828, %swap3A_829], %swap3A_832 {strides = array<i32>} : memref<2x32x512xf32, #tpu.memory_space<vmem>>, vector<1x1x16xf32>,
        %add3A_833 = arith.constant 0 : i32
        %add3A_834 = arith.addi %mul3A_261, %add3A_833 : i32
        %get3A_835 = arith.constant 1 : i32
        %get3A_836 = arith.constant 10 : i32
        %get3A_837 = arith.index_cast %get3A_835 : i32 to index
        %get3A_838 = arith.index_cast %get3A_836 : i32 to index
        %get3A_839 = arith.index_cast %add3A_834 : i32 to index
        %get3A_840 = tpu.vector_load %arg6[%get3A_837, %get3A_838, %get3A_839] {strides = array<i32>} : memref<2x32x512xf32, #tpu.memory_space<vmem>>, vector<1x1x16xf32>,
        %get3A_841 = vector.shape_cast %get3A_840 : vector<1x1x16xf32> to vector<16xf32>
        %get3A_842 = arith.constant 1 : i32
        %get3A_843 = arith.constant 10 : i32
        %get3A_844 = arith.index_cast %get3A_842 : i32 to index
        %get3A_845 = arith.index_cast %get3A_843 : i32 to index
        %get3A_846 = arith.index_cast %add3A_834 : i32 to index
        %get3A_847 = tpu.vector_load %arg7[%get3A_844, %get3A_845, %get3A_846] {strides = array<i32>} : memref<2x32x512xf32, #tpu.memory_space<vmem>>, vector<1x1x16xf32>,
        %get3A_848 = vector.shape_cast %get3A_847 : vector<1x1x16xf32> to vector<16xf32>
        %sub3A_849 = arith.subf %get3A_848, %add3A_824 : vector<16xf32>
        %mul3A_850 = arith.mulf %get3A_841, %sub3A_849 : vector<16xf32>
        %add3A_851 = arith.addf %add3A_824, %mul3A_850 : vector<16xf32>
        %swap3A_852 = arith.constant 1 : i32
        %swap3A_853 = arith.constant 10 : i32
        %swap3A_854 = arith.index_cast %swap3A_852 : i32 to index
        %swap3A_855 = arith.index_cast %swap3A_853 : i32 to index
        %swap3A_856 = arith.index_cast %add3A_834 : i32 to index
        %swap3A_857 = tpu.vector_load %arg8[%swap3A_854, %swap3A_855, %swap3A_856] {strides = array<i32>} : memref<2x32x512xf32, #tpu.memory_space<vmem>>, vector<1x1x16xf32>,
        %swap3A_858 = vector.shape_cast %swap3A_857 : vector<1x1x16xf32> to vector<16xf32>
        %swap3A_859 = vector.shape_cast %add3A_851 : vector<16xf32> to vector<1x1x16xf32>
        tpu.vector_store %arg8[%swap3A_854, %swap3A_855, %swap3A_856], %swap3A_859 {strides = array<i32>} : memref<2x32x512xf32, #tpu.memory_space<vmem>>, vector<1x1x16xf32>,
        %add3A_860 = arith.constant 0 : i32
        %add3A_861 = arith.addi %mul3A_261, %add3A_860 : i32
        %get3A_862 = arith.constant 1 : i32
        %get3A_863 = arith.constant 9 : i32
        %get3A_864 = arith.index_cast %get3A_862 : i32 to index
        %get3A_865 = arith.index_cast %get3A_863 : i32 to index
        %get3A_866 = arith.index_cast %add3A_861 : i32 to index
        %get3A_867 = tpu.vector_load %arg6[%get3A_864, %get3A_865, %get3A_866] {strides = array<i32>} : memref<2x32x512xf32, #tpu.memory_space<vmem>>, vector<1x1x16xf32>,
        %get3A_868 = vector.shape_cast %get3A_867 : vector<1x1x16xf32> to vector<16xf32>
        %get3A_869 = arith.constant 1 : i32
        %get3A_870 = arith.constant 9 : i32
        %get3A_871 = arith.index_cast %get3A_869 : i32 to index
        %get3A_872 = arith.index_cast %get3A_870 : i32 to index
        %get3A_873 = arith.index_cast %add3A_861 : i32 to index
        %get3A_874 = tpu.vector_load %arg7[%get3A_871, %get3A_872, %get3A_873] {strides = array<i32>} : memref<2x32x512xf32, #tpu.memory_space<vmem>>, vector<1x1x16xf32>,
        %get3A_875 = vector.shape_cast %get3A_874 : vector<1x1x16xf32> to vector<16xf32>
        %sub3A_876 = arith.subf %get3A_875, %add3A_851 : vector<16xf32>
        %mul3A_877 = arith.mulf %get3A_868, %sub3A_876 : vector<16xf32>
        %add3A_878 = arith.addf %add3A_851, %mul3A_877 : vector<16xf32>
        %swap3A_879 = arith.constant 1 : i32
        %swap3A_880 = arith.constant 9 : i32
        %swap3A_881 = arith.index_cast %swap3A_879 : i32 to index
        %swap3A_882 = arith.index_cast %swap3A_880 : i32 to index
        %swap3A_883 = arith.index_cast %add3A_861 : i32 to index
        %swap3A_884 = tpu.vector_load %arg8[%swap3A_881, %swap3A_882, %swap3A_883] {strides = array<i32>} : memref<2x32x512xf32, #tpu.memory_space<vmem>>, vector<1x1x16xf32>,
        %swap3A_885 = vector.shape_cast %swap3A_884 : vector<1x1x16xf32> to vector<16xf32>
        %swap3A_886 = vector.shape_cast %add3A_878 : vector<16xf32> to vector<1x1x16xf32>
        tpu.vector_store %arg8[%swap3A_881, %swap3A_882, %swap3A_883], %swap3A_886 {strides = array<i32>} : memref<2x32x512xf32, #tpu.memory_space<vmem>>, vector<1x1x16xf32>,
        %add3A_887 = arith.constant 0 : i32
        %add3A_888 = arith.addi %mul3A_261, %add3A_887 : i32
        %get3A_889 = arith.constant 1 : i32
        %get3A_890 = arith.constant 8 : i32
        %get3A_891 = arith.index_cast %get3A_889 : i32 to index
        %get3A_892 = arith.index_cast %get3A_890 : i32 to index
        %get3A_893 = arith.index_cast %add3A_888 : i32 to index
        %get3A_894 = tpu.vector_load %arg6[%get3A_891, %get3A_892, %get3A_893] {strides = array<i32>} : memref<2x32x512xf32, #tpu.memory_space<vmem>>, vector<1x1x16xf32>,
        %get3A_895 = vector.shape_cast %get3A_894 : vector<1x1x16xf32> to vector<16xf32>
        %get3A_896 = arith.constant 1 : i32
        %get3A_897 = arith.constant 8 : i32
        %get3A_898 = arith.index_cast %get3A_896 : i32 to index
        %get3A_899 = arith.index_cast %get3A_897 : i32 to index
        %get3A_900 = arith.index_cast %add3A_888 : i32 to index
        %get3A_901 = tpu.vector_load %arg7[%get3A_898, %get3A_899, %get3A_900] {strides = array<i32>} : memref<2x32x512xf32, #tpu.memory_space<vmem>>, vector<1x1x16xf32>,
        %get3A_902 = vector.shape_cast %get3A_901 : vector<1x1x16xf32> to vector<16xf32>
        %sub3A_903 = arith.subf %get3A_902, %add3A_878 : vector<16xf32>
        %mul3A_904 = arith.mulf %get3A_895, %sub3A_903 : vector<16xf32>
        %add3A_905 = arith.addf %add3A_878, %mul3A_904 : vector<16xf32>
        %swap3A_906 = arith.constant 1 : i32
        %swap3A_907 = arith.constant 8 : i32
        %swap3A_908 = arith.index_cast %swap3A_906 : i32 to index
        %swap3A_909 = arith.index_cast %swap3A_907 : i32 to index
        %swap3A_910 = arith.index_cast %add3A_888 : i32 to index
        %swap3A_911 = tpu.vector_load %arg8[%swap3A_908, %swap3A_909, %swap3A_910] {strides = array<i32>} : memref<2x32x512xf32, #tpu.memory_space<vmem>>, vector<1x1x16xf32>,
        %swap3A_912 = vector.shape_cast %swap3A_911 : vector<1x1x16xf32> to vector<16xf32>
        %swap3A_913 = vector.shape_cast %add3A_905 : vector<16xf32> to vector<1x1x16xf32>
        tpu.vector_store %arg8[%swap3A_908, %swap3A_909, %swap3A_910], %swap3A_913 {strides = array<i32>} : memref<2x32x512xf32, #tpu.memory_space<vmem>>, vector<1x1x16xf32>,
        %add3A_914 = arith.constant 0 : i32
        %add3A_915 = arith.addi %mul3A_261, %add3A_914 : i32
        %get3A_916 = arith.constant 1 : i32
        %get3A_917 = arith.constant 7 : i32
        %get3A_918 = arith.index_cast %get3A_916 : i32 to index
        %get3A_919 = arith.index_cast %get3A_917 : i32 to index
        %get3A_920 = arith.index_cast %add3A_915 : i32 to index
        %get3A_921 = tpu.vector_load %arg6[%get3A_918, %get3A_919, %get3A_920] {strides = array<i32>} : memref<2x32x512xf32, #tpu.memory_space<vmem>>, vector<1x1x16xf32>,
        %get3A_922 = vector.shape_cast %get3A_921 : vector<1x1x16xf32> to vector<16xf32>
        %get3A_923 = arith.constant 1 : i32
        %get3A_924 = arith.constant 7 : i32
        %get3A_925 = arith.index_cast %get3A_923 : i32 to index
        %get3A_926 = arith.index_cast %get3A_924 : i32 to index
        %get3A_927 = arith.index_cast %add3A_915 : i32 to index
        %get3A_928 = tpu.vector_load %arg7[%get3A_925, %get3A_926, %get3A_927] {strides = array<i32>} : memref<2x32x512xf32, #tpu.memory_space<vmem>>, vector<1x1x16xf32>,
        %get3A_929 = vector.shape_cast %get3A_928 : vector<1x1x16xf32> to vector<16xf32>
        %sub3A_930 = arith.subf %get3A_929, %add3A_905 : vector<16xf32>
        %mul3A_931 = arith.mulf %get3A_922, %sub3A_930 : vector<16xf32>
        %add3A_932 = arith.addf %add3A_905, %mul3A_931 : vector<16xf32>
        %swap3A_933 = arith.constant 1 : i32
        %swap3A_934 = arith.constant 7 : i32
        %swap3A_935 = arith.index_cast %swap3A_933 : i32 to index
        %swap3A_936 = arith.index_cast %swap3A_934 : i32 to index
        %swap3A_937 = arith.index_cast %add3A_915 : i32 to index
        %swap3A_938 = tpu.vector_load %arg8[%swap3A_935, %swap3A_936, %swap3A_937] {strides = array<i32>} : memref<2x32x512xf32, #tpu.memory_space<vmem>>, vector<1x1x16xf32>,
        %swap3A_939 = vector.shape_cast %swap3A_938 : vector<1x1x16xf32> to vector<16xf32>
        %swap3A_940 = vector.shape_cast %add3A_932 : vector<16xf32> to vector<1x1x16xf32>
        tpu.vector_store %arg8[%swap3A_935, %swap3A_936, %swap3A_937], %swap3A_940 {strides = array<i32>} : memref<2x32x512xf32, #tpu.memory_space<vmem>>, vector<1x1x16xf32>,
        %add3A_941 = arith.constant 0 : i32
        %add3A_942 = arith.addi %mul3A_261, %add3A_941 : i32
        %get3A_943 = arith.constant 1 : i32
        %get3A_944 = arith.constant 6 : i32
        %get3A_945 = arith.index_cast %get3A_943 : i32 to index
        %get3A_946 = arith.index_cast %get3A_944 : i32 to index
        %get3A_947 = arith.index_cast %add3A_942 : i32 to index
        %get3A_948 = tpu.vector_load %arg6[%get3A_945, %get3A_946, %get3A_947] {strides = array<i32>} : memref<2x32x512xf32, #tpu.memory_space<vmem>>, vector<1x1x16xf32>,
        %get3A_949 = vector.shape_cast %get3A_948 : vector<1x1x16xf32> to vector<16xf32>
        %get3A_950 = arith.constant 1 : i32
        %get3A_951 = arith.constant 6 : i32
        %get3A_952 = arith.index_cast %get3A_950 : i32 to index
        %get3A_953 = arith.index_cast %get3A_951 : i32 to index
        %get3A_954 = arith.index_cast %add3A_942 : i32 to index
        %get3A_955 = tpu.vector_load %arg7[%get3A_952, %get3A_953, %get3A_954] {strides = array<i32>} : memref<2x32x512xf32, #tpu.memory_space<vmem>>, vector<1x1x16xf32>,
        %get3A_956 = vector.shape_cast %get3A_955 : vector<1x1x16xf32> to vector<16xf32>
        %sub3A_957 = arith.subf %get3A_956, %add3A_932 : vector<16xf32>
        %mul3A_958 = arith.mulf %get3A_949, %sub3A_957 : vector<16xf32>
        %add3A_959 = arith.addf %add3A_932, %mul3A_958 : vector<16xf32>
        %swap3A_960 = arith.constant 1 : i32
        %swap3A_961 = arith.constant 6 : i32
        %swap3A_962 = arith.index_cast %swap3A_960 : i32 to index
        %swap3A_963 = arith.index_cast %swap3A_961 : i32 to index
        %swap3A_964 = arith.index_cast %add3A_942 : i32 to index
        %swap3A_965 = tpu.vector_load %arg8[%swap3A_962, %swap3A_963, %swap3A_964] {strides = array<i32>} : memref<2x32x512xf32, #tpu.memory_space<vmem>>, vector<1x1x16xf32>,
        %swap3A_966 = vector.shape_cast %swap3A_965 : vector<1x1x16xf32> to vector<16xf32>
        %swap3A_967 = vector.shape_cast %add3A_959 : vector<16xf32> to vector<1x1x16xf32>
        tpu.vector_store %arg8[%swap3A_962, %swap3A_963, %swap3A_964], %swap3A_967 {strides = array<i32>} : memref<2x32x512xf32, #tpu.memory_space<vmem>>, vector<1x1x16xf32>,
        %add3A_968 = arith.constant 0 : i32
        %add3A_969 = arith.addi %mul3A_261, %add3A_968 : i32
        %get3A_970 = arith.constant 1 : i32
        %get3A_971 = arith.constant 5 : i32
        %get3A_972 = arith.index_cast %get3A_970 : i32 to index
        %get3A_973 = arith.index_cast %get3A_971 : i32 to index
        %get3A_974 = arith.index_cast %add3A_969 : i32 to index
        %get3A_975 = tpu.vector_load %arg6[%get3A_972, %get3A_973, %get3A_974] {strides = array<i32>} : memref<2x32x512xf32, #tpu.memory_space<vmem>>, vector<1x1x16xf32>,
        %get3A_976 = vector.shape_cast %get3A_975 : vector<1x1x16xf32> to vector<16xf32>
        %get3A_977 = arith.constant 1 : i32
        %get3A_978 = arith.constant 5 : i32
        %get3A_979 = arith.index_cast %get3A_977 : i32 to index
        %get3A_980 = arith.index_cast %get3A_978 : i32 to index
        %get3A_981 = arith.index_cast %add3A_969 : i32 to index
        %get3A_982 = tpu.vector_load %arg7[%get3A_979, %get3A_980, %get3A_981] {strides = array<i32>} : memref<2x32x512xf32, #tpu.memory_space<vmem>>, vector<1x1x16xf32>,
        %get3A_983 = vector.shape_cast %get3A_982 : vector<1x1x16xf32> to vector<16xf32>
        %sub3A_984 = arith.subf %get3A_983, %add3A_959 : vector<16xf32>
        %mul3A_985 = arith.mulf %get3A_976, %sub3A_984 : vector<16xf32>
        %add3A_986 = arith.addf %add3A_959, %mul3A_985 : vector<16xf32>
        %swap3A_987 = arith.constant 1 : i32
        %swap3A_988 = arith.constant 5 : i32
        %swap3A_989 = arith.index_cast %swap3A_987 : i32 to index
        %swap3A_990 = arith.index_cast %swap3A_988 : i32 to index
        %swap3A_991 = arith.index_cast %add3A_969 : i32 to index
        %swap3A_992 = tpu.vector_load %arg8[%swap3A_989, %swap3A_990, %swap3A_991] {strides = array<i32>} : memref<2x32x512xf32, #tpu.memory_space<vmem>>, vector<1x1x16xf32>,
        %swap3A_993 = vector.shape_cast %swap3A_992 : vector<1x1x16xf32> to vector<16xf32>
        %swap3A_994 = vector.shape_cast %add3A_986 : vector<16xf32> to vector<1x1x16xf32>
        tpu.vector_store %arg8[%swap3A_989, %swap3A_990, %swap3A_991], %swap3A_994 {strides = array<i32>} : memref<2x32x512xf32, #tpu.memory_space<vmem>>, vector<1x1x16xf32>,
        %add3A_995 = arith.constant 0 : i32
        %add3A_996 = arith.addi %mul3A_261, %add3A_995 : i32
        %get3A_997 = arith.constant 1 : i32
        %get3A_998 = arith.constant 4 : i32
        %get3A_999 = arith.index_cast %get3A_997 : i32 to index
        %get3A_1000 = arith.index_cast %get3A_998 : i32 to index
        %get3A_1001 = arith.index_cast %add3A_996 : i32 to index
        %get3A_1002 = tpu.vector_load %arg6[%get3A_999, %get3A_1000, %get3A_1001] {strides = array<i32>} : memref<2x32x512xf32, #tpu.memory_space<vmem>>, vector<1x1x16xf32>,
        %get3A_1003 = vector.shape_cast %get3A_1002 : vector<1x1x16xf32> to vector<16xf32>
        %get3A_1004 = arith.constant 1 : i32
        %get3A_1005 = arith.constant 4 : i32
        %get3A_1006 = arith.index_cast %get3A_1004 : i32 to index
        %get3A_1007 = arith.index_cast %get3A_1005 : i32 to index
        %get3A_1008 = arith.index_cast %add3A_996 : i32 to index
        %get3A_1009 = tpu.vector_load %arg7[%get3A_1006, %get3A_1007, %get3A_1008] {strides = array<i32>} : memref<2x32x512xf32, #tpu.memory_space<vmem>>, vector<1x1x16xf32>,
        %get3A_1010 = vector.shape_cast %get3A_1009 : vector<1x1x16xf32> to vector<16xf32>
        %sub3A_1011 = arith.subf %get3A_1010, %add3A_986 : vector<16xf32>
        %mul3A_1012 = arith.mulf %get3A_1003, %sub3A_1011 : vector<16xf32>
        %add3A_1013 = arith.addf %add3A_986, %mul3A_1012 : vector<16xf32>
        %swap3A_1014 = arith.constant 1 : i32
        %swap3A_1015 = arith.constant 4 : i32
        %swap3A_1016 = arith.index_cast %swap3A_1014 : i32 to index
        %swap3A_1017 = arith.index_cast %swap3A_1015 : i32 to index
        %swap3A_1018 = arith.index_cast %add3A_996 : i32 to index
        %swap3A_1019 = tpu.vector_load %arg8[%swap3A_1016, %swap3A_1017, %swap3A_1018] {strides = array<i32>} : memref<2x32x512xf32, #tpu.memory_space<vmem>>, vector<1x1x16xf32>,
        %swap3A_1020 = vector.shape_cast %swap3A_1019 : vector<1x1x16xf32> to vector<16xf32>
        %swap3A_1021 = vector.shape_cast %add3A_1013 : vector<16xf32> to vector<1x1x16xf32>
        tpu.vector_store %arg8[%swap3A_1016, %swap3A_1017, %swap3A_1018], %swap3A_1021 {strides = array<i32>} : memref<2x32x512xf32, #tpu.memory_space<vmem>>, vector<1x1x16xf32>,
        %add3A_1022 = arith.constant 0 : i32
        %add3A_1023 = arith.addi %mul3A_261, %add3A_1022 : i32
        %get3A_1024 = arith.constant 1 : i32
        %get3A_1025 = arith.constant 3 : i32
        %get3A_1026 = arith.index_cast %get3A_1024 : i32 to index
        %get3A_1027 = arith.index_cast %get3A_1025 : i32 to index
        %get3A_1028 = arith.index_cast %add3A_1023 : i32 to index
        %get3A_1029 = tpu.vector_load %arg6[%get3A_1026, %get3A_1027, %get3A_1028] {strides = array<i32>} : memref<2x32x512xf32, #tpu.memory_space<vmem>>, vector<1x1x16xf32>,
        %get3A_1030 = vector.shape_cast %get3A_1029 : vector<1x1x16xf32> to vector<16xf32>
        %get3A_1031 = arith.constant 1 : i32
        %get3A_1032 = arith.constant 3 : i32
        %get3A_1033 = arith.index_cast %get3A_1031 : i32 to index
        %get3A_1034 = arith.index_cast %get3A_1032 : i32 to index
        %get3A_1035 = arith.index_cast %add3A_1023 : i32 to index
        %get3A_1036 = tpu.vector_load %arg7[%get3A_1033, %get3A_1034, %get3A_1035] {strides = array<i32>} : memref<2x32x512xf32, #tpu.memory_space<vmem>>, vector<1x1x16xf32>,
        %get3A_1037 = vector.shape_cast %get3A_1036 : vector<1x1x16xf32> to vector<16xf32>
        %sub3A_1038 = arith.subf %get3A_1037, %add3A_1013 : vector<16xf32>
        %mul3A_1039 = arith.mulf %get3A_1030, %sub3A_1038 : vector<16xf32>
        %add3A_1040 = arith.addf %add3A_1013, %mul3A_1039 : vector<16xf32>
        %swap3A_1041 = arith.constant 1 : i32
        %swap3A_1042 = arith.constant 3 : i32
        %swap3A_1043 = arith.index_cast %swap3A_1041 : i32 to index
        %swap3A_1044 = arith.index_cast %swap3A_1042 : i32 to index
        %swap3A_1045 = arith.index_cast %add3A_1023 : i32 to index
        %swap3A_1046 = tpu.vector_load %arg8[%swap3A_1043, %swap3A_1044, %swap3A_1045] {strides = array<i32>} : memref<2x32x512xf32, #tpu.memory_space<vmem>>, vector<1x1x16xf32>,
        %swap3A_1047 = vector.shape_cast %swap3A_1046 : vector<1x1x16xf32> to vector<16xf32>
        %swap3A_1048 = vector.shape_cast %add3A_1040 : vector<16xf32> to vector<1x1x16xf32>
        tpu.vector_store %arg8[%swap3A_1043, %swap3A_1044, %swap3A_1045], %swap3A_1048 {strides = array<i32>} : memref<2x32x512xf32, #tpu.memory_space<vmem>>, vector<1x1x16xf32>,
        %add3A_1049 = arith.constant 0 : i32
        %add3A_1050 = arith.addi %mul3A_261, %add3A_1049 : i32
        %get3A_1051 = arith.constant 1 : i32
        %get3A_1052 = arith.constant 2 : i32
        %get3A_1053 = arith.index_cast %get3A_1051 : i32 to index
        %get3A_1054 = arith.index_cast %get3A_1052 : i32 to index
        %get3A_1055 = arith.index_cast %add3A_1050 : i32 to index
        %get3A_1056 = tpu.vector_load %arg6[%get3A_1053, %get3A_1054, %get3A_1055] {strides = array<i32>} : memref<2x32x512xf32, #tpu.memory_space<vmem>>, vector<1x1x16xf32>,
        %get3A_1057 = vector.shape_cast %get3A_1056 : vector<1x1x16xf32> to vector<16xf32>
        %get3A_1058 = arith.constant 1 : i32
        %get3A_1059 = arith.constant 2 : i32
        %get3A_1060 = arith.index_cast %get3A_1058 : i32 to index
        %get3A_1061 = arith.index_cast %get3A_1059 : i32 to index
        %get3A_1062 = arith.index_cast %add3A_1050 : i32 to index
        %get3A_1063 = tpu.vector_load %arg7[%get3A_1060, %get3A_1061, %get3A_1062] {strides = array<i32>} : memref<2x32x512xf32, #tpu.memory_space<vmem>>, vector<1x1x16xf32>,
        %get3A_1064 = vector.shape_cast %get3A_1063 : vector<1x1x16xf32> to vector<16xf32>
        %sub3A_1065 = arith.subf %get3A_1064, %add3A_1040 : vector<16xf32>
        %mul3A_1066 = arith.mulf %get3A_1057, %sub3A_1065 : vector<16xf32>
        %add3A_1067 = arith.addf %add3A_1040, %mul3A_1066 : vector<16xf32>
        %swap3A_1068 = arith.constant 1 : i32
        %swap3A_1069 = arith.constant 2 : i32
        %swap3A_1070 = arith.index_cast %swap3A_1068 : i32 to index
        %swap3A_1071 = arith.index_cast %swap3A_1069 : i32 to index
        %swap3A_1072 = arith.index_cast %add3A_1050 : i32 to index
        %swap3A_1073 = tpu.vector_load %arg8[%swap3A_1070, %swap3A_1071, %swap3A_1072] {strides = array<i32>} : memref<2x32x512xf32, #tpu.memory_space<vmem>>, vector<1x1x16xf32>,
        %swap3A_1074 = vector.shape_cast %swap3A_1073 : vector<1x1x16xf32> to vector<16xf32>
        %swap3A_1075 = vector.shape_cast %add3A_1067 : vector<16xf32> to vector<1x1x16xf32>
        tpu.vector_store %arg8[%swap3A_1070, %swap3A_1071, %swap3A_1072], %swap3A_1075 {strides = array<i32>} : memref<2x32x512xf32, #tpu.memory_space<vmem>>, vector<1x1x16xf32>,
        %add3A_1076 = arith.constant 0 : i32
        %add3A_1077 = arith.addi %mul3A_261, %add3A_1076 : i32
        %get3A_1078 = arith.constant 1 : i32
        %get3A_1079 = arith.constant 1 : i32
        %get3A_1080 = arith.index_cast %get3A_1078 : i32 to index
        %get3A_1081 = arith.index_cast %get3A_1079 : i32 to index
        %get3A_1082 = arith.index_cast %add3A_1077 : i32 to index
        %get3A_1083 = tpu.vector_load %arg6[%get3A_1080, %get3A_1081, %get3A_1082] {strides = array<i32>} : memref<2x32x512xf32, #tpu.memory_space<vmem>>, vector<1x1x16xf32>,
        %get3A_1084 = vector.shape_cast %get3A_1083 : vector<1x1x16xf32> to vector<16xf32>
        %get3A_1085 = arith.constant 1 : i32
        %get3A_1086 = arith.constant 1 : i32
        %get3A_1087 = arith.index_cast %get3A_1085 : i32 to index
        %get3A_1088 = arith.index_cast %get3A_1086 : i32 to index
        %get3A_1089 = arith.index_cast %add3A_1077 : i32 to index
        %get3A_1090 = tpu.vector_load %arg7[%get3A_1087, %get3A_1088, %get3A_1089] {strides = array<i32>} : memref<2x32x512xf32, #tpu.memory_space<vmem>>, vector<1x1x16xf32>,
        %get3A_1091 = vector.shape_cast %get3A_1090 : vector<1x1x16xf32> to vector<16xf32>
        %sub3A_1092 = arith.subf %get3A_1091, %add3A_1067 : vector<16xf32>
        %mul3A_1093 = arith.mulf %get3A_1084, %sub3A_1092 : vector<16xf32>
        %add3A_1094 = arith.addf %add3A_1067, %mul3A_1093 : vector<16xf32>
        %swap3A_1095 = arith.constant 1 : i32
        %swap3A_1096 = arith.constant 1 : i32
        %swap3A_1097 = arith.index_cast %swap3A_1095 : i32 to index
        %swap3A_1098 = arith.index_cast %swap3A_1096 : i32 to index
        %swap3A_1099 = arith.index_cast %add3A_1077 : i32 to index
        %swap3A_1100 = tpu.vector_load %arg8[%swap3A_1097, %swap3A_1098, %swap3A_1099] {strides = array<i32>} : memref<2x32x512xf32, #tpu.memory_space<vmem>>, vector<1x1x16xf32>,
        %swap3A_1101 = vector.shape_cast %swap3A_1100 : vector<1x1x16xf32> to vector<16xf32>
        %swap3A_1102 = vector.shape_cast %add3A_1094 : vector<16xf32> to vector<1x1x16xf32>
        tpu.vector_store %arg8[%swap3A_1097, %swap3A_1098, %swap3A_1099], %swap3A_1102 {strides = array<i32>} : memref<2x32x512xf32, #tpu.memory_space<vmem>>, vector<1x1x16xf32>,
        %add3A_1103 = arith.constant 0 : i32
        %add3A_1104 = arith.addi %mul3A_261, %add3A_1103 : i32
        %get3A_1105 = arith.constant 1 : i32
        %get3A_1106 = arith.constant 0 : i32
        %get3A_1107 = arith.index_cast %get3A_1105 : i32 to index
        %get3A_1108 = arith.index_cast %get3A_1106 : i32 to index
        %get3A_1109 = arith.index_cast %add3A_1104 : i32 to index
        %get3A_1110 = tpu.vector_load %arg6[%get3A_1107, %get3A_1108, %get3A_1109] {strides = array<i32>} : memref<2x32x512xf32, #tpu.memory_space<vmem>>, vector<1x1x16xf32>,
        %get3A_1111 = vector.shape_cast %get3A_1110 : vector<1x1x16xf32> to vector<16xf32>
        %get3A_1112 = arith.constant 1 : i32
        %get3A_1113 = arith.constant 0 : i32
        %get3A_1114 = arith.index_cast %get3A_1112 : i32 to index
        %get3A_1115 = arith.index_cast %get3A_1113 : i32 to index
        %get3A_1116 = arith.index_cast %add3A_1104 : i32 to index
        %get3A_1117 = tpu.vector_load %arg7[%get3A_1114, %get3A_1115, %get3A_1116] {strides = array<i32>} : memref<2x32x512xf32, #tpu.memory_space<vmem>>, vector<1x1x16xf32>,
        %get3A_1118 = vector.shape_cast %get3A_1117 : vector<1x1x16xf32> to vector<16xf32>
        %sub3A_1119 = arith.subf %get3A_1118, %add3A_1094 : vector<16xf32>
        %mul3A_1120 = arith.mulf %get3A_1111, %sub3A_1119 : vector<16xf32>
        %add3A_1121 = arith.addf %add3A_1094, %mul3A_1120 : vector<16xf32>
        %swap3A_1122 = arith.constant 1 : i32
        %swap3A_1123 = arith.constant 0 : i32
        %swap3A_1124 = arith.index_cast %swap3A_1122 : i32 to index
        %swap3A_1125 = arith.index_cast %swap3A_1123 : i32 to index
        %swap3A_1126 = arith.index_cast %add3A_1104 : i32 to index
        %swap3A_1127 = tpu.vector_load %arg8[%swap3A_1124, %swap3A_1125, %swap3A_1126] {strides = array<i32>} : memref<2x32x512xf32, #tpu.memory_space<vmem>>, vector<1x1x16xf32>,
        %swap3A_1128 = vector.shape_cast %swap3A_1127 : vector<1x1x16xf32> to vector<16xf32>
        %swap3A_1129 = vector.shape_cast %add3A_1121 : vector<16xf32> to vector<1x1x16xf32>
        tpu.vector_store %arg8[%swap3A_1124, %swap3A_1125, %swap3A_1126], %swap3A_1129 {strides = array<i32>} : memref<2x32x512xf32, #tpu.memory_space<vmem>>, vector<1x1x16xf32>,
        %scan3A_1130 = arith.constant 0 : i32
        scf.yield %scan3A_1130 : i32
      }
      %scan3A_239 = arith.constant 32 : i32
      %mul3A_240 = arith.constant 512 : i32
      %mul3A_241 = arith.muli %add3A_177, %mul3A_240 : i32
      %dma_start3A_242 = arith.constant 1 : i32
      %dma_start3A_243 = arith.constant 0 : i32
      %dma_start3A_244 = arith.constant 0 : i32
      %dma_start3A_245 = tpu.memref_slice %arg8[%dma_start3A_242, %dma_start3A_243, %dma_start3A_244] : memref<2x32x512xf32, #tpu.memory_space<vmem>> -> memref<1x32x512xf32, #tpu.memory_space<vmem>>
      %dma_start3A_246 = tpu.memref_squeeze %dma_start3A_245 : memref<1x32x512xf32, #tpu.memory_space<vmem>> -> memref<32x512xf32, #tpu.memory_space<vmem>>
      %dma_start3A_247 = arith.constant 0 : i32
      %dma_start3A_248 = tpu.memref_slice %arg5[%add3A_4, %dma_start3A_247, %mul3A_241] : memref<32x32x16384xf32, #tpu.memory_space<hbm>> -> memref<1x32x512xf32, #tpu.memory_space<hbm>>
      %dma_start3A_249 = tpu.memref_squeeze %dma_start3A_248 : memref<1x32x512xf32, #tpu.memory_space<hbm>> -> memref<32x512xf32, #tpu.memory_space<hbm>>
      %dma_start3A_250 = arith.constant 0 : i32
      %dma_start3A_251 = tpu.memref_slice %arg5[%add3A_4, %dma_start3A_250, %mul3A_241] : memref<32x32x16384xf32, #tpu.memory_space<hbm>> -> memref<1x32x512xf32, #tpu.memory_space<hbm>>
      %dma_start3A_252 = tpu.memref_squeeze %dma_start3A_251 : memref<1x32x512xf32, #tpu.memory_space<hbm>> -> memref<32x512xf32, #tpu.memory_space<hbm>>
      %dma_start3A_253 = arith.constant 0 : i32
      %dma_start3A_254 = arith.constant 0 : i32
      %dma_start3A_255 = tpu.memref_slice %arg8[%dma_start3A_242, %dma_start3A_253, %dma_start3A_254] : memref<2x32x512xf32, #tpu.memory_space<vmem>> -> memref<1x32x512xf32, #tpu.memory_space<vmem>>
      %dma_start3A_256 = tpu.memref_squeeze %dma_start3A_255 : memref<1x32x512xf32, #tpu.memory_space<vmem>> -> memref<32x512xf32, #tpu.memory_space<vmem>>
      tpu.enqueue_dma source(%dma_start3A_256 : memref<32x512xf32, #tpu.memory_space<vmem>>) target(%dma_start3A_252 : memref<32x512xf32, #tpu.memory_space<hbm>>) target_semaphore(%arg13 : memref<!tpu.dma_semaphore, #tpu.memory_space<semaphore_mem>>)
      %scan3A_257 = arith.constant 0 : i32
      scf.yield %scan3A_257 : i32
    }
    %scan3A_57 = arith.constant 16 : i32
    %dma_wait3A = arith.constant 0 : i32
    %dma_wait3A_58 = arith.constant 0 : i32
    %dma_wait3A_59 = arith.constant 0 : i32
    %dma_wait3A_60 = tpu.memref_slice %arg8[%dma_wait3A, %dma_wait3A_58, %dma_wait3A_59] : memref<2x32x512xf32, #tpu.memory_space<vmem>> -> memref<1x32x512xf32, #tpu.memory_space<vmem>>
    %dma_wait3A_61 = tpu.memref_squeeze %dma_wait3A_60 : memref<1x32x512xf32, #tpu.memory_space<vmem>> -> memref<32x512xf32, #tpu.memory_space<vmem>>
    %dma_wait3A_62 = arith.constant 0 : i32
    %dma_wait3A_63 = arith.constant 15360 : i32
    %dma_wait3A_64 = tpu.memref_slice %arg5[%add3A_4, %dma_wait3A_62, %dma_wait3A_63] : memref<32x32x16384xf32, #tpu.memory_space<hbm>> -> memref<1x32x512xf32, #tpu.memory_space<hbm>>
    %dma_wait3A_65 = tpu.memref_squeeze %dma_wait3A_64 : memref<1x32x512xf32, #tpu.memory_space<hbm>> -> memref<32x512xf32, #tpu.memory_space<hbm>>
    %dma_wait3A_66 = arith.constant 0 : i32
    %dma_wait3A_67 = arith.constant 15360 : i32
    %dma_wait3A_68 = tpu.memref_slice %arg5[%add3A_4, %dma_wait3A_66, %dma_wait3A_67] : memref<32x32x16384xf32, #tpu.memory_space<hbm>> -> memref<1x32x512xf32, #tpu.memory_space<hbm>>
    %dma_wait3A_69 = tpu.memref_squeeze %dma_wait3A_68 : memref<1x32x512xf32, #tpu.memory_space<hbm>> -> memref<32x512xf32, #tpu.memory_space<hbm>>
    %dma_wait3A_70 = arith.constant 0 : i32
    %dma_wait3A_71 = arith.constant 0 : i32
    %dma_wait3A_72 = tpu.memref_slice %arg8[%dma_wait3A, %dma_wait3A_70, %dma_wait3A_71] : memref<2x32x512xf32, #tpu.memory_space<vmem>> -> memref<1x32x512xf32, #tpu.memory_space<vmem>>
    %dma_wait3A_73 = tpu.memref_squeeze %dma_wait3A_72 : memref<1x32x512xf32, #tpu.memory_space<vmem>> -> memref<32x512xf32, #tpu.memory_space<vmem>>
    tpu.wait_dma2 semaphore(%arg12 : memref<!tpu.dma_semaphore, #tpu.memory_space<semaphore_mem>>) src(%dma_wait3A_73 : memref<32x512xf32, #tpu.memory_space<vmem>>) dst(%dma_wait3A_69 : memref<32x512xf32, #tpu.memory_space<hbm>>)
    %dma_wait3A_74 = arith.constant 1 : i32
    %dma_wait3A_75 = arith.constant 0 : i32
    %dma_wait3A_76 = arith.constant 0 : i32
    %dma_wait3A_77 = tpu.memref_slice %arg8[%dma_wait3A_74, %dma_wait3A_75, %dma_wait3A_76] : memref<2x32x512xf32, #tpu.memory_space<vmem>> -> memref<1x32x512xf32, #tpu.memory_space<vmem>>
    %dma_wait3A_78 = tpu.memref_squeeze %dma_wait3A_77 : memref<1x32x512xf32, #tpu.memory_space<vmem>> -> memref<32x512xf32, #tpu.memory_space<vmem>>
    %dma_wait3A_79 = arith.constant 0 : i32
    %dma_wait3A_80 = arith.constant 15872 : i32
    %dma_wait3A_81 = tpu.memref_slice %arg5[%add3A_4, %dma_wait3A_79, %dma_wait3A_80] : memref<32x32x16384xf32, #tpu.memory_space<hbm>> -> memref<1x32x512xf32, #tpu.memory_space<hbm>>
    %dma_wait3A_82 = tpu.memref_squeeze %dma_wait3A_81 : memref<1x32x512xf32, #tpu.memory_space<hbm>> -> memref<32x512xf32, #tpu.memory_space<hbm>>
    %dma_wait3A_83 = arith.constant 0 : i32
    %dma_wait3A_84 = arith.constant 15872 : i32
    %dma_wait3A_85 = tpu.memref_slice %arg5[%add3A_4, %dma_wait3A_83, %dma_wait3A_84] : memref<32x32x16384xf32, #tpu.memory_space<hbm>> -> memref<1x32x512xf32, #tpu.memory_space<hbm>>
    %dma_wait3A_86 = tpu.memref_squeeze %dma_wait3A_85 : memref<1x32x512xf32, #tpu.memory_space<hbm>> -> memref<32x512xf32, #tpu.memory_space<hbm>>
    %dma_wait3A_87 = arith.constant 0 : i32
    %dma_wait3A_88 = arith.constant 0 : i32
    %dma_wait3A_89 = tpu.memref_slice %arg8[%dma_wait3A_74, %dma_wait3A_87, %dma_wait3A_88] : memref<2x32x512xf32, #tpu.memory_space<vmem>> -> memref<1x32x512xf32, #tpu.memory_space<vmem>>
    %dma_wait3A_90 = tpu.memref_squeeze %dma_wait3A_89 : memref<1x32x512xf32, #tpu.memory_space<vmem>> -> memref<32x512xf32, #tpu.memory_space<vmem>>
    tpu.wait_dma2 semaphore(%arg13 : memref<!tpu.dma_semaphore, #tpu.memory_space<semaphore_mem>>) src(%dma_wait3A_90 : memref<32x512xf32, #tpu.memory_space<vmem>>) dst(%dma_wait3A_86 : memref<32x512xf32, #tpu.memory_space<hbm>>)
    %scan3A_91 = arith.constant 0 : i32
    %scan3A_92 = arith.constant 1 : i32
    return
  }
}

</mosaic_0001>

<sc_bundles>
// kernel: kernel.3.cloned.1.call-start
scs
__scs_entry_jumppad:
0x0: {  	(pc) =	sbr.rel $0x88, $3  }
0x1: {  	(tag) =	ssettag $0x0;
	lr =	simm.s32 $0x1  }
0x2: {  	[smem:$0x3F9E] =	sst lr;
	_ =	strace $0xD0000000  }
0x3: {  	_ = 	snop  }
0x4: {  	_ = 	snop  }
0x5: {  	_ = 	snop  }
0x6: {  	_ = 	snop  }
0x7: {  	_ = 	snop  }
__scs_overlays_trampoline_lowered:
0x8: {  	[smem:$0x3FAD] =	sst s0  }
0x9: {  	[smem:$0x3FAE] =	sst s1  }
0xa: {  	[smem:$0x3FAF] =	sst s2  }
0xb: {  	[smem:$0x3FB0] =	sst s3  }
0xc: {  	[smem:$0x3FB1] =	sst s4  }
0xd: {  	[smem:$0x3FB2] =	sst s5  }
0xe: {  	[smem:$0x3FB3] =	sst s6  }
0xf: {  	[smem:$0x3FB4] =	sst s7  }
0x10: {  	[smem:$0x3FB5] =	sst s8  }
0x11: {  	[smem:$0x3FB6] =	sst s9;
	s0 =	simm.s32 @!p0 $0x0  }
0x12: {  	s1 =	sld [smem:$0x3F9C];
	s0 =	simm.s32 @p0 $0x1  }
0x13: {  	[smem:$0x3FB7] =	sst s0;
	s0 =	simm.s32 @!p1 $0x0  }
0x14: {  	s2 =	sld [smem:$0x3F9B];
	s0 =	simm.s32 @p1 $0x1  }
0x15: {  	[smem:$0x3FB8] =	sst s0;
	s0 =	simm.s32 @!p2 $0x0  }
0x16: {  	s3 =	sld [smem:$0x3FDB];
	s0 =	simm.s32 @p2 $0x1  }
0x17: {  	s4 =	simm.s32 $0x1BF5;
	[smem:$0x3FBA] =	sst s0  }
0x18: {  	s0 =	sld [smem:$0x3F9D];
	_ =	swait.ge [sflag:s4], $0x0  }
0x19: {  	s7 =	sld [smem:$0x3F9E]  }
0x1a: {  	s8 =	sadd.s32 $0xFFFFE003, lr  }
0x1b: {  	s9 =	sadd.s32 $0xFFFFFEF7, lr;
	s5 =	simm.s32 $0xFFFFFFFF;
	p2 =	slt.u32 s8, $0xFFFFF086  }
0x1c: {  	p1 =	slt.u32 s9, $0xF7A;
	s5 =	simm.s32 @!p2 $0x0  }
0x1d: {  	s5 =	simm.s32 @p1 $0x1;
	p0 =	seq.s32 s7, s2  }
0x1e: {  	s7 =	smul.u32 @!p0 $0xF7A, s2;
	p2 =	seq.s32 @!p0 s5, $0x0  }
0x1f: {  	s9 =	smul.u32 $0xF7A, s1;
	s8 =	simm.s32 @!p0 $0x1BF5;
	p2 =	por !p2, p0  }
0x20: {  	[sflag:s8] =	ssyncset.s32 @!p0 $0xFFFFF086;
	s6 =	sadd.s32 @!p0 s3, s7;
	s7 =	simm.s32 @!p0 $0x108  }
0x21: {  	s3 =	sadd.s32 s3, s9;
	s6 =	sadd.s32 @!p0 $0x88, s6;
	s7 =	simm.s32 @p2 $0x1082  }
0x22: {  	[simem:s7], [sflag:s8] =	dma.local @!p0 [hbm:s6], $0xF7A  }
0x23: {  	s9 =	sor.u32 $0xD0000000, s2;
	s6 =	simm.s32 $0x108;
	_ =	swait.ge @!p0 [sflag:s8], $0x0  }
0x24: {  	s3 =	sadd.s32 $0x88, s3;
	s6 =	simm.s32 @!p1 $0x1082;
	[sflag:s4] =	ssyncset.s32 $0xFFFFF086  }
0x25: {  	[simem:s6], [sflag:s4] =	dma.local [hbm:s3], $0xF7A  }
0x26: {  	[smem:$0x3F9E] =	sst s1;
	(tag) =	ssettag s2;
	_ =	strace s9  }
0x27: {  	s1 =	sld [smem:$0x3FAE]  }
0x28: {  	s2 =	sld [smem:$0x3FAF]  }
0x29: {  	s4 =	sld [smem:$0x3FB1]  }
0x2a: {  	p0 =	seq.s32 s5, $0x0;
	s5 =	sld [smem:$0x3FB2]  }
0x2b: {  	s6 =	sld [smem:$0x3FB3]  }
0x2c: {  	s7 =	sld [smem:$0x3FB4]  }
0x2d: {  	s3 =	simm.s32 $0x108;
	s8 =	sld [smem:$0x3FB5]  }
0x2e: {  	s3 =	simm.s32 @!p0 $0x1082;
	s9 =	sld [smem:$0x3FB6]  }
0x2f: {  	lr =	sadd.s32 s0, s3;
	s0 =	sld [smem:$0x3FAD]  }
0x30: {  	s3 =	sld [smem:$0x3FB0]  }
0x31: {  	[smem:$0x3FB9] =	sst s10  }
0x32: {  	s10 =	sld [smem:$0x3FB7];
	_ =	sdelay $0x3  }
0x33: {  	p0 =	seq.s32 s10, $0x1;
	s10 =	sld [smem:$0x3FB9];
	_ =	sdelay $0x3  }
0x34: {  	[smem:$0x3FB9] =	sst s10  }
0x35: {  	s10 =	sld [smem:$0x3FB8];
	_ =	sdelay $0x3  }
0x36: {  	p1 =	seq.s32 s10, $0x1;
	s10 =	sld [smem:$0x3FB9];
	_ =	sdelay $0x3  }
0x37: {  	[smem:$0x3FB9] =	sst s10  }
0x38: {  	s10 =	sld [smem:$0x3FBA]  }
0x39: {  	_ = 	snop;
	(pc) =	sbr.ind lr, $3  }
0x3a: {  	_ = 	snop  }
0x3b: {  	_ = 	snop  }
0x3c: {  	p2 =	seq.s32 s10, $0x1;
	s10 =	sld [smem:$0x3FB9]  }
0x3d: {  	_ =	shalt  }
0x3e: {  	_ =	shalt  }
0x3f: {  	_ =	shalt  }
0x40: {  	_ =	shalt  }
0x41: {  	_ =	shalt  }
0x42: {  	_ =	shalt  }
0x43: {  	_ =	shalt  }
0x44: {  	_ =	shalt  }
0x45: {  	_ =	shalt  }
0x46: {  	_ =	shalt  }
0x47: {  	_ =	shalt  }
0x48: {  	_ =	shalt  }
0x49: {  	_ =	shalt  }
0x4a: {  	_ =	shalt  }
0x4b: {  	_ =	shalt  }
0x4c: {  	_ =	shalt  }
0x4d: {  	_ =	shalt  }
0x4e: {  	_ =	shalt  }
0x4f: {  	_ =	shalt  }
0x50: {  	_ =	shalt  }
0x51: {  	_ =	shalt  }
0x52: {  	_ =	shalt  }
0x53: {  	_ =	shalt  }
0x54: {  	_ =	shalt  }
0x55: {  	_ =	shalt  }
0x56: {  	_ =	shalt  }
0x57: {  	_ =	shalt  }
0x58: {  	_ =	shalt  }
0x59: {  	_ =	shalt  }
0x5a: {  	_ =	shalt  }
0x5b: {  	_ =	shalt  }
0x5c: {  	_ =	shalt  }
0x5d: {  	_ =	shalt  }
0x5e: {  	_ =	shalt  }
0x5f: {  	_ =	shalt  }
0x60: {  	_ =	shalt  }
0x61: {  	_ =	shalt  }
0x62: {  	_ =	shalt  }
0x63: {  	_ =	shalt  }
0x64: {  	_ =	shalt  }
0x65: {  	_ =	shalt  }
0x66: {  	_ =	shalt  }
0x67: {  	_ =	shalt  }
0x68: {  	_ =	shalt  }
0x69: {  	_ =	shalt  }
0x6a: {  	_ =	shalt  }
0x6b: {  	_ =	shalt  }
0x6c: {  	_ =	shalt  }
0x6d: {  	_ =	shalt  }
0x6e: {  	_ =	shalt  }
0x6f: {  	_ =	shalt  }
0x70: {  	_ =	shalt  }
0x71: {  	_ =	shalt  }
0x72: {  	_ =	shalt  }
0x73: {  	_ =	shalt  }
0x74: {  	_ =	shalt  }
0x75: {  	_ =	shalt  }
0x76: {  	_ =	shalt  }
0x77: {  	_ =	shalt  }
0x78: {  	_ =	shalt  }
0x79: {  	_ =	shalt  }
0x7a: {  	_ =	shalt  }
0x7b: {  	_ =	shalt  }
0x7c: {  	_ =	shalt  }
0x7d: {  	_ =	shalt  }
0x7e: {  	_ =	shalt  }
0x7f: {  	_ =	shalt  }
0x80: {  	_ =	shalt  }
0x81: {  	_ =	shalt  }
0x82: {  	_ =	shalt  }
0x83: {  	_ =	shalt  }
0x84: {  	_ =	shalt  }
0x85: {  	_ =	shalt  }
0x86: {  	_ =	shalt  }
0x87: {  	_ =	shalt  }
.Lfunc_end0:
.L_simem_size_0:
called_computation.1_lowered:
.L_overlay_start_0:
0x88: {  	s2 =	sld [smem:$0x3FD9]  }
0x89: {  	s3 =	sld [smem:$0x3FFE];
	_ =	sdelay $0x1  }
0x8a: {  	s1 =	srdreg.scid  }
0x8b: {  	s0 =	sand.u32 $0x1, s1  }
0x8c: {  	s17 =	sshll.u32 s0, $0xA;
	s2 =	sadd.s32 s3, s2  }
0x8d: {  	s2 =	sadd.s32 s2, s17  }
0x8e: {  	[smem:$0x3FC5] =	sst s2  }
0x8f: {  	_ = 	snop  }
0x90: {  	s2 =	sld [smem:$0x3FD0];
	(tm) =	ssettm $0x1  }
0x91: {  	s18 =	sld [smem:$0x3FFB];
	_ =	sdelay $0x3  }
0x92: {  	_ =	strace s18  }
0x93: {  	s3 =	sld [smem:$0x3FFC];
	_ =	sdelay $0x3  }
0x94: {  	_ =	strace s3  }
0x95: {  	s3 =	sld [smem:$0x3FFD];
	_ =	sdelay $0x3  }
0x96: {  	_ =	strace s3  }
0x97: {  	_ =	strace $0x8FFFFFFF  }
0x98: {  	s19 =	sld [smem:$0x3FDB];
	_ =	sdelay $0x1  }
0x99: {  	s4 =	simm.s32 $_scs_section_size  }
0x9a: {  	s5 =	simm.s32 $_size__tile_overlayer_lowered;
	s6 =	simm.s32 $_tile_overlayer_lowered  }
0x9b: {  	s22 =	simm.s32 $0x1BFF;
	s21 =	sshll.u32 s6, $0x1;
	s3 =	sadd.s32 s4, s19  }
0x9c: {  	s7 =	simm.s32 $0x0;
	s20 =	sshll.u32 s5, $0x1;
	s5 =	sadd.s32 s21, s3  }
0x9d: {  	[timem:s7], [sflag:s22] =	dma.local [hbm:s5], s20  }
0x9e: {  	_ =	swait.ge [sflag:s22], s20  }
0x9f: {  	s4 =	ssub.s32 $0x0, s20;
	[sflag:s22] =	ssyncset.done $0x0  }
0xa0: {  	[sflag:s22] =	ssyncadd.s32 s4;
	_ =	sdelay $0x1  }
0xa1: {  	s23 =	simm.s32 $0x1B8B  }
0xa2: {  	_ =	swait.ge [sflag:s23], $0x1  }
0xa3: {  	[sflag:s23] =	ssyncset.done $0x0  }
0xa4: {  	s25 =	simm.s32 $0x1B8E;
	s24 =	sld [smem:$0x3FFE];
	[sflag:s23] =	ssyncadd.s32 $0xFFFFFFFF  }
0xa5: {  	s26 =	simm.s32 $execute0_lowered;
	[smem:$0x3FD2] =	sst s25  }
0xa6: {  	s5 =	sshll.u32 s26, $0x1;
	_ =	strace $0x80000046;
	[dreg:$0x1] =	wrdreg $0xFFFFFFFF  }
0xa7: {  	s28 =	simm.s32 $_size_execute0_lowered;
	s3 =	sadd.s32 s3, s5;
	[dreg:$0x0] =	wrdreg $0x0  }
0xa8: {  	s5 =	sshll.u32 s28, $0x1;
	[dreg:$0x2] =	wrdreg s3  }
0xa9: {  	[dreg:$0x3] =	wrdreg s5  }
0xaa: {  	[dreg:$0x4] =	wrdreg $0xC0  }
0xab: {  	_ =	task [dreg:s7], $0x5FFFF  }
0xac: {  	[dreg:$0x1] =	wrdreg $0xFFFFFFFF  }
0xad: {  	[dreg:$0x0] =	wrdreg $0x60  }
0xae: {  	[dreg:$0x2] =	wrdreg s2  }
0xaf: {  	[dreg:$0x3] =	wrdreg s24  }
0xb0: {  	[dreg:$0x4] =	wrdreg $0x9  }
0xb1: {  	_ =	task.clear_ibuf [dreg:s7], $0x5FFFF;
	_ =	strace $0x90000046  }
0xb2: {  	s29 =	simm.s32 $0x9;
	_ =	strace $0x80000048  }
0xb3: {  	_ =	swait.ge [sflag:s29], $0x1  }
0xb4: {  	[sflag:s29] =	ssyncadd.s32 $0xFFFFFFFF  }
0xb5: {  	_ =	strace $0x90000048  }
0xb6: {  	_ =	sfence  }
0xb7: {  	s30 =	sld [smem:$0x0];
	_ =	sdelay $0x2  }
0xb8: {  	s31 =	sshll.u32 s1, $0xD;
	s1 =	sshrl.u32 s1, $0x2  }
0xb9: {  	s3 =	sand.u32 $0x4000, s31;
	s1 =	sadd.s32 s1, s30  }
0xba: {  	s0 =	sor.u32 s3, s0;
	s1 =	sshll.u32 s1, $0x11  }
0xbb: {  	s0 =	sor.u32 s1, s0  }
0xbc: {  	s0 =	sadd.s32 $0x8F2B, s0  }
0xbd: {  	[sflag:s0] =	ssyncadd.remote.s32 $0x1  }
0xbe: {  	_ =	sfence.sel $0xFFFF  }
0xbf: {  	[dreg:$0x0] =	wrdreg $0xFFFFFFFF;
	(pc) =	sbr.abs _section_cstart, $3  }
0xc0: {  	[dreg:$0x1] =	wrdreg $0xFFFFFFFF  }
0xc1: {  	_ =	task.clear_ibuf [dreg:s7], $0x2FFFF;
	_ =	strace $0x9FFFFFFF  }
0xc2: {  	(tm) =	ssettm $0x7FFFFFFF  }
0xc3: {  	_ =	shalt  }
tec
execute0_lowered:
.L_overlay_start_1:
0x0: {  	(tag) =	ssettag $0x1  }
0x1: {  	s1 =	rddreg [dreg:$0x0]  }
0x2: {  	s0 =	rddreg [dreg:$0x1];
	s3 =	simm.s32 $0x0;
	s2 =	srdreg.scid  }
0x3: {  	s6 =	stileid.u32;
	s16 =	simm.s32 $0x1000;
	s17 =	simm.s32 $0x20000  }
0x4: {  	s28 =	simm.s32 $0x18280;
	s29 =	simm.s32 $0x18380;
	[smem:$0x7FF] =	sst s3  }
0x5: {  	s2 =	sand.u32 $0x1, s2;
	s5 =	sshll.u32 s6, $0x1;
	s4 =	sadd.s32 $0x10800, s0  }
0x6: {  	s6 =	sshll.u32 s6, $0xF;
	_ =	strace $0x80000047;
	s9 =	sor.u32 s2, s5  }
0x7: {  	s2 =	ssub.s32 $0x2, s2;
	s5 =	sadd.s32 $0x800, s0;
	s7 =	sshll.u32 s9, $0x7  }
0x8: {  	s8 =	sshrl.u32 s2, $0x1;
	s21 =	sshll.u32 s9, $0x10;
	s7 =	sor.u32 s6, s7  }
0x9: {  	s6 =	sadd.s32 $0x210800, s0;
	s20 =	ssub.s32 s2, s8;
	s10 =	sadd.s32 s1, s21  }
0xa: {  	s2 =	sadd.s32 s4, s21;
	s7 =	sand.u32 $0x60380, s7;
	[dreg:$0x3] =	wrdreg s10  }
0xb: {  	[dreg:$0x4] =	wrdreg s2;
	s0 =	smax.u32 s20, $0x1;
	s22 =	sshrl.u32 s7, $0x3  }
0xc: {  	s30 =	simm.s32 $0x1;
	[dreg:$0x6] =	wrdreg s0;
	s23 =	sadd.s32 s5, s22  }
0xd: {  	s31 =	simm.s32 $0x10000;
	s24 =	sadd.s32 $0x80, s23;
	[dreg:$0x5] =	wrdreg s23  }
0xe: {  	s11 =	simm.s32 $0x0;
	s25 =	sadd.s32 $0x100, s23;
	[dreg:$0x7] =	wrdreg s24  }
0xf: {  	s8 =	sshll.u32 s9, $0x13;
	s26 =	sadd.s32 $0x180, s23;
	[dreg:$0x8] =	wrdreg s25  }
0x10: {  	s2 =	simm.s32 $0x14000;
	s0 =	simm.s32 $0x2;
	[dreg:$0x9] =	wrdreg s26  }
0x11: {  	s24 =	simm.s32 $0xC000;
	s25 =	simm.s32 $0x18080;
	s26 =	simm.s32 $0x18180  }
.LBB2_1:
0x12: {  	[dreg:$0xa] =	wrdreg s11  }
0x13: {  	s9 =	rddreg [dreg:$0x3]  }
0x14: {  	[tilespmem:s3], [sflag:$0x1] =	stream.strided.gather [hbm4b:s9+s16], $0x4000, s17, s16, $0x38;
	[tilespmem:$0x18400] =	vst v63  }
0x15: {  	s13 =	rddreg [dreg:$0x4];
	s10 =	simm.s32 $0x8000  }
0x16: {  	[tilespmem:s10], [sflag:$0x1] =	stream.strided.gather [hbm4b:s13+s16], $0x4000, s17, s16, $0x38;
	[tilespmem:$0x18400] =	vst v63  }
0x17: {  	s14 =	rddreg [dreg:$0x5];
	s15 =	simm.s32 $0x18000  }
0x18: {  	[tilespmem:s15], [sflag:$0x1] =	stream.linear.gather [hbm4b:s14+s3], $0x80, $0x38;
	[tilespmem:$0x18400] =	vst v63  }
0x19: {  	s18 =	rddreg [dreg:$0x7];
	s19 =	simm.s32 $0x18100  }
0x1a: {  	[tilespmem:s19], [sflag:$0x1] =	stream.linear.gather [hbm4b:s18+s3], $0x80, $0x38;
	[tilespmem:$0x18400] =	vst v63  }
0x1b: {  	s20 =	rddreg [dreg:$0x8];
	s21 =	simm.s32 $0x18200  }
0x1c: {  	[tilespmem:s21], [sflag:$0x1] =	stream.linear.gather [hbm4b:s20+s3], $0x80, $0x38;
	[tilespmem:$0x18400] =	vst v63  }
0x1d: {  	s22 =	rddreg [dreg:$0x9];
	s23 =	simm.s32 $0x18300;
	s21 =	simm.s32 $0x0  }
0x1e: {  	[tilespmem:s23], [sflag:$0x1] =	stream.linear.gather [hbm4b:s22+s3], $0x80, $0x38;
	[tilespmem:$0x18400] =	vst v63  }
.LBB2_2:
0x1f: {  	s9 =	sshll.u32 s21, $0xD  }
0x20: {  	s10 =	sor.u32 $0x1000, s9  }
0x21: {  	s11 =	sor.u32 s8, s10  }
0x22: {  	s22 =	sshrl.u32 s11, $0x3  }
0x23: {  	s12 =	simm.s32 $0x4000;
	s10 =	sor.u32 s10, s7;
	s11 =	sadd.s32 s1, s22  }
0x24: {  	[tilespmem:s12], [sflag:$0x2] =	stream.strided.gather [hbm4b:s11+s16], $0x4000, s17, s16, $0x38;
	[tilespmem:$0x18400] =	vst v63  }
0x25: {  	s10 =	sshrl.u32 s10, $0x3;
	s12 =	sadd.s32 s4, s22  }
0x26: {  	[tilespmem:s24], [sflag:$0x2] =	stream.strided.gather [hbm4b:s12+s16], $0x4000, s17, s16, $0x38;
	[tilespmem:$0x18400] =	vst v63  }
0x27: {  	s10 =	sadd.s32 s5, s10  }
0x28: {  	[tilespmem:s25], [sflag:$0x2] =	stream.linear.gather [hbm4b:s10+s3], $0x80, $0x38;
	[tilespmem:$0x18400] =	vst v63  }
0x29: {  	s13 =	sadd.s32 $0x80, s10  }
0x2a: {  	[tilespmem:s26], [sflag:$0x2] =	stream.linear.gather [hbm4b:s13+s3], $0x80, $0x38;
	[tilespmem:$0x18400] =	vst v63  }
0x2b: {  	s14 =	sadd.s32 $0x100, s10  }
0x2c: {  	[tilespmem:s28], [sflag:$0x2] =	stream.linear.gather [hbm4b:s14+s3], $0x80, $0x38;
	[tilespmem:$0x18400] =	vst v63  }
0x2d: {  	s10 =	sadd.s32 $0x180, s10  }
0x2e: {  	[tilespmem:s29], [sflag:$0x2] =	stream.linear.gather [hbm4b:s10+s3], $0x80, $0x38;
	[tilespmem:$0x18400] =	vst v63  }
0x2f: {  	_ =	swait.ge [sflag:s30], $0x4000  }
0x30: {  	[sflag:s30] =	ssyncset.done $0x0  }
0x31: {  	[sflag:s30] =	ssyncadd.s32 $0xFFFFC000  }
0x32: {  	_ =	swait.ge [sflag:s30], $0x4000  }
0x33: {  	[sflag:s30] =	ssyncset.done $0x0  }
0x34: {  	[sflag:s30] =	ssyncadd.s32 $0xFFFFC000  }
0x35: {  	_ =	swait.ge [sflag:s30], $0x200  }
0x36: {  	p0 =	seq.s32 s21, $0x0;
	[sflag:s30] =	ssyncset.done $0x0  }
0x37: {  	s15 =	simm.s32 $0x0;
	s10 =	simm.s32 @!p0 $0x3;
	[sflag:s30] =	ssyncadd.s32 $0xFFFFFE00  }
0x38: {  	s18 =	sand.u32 $0xFFFFFC00, s15;
	s19 =	sand.u32 $0xC00, s15;
	_ =	swait.ge @!p0 [sflag:s10], $0x4000  }
0x39: {  	s11 =	sadd.s32 $0x0, s18;
	s12 =	sand.u32 $0x70, s15;
	[sflag:s10] =	ssyncset.done @!p0 $0x0  }
0x3a: {  	s13 =	sshrl.u32 s19, $0x2;
	s14 =	sor.u32 $0x3380, s11;
	[sflag:s10] =	ssyncadd.s32 @!p0 $0xFFFFC000  }
0x3b: {  	s13 =	sor.u32 s12, s13;
	v0 =	vld [tilespmem:s14+$0x8000]  }
0x3c: {  	v1 =	vld [tilespmem:s13+$0x18000];
	_ =	sdelay $0x1  }
0x3d: {  	v2 =	vld [tilespmem:s14+$0x0];
	_ =	sdelay $0x2  }
0x3e: {  	v0 =	vsub.f32 v0, v1;
	_ =	sdelay $0x1  }
0x3f: {  	v0 =	vmul.f32 v0, v2;
	_ =	sdelay $0x1  }
0x40: {  	v0 =	vadd.f32 v0, v1;
	_ =	sdelay $0x1  }
0x41: {  	s10 =	sor.u32 s12, s19;
	[tilespmem:s14+$0x10000] =	vst v0  }
0x42: {  	v1 =	vld [tilespmem:s10+$0xB300];
	_ =	sdelay $0x1  }
0x43: {  	v2 =	vld [tilespmem:s10+$0x3300];
	_ =	sdelay $0x2  }
0x44: {  	v1 =	vsub.f32 v1, v0  }
0x45: {  	v3 =	vld [tilespmem:s10+$0xB280]  }
0x46: {  	v1 =	vmul.f32 v1, v2  }
0x47: {  	v2 =	vld [tilespmem:s10+$0x3280]  }
0x48: {  	v0 =	vadd.f32 v1, v0;
	_ =	sdelay $0x1  }
0x49: {  	v1 =	vsub.f32 v3, v0  }
0x4a: {  	v3 =	vld [tilespmem:s10+$0xB200]  }
0x4b: {  	v1 =	vmul.f32 v1, v2  }
0x4c: {  	v2 =	vld [tilespmem:s10+$0x3200]  }
0x4d: {  	v1 =	vadd.f32 v1, v0;
	_ =	sdelay $0x1  }
0x4e: {  	v3 =	vsub.f32 v3, v1;
	_ =	sdelay $0x1  }
0x4f: {  	v2 =	vmul.f32 v3, v2;
	_ =	sdelay $0x1  }
0x50: {  	[tilespmem:s10+$0x13280] =	vst v1;
	v1 =	vadd.f32 v2, v1  }
0x51: {  	[tilespmem:s10+$0x13300] =	vst v0  }
0x52: {  	s20 =	sor.u32 $0x3180, s11;
	[tilespmem:s10+$0x13200] =	vst v1  }
0x53: {  	v0 =	vld [tilespmem:s20+$0x8000];
	_ =	sdelay $0x1  }
0x54: {  	v2 =	vld [tilespmem:s20+$0x0];
	_ =	sdelay $0x2  }
0x55: {  	v0 =	vsub.f32 v0, v1;
	_ =	sdelay $0x1  }
0x56: {  	v0 =	vmul.f32 v0, v2;
	_ =	sdelay $0x1  }
0x57: {  	v0 =	vadd.f32 v0, v1;
	_ =	sdelay $0x1  }
0x58: {  	[tilespmem:s20+$0x10000] =	vst v0  }
0x59: {  	v1 =	vld [tilespmem:s10+$0xB100];
	_ =	sdelay $0x1  }
0x5a: {  	v2 =	vld [tilespmem:s10+$0x3100];
	_ =	sdelay $0x2  }
0x5b: {  	v1 =	vsub.f32 v1, v0  }
0x5c: {  	v3 =	vld [tilespmem:s10+$0xB080]  }
0x5d: {  	v1 =	vmul.f32 v1, v2  }
0x5e: {  	v2 =	vld [tilespmem:s10+$0x3080]  }
0x5f: {  	v0 =	vadd.f32 v1, v0;
	_ =	sdelay $0x1  }
0x60: {  	v1 =	vsub.f32 v3, v0  }
0x61: {  	v3 =	vld [tilespmem:s10+$0xB000]  }
0x62: {  	v1 =	vmul.f32 v1, v2  }
0x63: {  	v2 =	vld [tilespmem:s10+$0x3000]  }
0x64: {  	v1 =	vadd.f32 v1, v0;
	_ =	sdelay $0x1  }
0x65: {  	v3 =	vsub.f32 v3, v1;
	_ =	sdelay $0x1  }
0x66: {  	v2 =	vmul.f32 v3, v2;
	_ =	sdelay $0x1  }
0x67: {  	[tilespmem:s10+$0x13100] =	vst v0;
	v0 =	vadd.f32 v2, v1  }
0x68: {  	[tilespmem:s10+$0x13080] =	vst v1  }
0x69: {  	s23 =	sor.u32 $0x2380, s11;
	[tilespmem:s10+$0x13000] =	vst v0  }
0x6a: {  	v1 =	vld [tilespmem:s23+$0x8000];
	_ =	sdelay $0x1  }
0x6b: {  	v2 =	vld [tilespmem:s23+$0x0];
	_ =	sdelay $0x2  }
0x6c: {  	v1 =	vsub.f32 v1, v0;
	_ =	sdelay $0x1  }
0x6d: {  	v1 =	vmul.f32 v1, v2;
	_ =	sdelay $0x1  }
0x6e: {  	v0 =	vadd.f32 v1, v0;
	_ =	sdelay $0x1  }
0x6f: {  	[tilespmem:s23+$0x10000] =	vst v0  }
0x70: {  	v1 =	vld [tilespmem:s10+$0xA300];
	_ =	sdelay $0x1  }
0x71: {  	v2 =	vld [tilespmem:s10+$0x2300];
	_ =	sdelay $0x2  }
0x72: {  	v1 =	vsub.f32 v1, v0  }
0x73: {  	v3 =	vld [tilespmem:s10+$0xA280]  }
0x74: {  	v1 =	vmul.f32 v1, v2  }
0x75: {  	v2 =	vld [tilespmem:s10+$0x2280]  }
0x76: {  	v0 =	vadd.f32 v1, v0;
	_ =	sdelay $0x1  }
0x77: {  	v1 =	vsub.f32 v3, v0  }
0x78: {  	v3 =	vld [tilespmem:s10+$0xA200]  }
0x79: {  	v1 =	vmul.f32 v1, v2  }
0x7a: {  	v2 =	vld [tilespmem:s10+$0x2200]  }
0x7b: {  	v1 =	vadd.f32 v1, v0;
	_ =	sdelay $0x1  }
0x7c: {  	v3 =	vsub.f32 v3, v1;
	_ =	sdelay $0x1  }
0x7d: {  	v2 =	vmul.f32 v3, v2;
	_ =	sdelay $0x1  }
0x7e: {  	[tilespmem:s10+$0x12300] =	vst v0;
	v0 =	vadd.f32 v2, v1  }
0x7f: {  	[tilespmem:s10+$0x12280] =	vst v1  }
0x80: {  	s13 =	sor.u32 $0x2180, s11;
	[tilespmem:s10+$0x12200] =	vst v0  }
0x81: {  	v1 =	vld [tilespmem:s13+$0x8000];
	_ =	sdelay $0x1  }
0x82: {  	v2 =	vld [tilespmem:s13+$0x0];
	_ =	sdelay $0x2  }
0x83: {  	v1 =	vsub.f32 v1, v0;
	_ =	sdelay $0x1  }
0x84: {  	v1 =	vmul.f32 v1, v2;
	_ =	sdelay $0x1  }
0x85: {  	v0 =	vadd.f32 v1, v0;
	_ =	sdelay $0x1  }
0x86: {  	[tilespmem:s13+$0x10000] =	vst v0  }
0x87: {  	v1 =	vld [tilespmem:s10+$0xA100];
	_ =	sdelay $0x1  }
0x88: {  	v2 =	vld [tilespmem:s10+$0x2100];
	_ =	sdelay $0x2  }
0x89: {  	v1 =	vsub.f32 v1, v0  }
0x8a: {  	v3 =	vld [tilespmem:s10+$0xA080]  }
0x8b: {  	v1 =	vmul.f32 v1, v2  }
0x8c: {  	v2 =	vld [tilespmem:s10+$0x2080]  }
0x8d: {  	v0 =	vadd.f32 v1, v0;
	_ =	sdelay $0x1  }
0x8e: {  	v1 =	vsub.f32 v3, v0  }
0x8f: {  	v3 =	vld [tilespmem:s10+$0xA000]  }
0x90: {  	v1 =	vmul.f32 v1, v2  }
0x91: {  	v2 =	vld [tilespmem:s10+$0x2000]  }
0x92: {  	v1 =	vadd.f32 v1, v0;
	_ =	sdelay $0x1  }
0x93: {  	v3 =	vsub.f32 v3, v1;
	_ =	sdelay $0x1  }
0x94: {  	v2 =	vmul.f32 v3, v2;
	_ =	sdelay $0x1  }
0x95: {  	[tilespmem:s10+$0x12100] =	vst v0;
	v0 =	vadd.f32 v2, v1  }
0x96: {  	[tilespmem:s10+$0x12080] =	vst v1  }
0x97: {  	s14 =	sor.u32 $0x1380, s11;
	[tilespmem:s10+$0x12000] =	vst v0  }
0x98: {  	v1 =	vld [tilespmem:s14+$0x8000];
	_ =	sdelay $0x1  }
0x99: {  	v2 =	vld [tilespmem:s14+$0x0];
	_ =	sdelay $0x2  }
0x9a: {  	v1 =	vsub.f32 v1, v0;
	_ =	sdelay $0x1  }
0x9b: {  	v1 =	vmul.f32 v1, v2;
	_ =	sdelay $0x1  }
0x9c: {  	v0 =	vadd.f32 v1, v0;
	_ =	sdelay $0x1  }
0x9d: {  	[tilespmem:s14+$0x10000] =	vst v0  }
0x9e: {  	v1 =	vld [tilespmem:s10+$0x9300];
	_ =	sdelay $0x1  }
0x9f: {  	v2 =	vld [tilespmem:s10+$0x1300];
	_ =	sdelay $0x2  }
0xa0: {  	v1 =	vsub.f32 v1, v0  }
0xa1: {  	v3 =	vld [tilespmem:s10+$0x9280]  }
0xa2: {  	v1 =	vmul.f32 v1, v2  }
0xa3: {  	v2 =	vld [tilespmem:s10+$0x1280]  }
0xa4: {  	v0 =	vadd.f32 v1, v0;
	_ =	sdelay $0x1  }
0xa5: {  	v1 =	vsub.f32 v3, v0  }
0xa6: {  	v3 =	vld [tilespmem:s10+$0x9200]  }
0xa7: {  	v1 =	vmul.f32 v1, v2  }
0xa8: {  	v2 =	vld [tilespmem:s10+$0x1200]  }
0xa9: {  	v1 =	vadd.f32 v1, v0;
	_ =	sdelay $0x1  }
0xaa: {  	v3 =	vsub.f32 v3, v1;
	_ =	sdelay $0x1  }
0xab: {  	v2 =	vmul.f32 v3, v2;
	_ =	sdelay $0x1  }
0xac: {  	[tilespmem:s10+$0x11300] =	vst v0;
	v0 =	vadd.f32 v2, v1  }
0xad: {  	[tilespmem:s10+$0x11280] =	vst v1  }
0xae: {  	s15 =	sor.u32 $0x1180, s11;
	[tilespmem:s10+$0x11200] =	vst v0  }
0xaf: {  	v1 =	vld [tilespmem:s15+$0x8000];
	_ =	sdelay $0x1  }
0xb0: {  	v2 =	vld [tilespmem:s15+$0x0];
	_ =	sdelay $0x2  }
0xb1: {  	v1 =	vsub.f32 v1, v0;
	_ =	sdelay $0x1  }
0xb2: {  	v1 =	vmul.f32 v1, v2;
	_ =	sdelay $0x1  }
0xb3: {  	v0 =	vadd.f32 v1, v0;
	_ =	sdelay $0x1  }
0xb4: {  	[tilespmem:s15+$0x10000] =	vst v0  }
0xb5: {  	v1 =	vld [tilespmem:s10+$0x9100];
	_ =	sdelay $0x1  }
0xb6: {  	v2 =	vld [tilespmem:s10+$0x1100];
	_ =	sdelay $0x2  }
0xb7: {  	v1 =	vsub.f32 v1, v0  }
0xb8: {  	v3 =	vld [tilespmem:s10+$0x9080]  }
0xb9: {  	v1 =	vmul.f32 v1, v2  }
0xba: {  	v2 =	vld [tilespmem:s10+$0x1080]  }
0xbb: {  	v0 =	vadd.f32 v1, v0;
	_ =	sdelay $0x1  }
0xbc: {  	v1 =	vsub.f32 v3, v0  }
0xbd: {  	v3 =	vld [tilespmem:s10+$0x9000]  }
0xbe: {  	v1 =	vmul.f32 v1, v2  }
0xbf: {  	v2 =	vld [tilespmem:s10+$0x1000]  }
0xc0: {  	v1 =	vadd.f32 v1, v0;
	_ =	sdelay $0x1  }
0xc1: {  	v3 =	vsub.f32 v3, v1;
	_ =	sdelay $0x1  }
0xc2: {  	v2 =	vmul.f32 v3, v2;
	_ =	sdelay $0x1  }
0xc3: {  	[tilespmem:s10+$0x11100] =	vst v0;
	v0 =	vadd.f32 v2, v1  }
0xc4: {  	[tilespmem:s10+$0x11080] =	vst v1  }
0xc5: {  	s18 =	sor.u32 $0x380, s11;
	[tilespmem:s10+$0x11000] =	vst v0  }
0xc6: {  	v1 =	vld [tilespmem:s18+$0x8000];
	_ =	sdelay $0x1  }
0xc7: {  	v2 =	vld [tilespmem:s18+$0x0];
	_ =	sdelay $0x2  }
0xc8: {  	v1 =	vsub.f32 v1, v0;
	_ =	sdelay $0x1  }
0xc9: {  	v1 =	vmul.f32 v1, v2;
	_ =	sdelay $0x1  }
0xca: {  	v0 =	vadd.f32 v1, v0;
	_ =	sdelay $0x1  }
0xcb: {  	[tilespmem:s18+$0x10000] =	vst v0  }
0xcc: {  	v1 =	vld [tilespmem:s10+$0x8300];
	_ =	sdelay $0x1  }
0xcd: {  	v2 =	vld [tilespmem:s10+$0x300];
	_ =	sdelay $0x2  }
0xce: {  	v1 =	vsub.f32 v1, v0  }
0xcf: {  	v3 =	vld [tilespmem:s10+$0x8280]  }
0xd0: {  	v1 =	vmul.f32 v1, v2  }
0xd1: {  	v2 =	vld [tilespmem:s10+$0x280]  }
0xd2: {  	v0 =	vadd.f32 v1, v0;
	_ =	sdelay $0x1  }
0xd3: {  	v1 =	vsub.f32 v3, v0  }
0xd4: {  	v3 =	vld [tilespmem:s10+$0x8200]  }
0xd5: {  	v1 =	vmul.f32 v1, v2  }
0xd6: {  	v2 =	vld [tilespmem:s10+$0x200]  }
0xd7: {  	v1 =	vadd.f32 v1, v0;
	_ =	sdelay $0x1  }
0xd8: {  	v3 =	vsub.f32 v3, v1;
	_ =	sdelay $0x1  }
0xd9: {  	v2 =	vmul.f32 v3, v2;
	_ =	sdelay $0x1  }
0xda: {  	[tilespmem:s10+$0x10300] =	vst v0;
	v0 =	vadd.f32 v2, v1  }
0xdb: {  	[tilespmem:s10+$0x10280] =	vst v1  }
0xdc: {  	s11 =	sor.u32 $0x180, s11;
	[tilespmem:s10+$0x10200] =	vst v0  }
0xdd: {  	v1 =	vld [tilespmem:s11+$0x8000];
	_ =	sdelay $0x1  }
0xde: {  	v2 =	vld [tilespmem:s11+$0x0];
	_ =	sdelay $0x2  }
0xdf: {  	v1 =	vsub.f32 v1, v0;
	_ =	sdelay $0x1  }
0xe0: {  	v1 =	vmul.f32 v1, v2;
	_ =	sdelay $0x1  }
0xe1: {  	v0 =	vadd.f32 v1, v0;
	_ =	sdelay $0x1  }
0xe2: {  	[tilespmem:s11+$0x10000] =	vst v0  }
0xe3: {  	v1 =	vld [tilespmem:s10+$0x8100];
	_ =	sdelay $0x1  }
0xe4: {  	v2 =	vld [tilespmem:s10+$0x100];
	_ =	sdelay $0x2  }
0xe5: {  	v1 =	vsub.f32 v1, v0  }
0xe6: {  	v3 =	vld [tilespmem:s10+$0x8080]  }
0xe7: {  	v1 =	vmul.f32 v1, v2  }
0xe8: {  	v2 =	vld [tilespmem:s10+$0x80]  }
0xe9: {  	v0 =	vadd.f32 v1, v0;
	_ =	sdelay $0x1  }
0xea: {  	v1 =	vsub.f32 v3, v0  }
0xeb: {  	v3 =	vld [tilespmem:s10+$0x8000]  }
0xec: {  	v1 =	vmul.f32 v1, v2  }
0xed: {  	v2 =	vld [tilespmem:s10+$0x0]  }
0xee: {  	v1 =	vadd.f32 v1, v0;
	_ =	sdelay $0x1  }
0xef: {  	v3 =	vsub.f32 v3, v1  }
0xf0: {  	s19 =	simm.s32 $0x80  }
0xf1: {  	s20 =	simm.s32 $0x10;
	s23 =	sand.u32 $0xFFFFFC00, s19;
	v2 =	vmul.f32 v3, v2  }
0xf2: {  	s12 =	sadd.s32 $0x10, s23;
	s13 =	sand.u32 $0x70, s20;
	[tilespmem:s10+$0x10100] =	vst v0  }
0xf3: {  	s14 =	simm.s32 $0x100;
	s15 =	simm.s32 $0x20;
	s18 =	sand.u32 $0xC00, s19;
	[tilespmem:s10+$0x10080] =	vst v1;
	v0 =	vadd.f32 v2, v1  }
.LBB2_3:
0xf4: {  	s19 =	sand.u32 $0x70, s15  }
0xf5: {  	s20 =	sshrl.u32 s18, $0x2;
	s23 =	sor.u32 $0x3380, s12;
	[tilespmem:s10+$0x10000] =	vst v0;
	s11 =	smov.u32 s14  }
0xf6: {  	p1 =	sne.s32 s14, $0xF80;
	s14 =	sadd.s32 $0x80, s14;
	s10 =	sor.u32 s13, s20;
	v0 =	vld [tilespmem:s23+$0x8000]  }
0xf7: {  	v1 =	vld [tilespmem:s10+$0x18000];
	_ =	sdelay $0x1  }
0xf8: {  	v2 =	vld [tilespmem:s23+$0x0];
	_ =	sdelay $0x2  }
0xf9: {  	v0 =	vsub.f32 v0, v1;
	_ =	sdelay $0x1  }
0xfa: {  	v0 =	vmul.f32 v0, v2;
	_ =	sdelay $0x1  }
0xfb: {  	v0 =	vadd.f32 v0, v1;
	_ =	sdelay $0x1  }
0xfc: {  	s10 =	sor.u32 s13, s18;
	s13 =	smov.u32 s19;
	[tilespmem:s23+$0x10000] =	vst v0  }
0xfd: {  	v1 =	vld [tilespmem:s10+$0xB300];
	_ =	sdelay $0x1  }
0xfe: {  	v2 =	vld [tilespmem:s10+$0x3300];
	_ =	sdelay $0x2  }
0xff: {  	v1 =	vsub.f32 v1, v0  }
0x100: {  	v3 =	vld [tilespmem:s10+$0xB280]  }
0x101: {  	v1 =	vmul.f32 v1, v2  }
0x102: {  	v2 =	vld [tilespmem:s10+$0x3280]  }
0x103: {  	v0 =	vadd.f32 v1, v0;
	_ =	sdelay $0x1  }
0x104: {  	v1 =	vsub.f32 v3, v0  }
0x105: {  	v3 =	vld [tilespmem:s10+$0xB200]  }
0x106: {  	v1 =	vmul.f32 v1, v2  }
0x107: {  	v2 =	vld [tilespmem:s10+$0x3200]  }
0x108: {  	v1 =	vadd.f32 v1, v0;
	_ =	sdelay $0x1  }
0x109: {  	v3 =	vsub.f32 v3, v1;
	_ =	sdelay $0x1  }
0x10a: {  	v2 =	vmul.f32 v3, v2;
	_ =	sdelay $0x1  }
0x10b: {  	[tilespmem:s10+$0x13280] =	vst v1;
	v1 =	vadd.f32 v2, v1  }
0x10c: {  	[tilespmem:s10+$0x13300] =	vst v0  }
0x10d: {  	s18 =	sor.u32 $0x3180, s12;
	[tilespmem:s10+$0x13200] =	vst v1  }
0x10e: {  	v0 =	vld [tilespmem:s18+$0x8000];
	_ =	sdelay $0x1  }
0x10f: {  	v2 =	vld [tilespmem:s18+$0x0];
	_ =	sdelay $0x2  }
0x110: {  	v0 =	vsub.f32 v0, v1;
	_ =	sdelay $0x1  }
0x111: {  	v0 =	vmul.f32 v0, v2;
	_ =	sdelay $0x1  }
0x112: {  	v0 =	vadd.f32 v0, v1;
	_ =	sdelay $0x1  }
0x113: {  	[tilespmem:s18+$0x10000] =	vst v0  }
0x114: {  	v1 =	vld [tilespmem:s10+$0xB100];
	_ =	sdelay $0x1  }
0x115: {  	v2 =	vld [tilespmem:s10+$0x3100];
	_ =	sdelay $0x2  }
0x116: {  	v1 =	vsub.f32 v1, v0  }
0x117: {  	v3 =	vld [tilespmem:s10+$0xB080]  }
0x118: {  	v1 =	vmul.f32 v1, v2  }
0x119: {  	v2 =	vld [tilespmem:s10+$0x3080]  }
0x11a: {  	v0 =	vadd.f32 v1, v0;
	_ =	sdelay $0x1  }
0x11b: {  	v1 =	vsub.f32 v3, v0  }
0x11c: {  	v3 =	vld [tilespmem:s10+$0xB000]  }
0x11d: {  	v1 =	vmul.f32 v1, v2  }
0x11e: {  	v2 =	vld [tilespmem:s10+$0x3000]  }
0x11f: {  	v1 =	vadd.f32 v1, v0;
	_ =	sdelay $0x1  }
0x120: {  	v3 =	vsub.f32 v3, v1;
	_ =	sdelay $0x1  }
0x121: {  	v2 =	vmul.f32 v3, v2;
	_ =	sdelay $0x1  }
0x122: {  	[tilespmem:s10+$0x13100] =	vst v0;
	v0 =	vadd.f32 v2, v1  }
0x123: {  	[tilespmem:s10+$0x13080] =	vst v1  }
0x124: {  	s18 =	sor.u32 $0x2380, s12;
	[tilespmem:s10+$0x13000] =	vst v0  }
0x125: {  	v1 =	vld [tilespmem:s18+$0x8000];
	_ =	sdelay $0x1  }
0x126: {  	v2 =	vld [tilespmem:s18+$0x0];
	_ =	sdelay $0x2  }
0x127: {  	v1 =	vsub.f32 v1, v0;
	_ =	sdelay $0x1  }
0x128: {  	v1 =	vmul.f32 v1, v2;
	_ =	sdelay $0x1  }
0x129: {  	v0 =	vadd.f32 v1, v0;
	_ =	sdelay $0x1  }
0x12a: {  	[tilespmem:s18+$0x10000] =	vst v0  }
0x12b: {  	v1 =	vld [tilespmem:s10+$0xA300];
	_ =	sdelay $0x1  }
0x12c: {  	v2 =	vld [tilespmem:s10+$0x2300];
	_ =	sdelay $0x2  }
0x12d: {  	v1 =	vsub.f32 v1, v0  }
0x12e: {  	v3 =	vld [tilespmem:s10+$0xA280]  }
0x12f: {  	v1 =	vmul.f32 v1, v2  }
0x130: {  	v2 =	vld [tilespmem:s10+$0x2280]  }
0x131: {  	v0 =	vadd.f32 v1, v0;
	_ =	sdelay $0x1  }
0x132: {  	v1 =	vsub.f32 v3, v0  }
0x133: {  	v3 =	vld [tilespmem:s10+$0xA200]  }
0x134: {  	v1 =	vmul.f32 v1, v2  }
0x135: {  	v2 =	vld [tilespmem:s10+$0x2200]  }
0x136: {  	v1 =	vadd.f32 v1, v0;
	_ =	sdelay $0x1  }
0x137: {  	v3 =	vsub.f32 v3, v1;
	_ =	sdelay $0x1  }
0x138: {  	v2 =	vmul.f32 v3, v2;
	_ =	sdelay $0x1  }
0x139: {  	[tilespmem:s10+$0x12300] =	vst v0;
	v0 =	vadd.f32 v2, v1  }
0x13a: {  	[tilespmem:s10+$0x12280] =	vst v1  }
0x13b: {  	s18 =	sor.u32 $0x2180, s12;
	[tilespmem:s10+$0x12200] =	vst v0  }
0x13c: {  	v1 =	vld [tilespmem:s18+$0x8000];
	_ =	sdelay $0x1  }
0x13d: {  	v2 =	vld [tilespmem:s18+$0x0];
	_ =	sdelay $0x2  }
0x13e: {  	v1 =	vsub.f32 v1, v0;
	_ =	sdelay $0x1  }
0x13f: {  	v1 =	vmul.f32 v1, v2;
	_ =	sdelay $0x1  }
0x140: {  	v0 =	vadd.f32 v1, v0;
	_ =	sdelay $0x1  }
0x141: {  	[tilespmem:s18+$0x10000] =	vst v0  }
0x142: {  	v1 =	vld [tilespmem:s10+$0xA100];
	_ =	sdelay $0x1  }
0x143: {  	v2 =	vld [tilespmem:s10+$0x2100];
	_ =	sdelay $0x2  }
0x144: {  	v1 =	vsub.f32 v1, v0  }
0x145: {  	v3 =	vld [tilespmem:s10+$0xA080]  }
0x146: {  	v1 =	vmul.f32 v1, v2  }
0x147: {  	v2 =	vld [tilespmem:s10+$0x2080]  }
0x148: {  	v0 =	vadd.f32 v1, v0;
	_ =	sdelay $0x1  }
0x149: {  	v1 =	vsub.f32 v3, v0  }
0x14a: {  	v3 =	vld [tilespmem:s10+$0xA000]  }
0x14b: {  	v1 =	vmul.f32 v1, v2  }
0x14c: {  	v2 =	vld [tilespmem:s10+$0x2000]  }
0x14d: {  	v1 =	vadd.f32 v1, v0;
	_ =	sdelay $0x1  }
0x14e: {  	v3 =	vsub.f32 v3, v1;
	_ =	sdelay $0x1  }
0x14f: {  	v2 =	vmul.f32 v3, v2;
	_ =	sdelay $0x1  }
0x150: {  	[tilespmem:s10+$0x12100] =	vst v0;
	v0 =	vadd.f32 v2, v1  }
0x151: {  	[tilespmem:s10+$0x12080] =	vst v1  }
0x152: {  	s18 =	sor.u32 $0x1380, s12;
	[tilespmem:s10+$0x12000] =	vst v0  }
0x153: {  	v1 =	vld [tilespmem:s18+$0x8000];
	_ =	sdelay $0x1  }
0x154: {  	v2 =	vld [tilespmem:s18+$0x0];
	_ =	sdelay $0x2  }
0x155: {  	v1 =	vsub.f32 v1, v0;
	_ =	sdelay $0x1  }
0x156: {  	v1 =	vmul.f32 v1, v2;
	_ =	sdelay $0x1  }
0x157: {  	v0 =	vadd.f32 v1, v0;
	_ =	sdelay $0x1  }
0x158: {  	[tilespmem:s18+$0x10000] =	vst v0  }
0x159: {  	v1 =	vld [tilespmem:s10+$0x9300]  }
0x15a: {  	v2 =	vld [tilespmem:s10+$0x9200]  }
0x15b: {  	v3 =	vld [tilespmem:s10+$0x1300]  }
0x15c: {  	v4 =	vld [tilespmem:s10+$0x1200];
	_ =	sdelay $0x1  }
0x15d: {  	v1 =	vsub.f32 v1, v0  }
0x15e: {  	v5 =	vld [tilespmem:s10+$0x9280]  }
0x15f: {  	v1 =	vmul.f32 v1, v3  }
0x160: {  	v3 =	vld [tilespmem:s10+$0x1280]  }
0x161: {  	v0 =	vadd.f32 v1, v0;
	_ =	sdelay $0x1  }
0x162: {  	[tilespmem:s10+$0x11300] =	vst v0;
	v1 =	vsub.f32 v5, v0;
	_ =	sdelay $0x1  }
0x163: {  	v1 =	vmul.f32 v1, v3;
	_ =	sdelay $0x1  }
0x164: {  	v0 =	vadd.f32 v1, v0;
	_ =	sdelay $0x1  }
0x165: {  	[tilespmem:s10+$0x11280] =	vst v0;
	v1 =	vsub.f32 v2, v0;
	_ =	sdelay $0x1  }
0x166: {  	v1 =	vmul.f32 v1, v4;
	_ =	sdelay $0x1  }
0x167: {  	v0 =	vadd.f32 v1, v0;
	_ =	sdelay $0x1  }
0x168: {  	s18 =	sor.u32 $0x1180, s12;
	[tilespmem:s10+$0x11200] =	vst v0  }
0x169: {  	v1 =	vld [tilespmem:s18+$0x8000];
	_ =	sdelay $0x1  }
0x16a: {  	v2 =	vld [tilespmem:s18+$0x0];
	_ =	sdelay $0x2  }
0x16b: {  	v1 =	vsub.f32 v1, v0;
	_ =	sdelay $0x1  }
0x16c: {  	v1 =	vmul.f32 v1, v2;
	_ =	sdelay $0x1  }
0x16d: {  	v0 =	vadd.f32 v1, v0;
	_ =	sdelay $0x1  }
0x16e: {  	[tilespmem:s18+$0x10000] =	vst v0  }
0x16f: {  	v1 =	vld [tilespmem:s10+$0x9100]  }
0x170: {  	v2 =	vld [tilespmem:s10+$0x9000]  }
0x171: {  	v3 =	vld [tilespmem:s10+$0x1100]  }
0x172: {  	v4 =	vld [tilespmem:s10+$0x1000];
	_ =	sdelay $0x1  }
0x173: {  	v1 =	vsub.f32 v1, v0  }
0x174: {  	v5 =	vld [tilespmem:s10+$0x9080]  }
0x175: {  	v1 =	vmul.f32 v1, v3  }
0x176: {  	v3 =	vld [tilespmem:s10+$0x1080]  }
0x177: {  	v0 =	vadd.f32 v1, v0;
	_ =	sdelay $0x1  }
0x178: {  	[tilespmem:s10+$0x11100] =	vst v0;
	v1 =	vsub.f32 v5, v0;
	_ =	sdelay $0x1  }
0x179: {  	v1 =	vmul.f32 v1, v3;
	_ =	sdelay $0x1  }
0x17a: {  	v0 =	vadd.f32 v1, v0;
	_ =	sdelay $0x1  }
0x17b: {  	[tilespmem:s10+$0x11080] =	vst v0;
	v1 =	vsub.f32 v2, v0;
	_ =	sdelay $0x1  }
0x17c: {  	v1 =	vmul.f32 v1, v4;
	_ =	sdelay $0x1  }
0x17d: {  	v0 =	vadd.f32 v1, v0;
	_ =	sdelay $0x1  }
0x17e: {  	s18 =	sor.u32 $0x380, s12;
	[tilespmem:s10+$0x11000] =	vst v0  }
0x17f: {  	v1 =	vld [tilespmem:s18+$0x8000]  }
0x180: {  	v2 =	vld [tilespmem:s18+$0x0];
	_ =	sdelay $0x3  }
0x181: {  	v1 =	vsub.f32 v1, v0;
	_ =	sdelay $0x1  }
0x182: {  	v1 =	vmul.f32 v1, v2;
	_ =	sdelay $0x1  }
0x183: {  	v0 =	vadd.f32 v1, v0;
	_ =	sdelay $0x1  }
0x184: {  	[tilespmem:s18+$0x10000] =	vst v0  }
0x185: {  	v1 =	vld [tilespmem:s10+$0x8300]  }
0x186: {  	v2 =	vld [tilespmem:s10+$0x300]  }
0x187: {  	v3 =	vld [tilespmem:s10+$0x8280]  }
0x188: {  	v4 =	vld [tilespmem:s10+$0x280]  }
0x189: {  	v5 =	vld [tilespmem:s10+$0x8200]  }
0x18a: {  	v1 =	vsub.f32 v1, v0;
	v6 =	vld [tilespmem:s10+$0x200];
	_ =	sdelay $0x1  }
0x18b: {  	v1 =	vmul.f32 v1, v2;
	_ =	sdelay $0x1  }
0x18c: {  	v0 =	vadd.f32 v1, v0;
	_ =	sdelay $0x1  }
0x18d: {  	[tilespmem:s10+$0x10300] =	vst v0;
	v1 =	vsub.f32 v3, v0;
	_ =	sdelay $0x1  }
0x18e: {  	v1 =	vmul.f32 v1, v4;
	_ =	sdelay $0x1  }
0x18f: {  	v0 =	vadd.f32 v1, v0;
	_ =	sdelay $0x1  }
0x190: {  	[tilespmem:s10+$0x10280] =	vst v0;
	v1 =	vsub.f32 v5, v0;
	_ =	sdelay $0x1  }
0x191: {  	v1 =	vmul.f32 v1, v6;
	_ =	sdelay $0x1  }
0x192: {  	v0 =	vadd.f32 v1, v0;
	_ =	sdelay $0x1  }
0x193: {  	s12 =	sor.u32 $0x180, s12;
	[tilespmem:s10+$0x10200] =	vst v0  }
0x194: {  	v1 =	vld [tilespmem:s12+$0x8000]  }
0x195: {  	v2 =	vld [tilespmem:s12+$0x0];
	_ =	sdelay $0x3  }
0x196: {  	v1 =	vsub.f32 v1, v0;
	_ =	sdelay $0x1  }
0x197: {  	v1 =	vmul.f32 v1, v2;
	_ =	sdelay $0x1  }
0x198: {  	v0 =	vadd.f32 v1, v0;
	_ =	sdelay $0x1  }
0x199: {  	[tilespmem:s12+$0x10000] =	vst v0  }
0x19a: {  	v1 =	vld [tilespmem:s10+$0x8100]  }
0x19b: {  	v2 =	vld [tilespmem:s10+$0x100]  }
0x19c: {  	v3 =	vld [tilespmem:s10+$0x8080]  }
0x19d: {  	v4 =	vld [tilespmem:s10+$0x80]  }
0x19e: {  	v5 =	vld [tilespmem:s10+$0x8000]  }
0x19f: {  	v1 =	vsub.f32 v1, v0;
	v6 =	vld [tilespmem:s10+$0x0];
	_ =	sdelay $0x1  }
0x1a0: {  	v1 =	vmul.f32 v1, v2;
	_ =	sdelay $0x1  }
0x1a1: {  	v0 =	vadd.f32 v1, v0;
	_ =	sdelay $0x1  }
0x1a2: {  	[tilespmem:s10+$0x10100] =	vst v0;
	v1 =	vsub.f32 v3, v0;
	_ =	sdelay $0x1  }
0x1a3: {  	v1 =	vmul.f32 v1, v4;
	_ =	sdelay $0x1  }
0x1a4: {  	v0 =	vadd.f32 v1, v0;
	_ =	sdelay $0x1  }
0x1a5: {  	[tilespmem:s10+$0x10080] =	vst v0;
	v1 =	vsub.f32 v5, v0  }
.Ltmp0:
0x1a6: {  	(pc) =	sbr.rel @p1 .LBB2_3-.Ltmp0, $3  }
0x1a7: {  	v1 =	vmul.f32 v1, v6;
	_ =	sdelay $0x1  }
0x1a8: {  	s12 =	sand.u32 $0xFFFFFC00, s11;
	v0 =	vadd.f32 v1, v0  }
0x1a9: {  	s18 =	sand.u32 $0xC00, s11;
	s12 =	sadd.s32 s12, s15;
	s15 =	sadd.s32 $0x10, s15  }
0x1aa: {  	s11 =	sshrl.u32 s18, $0x2;
	s14 =	sor.u32 $0x3380, s12;
	[tilespmem:s10+$0x10000] =	vst v0  }
0x1ab: {  	s11 =	sor.u32 s13, s11;
	v0 =	vld [tilespmem:s14+$0x8000]  }
0x1ac: {  	v1 =	vld [tilespmem:s11+$0x18000];
	_ =	sdelay $0x1  }
0x1ad: {  	v2 =	vld [tilespmem:s14+$0x0];
	_ =	sdelay $0x2  }
0x1ae: {  	v0 =	vsub.f32 v0, v1;
	_ =	sdelay $0x1  }
0x1af: {  	v0 =	vmul.f32 v0, v2;
	_ =	sdelay $0x1  }
0x1b0: {  	v0 =	vadd.f32 v0, v1;
	_ =	sdelay $0x1  }
0x1b1: {  	s10 =	sor.u32 s13, s18;
	[tilespmem:s14+$0x10000] =	vst v0  }
0x1b2: {  	v1 =	vld [tilespmem:s10+$0xB300];
	_ =	sdelay $0x1  }
0x1b3: {  	v2 =	vld [tilespmem:s10+$0x3300];
	_ =	sdelay $0x2  }
0x1b4: {  	v1 =	vsub.f32 v1, v0  }
0x1b5: {  	v3 =	vld [tilespmem:s10+$0xB280]  }
0x1b6: {  	v1 =	vmul.f32 v1, v2  }
0x1b7: {  	v2 =	vld [tilespmem:s10+$0x3280]  }
0x1b8: {  	v0 =	vadd.f32 v1, v0;
	_ =	sdelay $0x1  }
0x1b9: {  	v1 =	vsub.f32 v3, v0  }
0x1ba: {  	v3 =	vld [tilespmem:s10+$0xB200]  }
0x1bb: {  	v1 =	vmul.f32 v1, v2  }
0x1bc: {  	v2 =	vld [tilespmem:s10+$0x3200]  }
0x1bd: {  	v1 =	vadd.f32 v1, v0;
	_ =	sdelay $0x1  }
0x1be: {  	v3 =	vsub.f32 v3, v1;
	_ =	sdelay $0x1  }
0x1bf: {  	v2 =	vmul.f32 v3, v2;
	_ =	sdelay $0x1  }
0x1c0: {  	[tilespmem:s10+$0x13280] =	vst v1;
	v1 =	vadd.f32 v2, v1  }
0x1c1: {  	[tilespmem:s10+$0x13300] =	vst v0  }
0x1c2: {  	s13 =	sor.u32 $0x3180, s12;
	[tilespmem:s10+$0x13200] =	vst v1  }
0x1c3: {  	v0 =	vld [tilespmem:s13+$0x8000];
	_ =	sdelay $0x1  }
0x1c4: {  	v2 =	vld [tilespmem:s13+$0x0];
	_ =	sdelay $0x2  }
0x1c5: {  	v0 =	vsub.f32 v0, v1;
	_ =	sdelay $0x1  }
0x1c6: {  	v0 =	vmul.f32 v0, v2;
	_ =	sdelay $0x1  }
0x1c7: {  	v0 =	vadd.f32 v0, v1;
	_ =	sdelay $0x1  }
0x1c8: {  	[tilespmem:s13+$0x10000] =	vst v0  }
0x1c9: {  	v1 =	vld [tilespmem:s10+$0xB100];
	_ =	sdelay $0x1  }
0x1ca: {  	v2 =	vld [tilespmem:s10+$0x3100];
	_ =	sdelay $0x2  }
0x1cb: {  	v1 =	vsub.f32 v1, v0  }
0x1cc: {  	v3 =	vld [tilespmem:s10+$0xB080]  }
0x1cd: {  	v1 =	vmul.f32 v1, v2  }
0x1ce: {  	v2 =	vld [tilespmem:s10+$0x3080]  }
0x1cf: {  	v0 =	vadd.f32 v1, v0;
	_ =	sdelay $0x1  }
0x1d0: {  	v1 =	vsub.f32 v3, v0  }
0x1d1: {  	v3 =	vld [tilespmem:s10+$0xB000]  }
0x1d2: {  	v1 =	vmul.f32 v1, v2  }
0x1d3: {  	v2 =	vld [tilespmem:s10+$0x3000]  }
0x1d4: {  	v1 =	vadd.f32 v1, v0;
	_ =	sdelay $0x1  }
0x1d5: {  	v3 =	vsub.f32 v3, v1;
	_ =	sdelay $0x1  }
0x1d6: {  	v2 =	vmul.f32 v3, v2;
	_ =	sdelay $0x1  }
0x1d7: {  	[tilespmem:s10+$0x13100] =	vst v0;
	v0 =	vadd.f32 v2, v1  }
0x1d8: {  	[tilespmem:s10+$0x13080] =	vst v1  }
0x1d9: {  	s14 =	sor.u32 $0x2380, s12;
	[tilespmem:s10+$0x13000] =	vst v0  }
0x1da: {  	v1 =	vld [tilespmem:s14+$0x8000];
	_ =	sdelay $0x1  }
0x1db: {  	v2 =	vld [tilespmem:s14+$0x0];
	_ =	sdelay $0x2  }
0x1dc: {  	v1 =	vsub.f32 v1, v0;
	_ =	sdelay $0x1  }
0x1dd: {  	v1 =	vmul.f32 v1, v2;
	_ =	sdelay $0x1  }
0x1de: {  	v0 =	vadd.f32 v1, v0;
	_ =	sdelay $0x1  }
0x1df: {  	[tilespmem:s14+$0x10000] =	vst v0  }
0x1e0: {  	v1 =	vld [tilespmem:s10+$0xA300];
	_ =	sdelay $0x1  }
0x1e1: {  	v2 =	vld [tilespmem:s10+$0x2300];
	_ =	sdelay $0x2  }
0x1e2: {  	v1 =	vsub.f32 v1, v0  }
0x1e3: {  	v3 =	vld [tilespmem:s10+$0xA280]  }
0x1e4: {  	v1 =	vmul.f32 v1, v2  }
0x1e5: {  	v2 =	vld [tilespmem:s10+$0x2280]  }
0x1e6: {  	v0 =	vadd.f32 v1, v0;
	_ =	sdelay $0x1  }
0x1e7: {  	v1 =	vsub.f32 v3, v0  }
0x1e8: {  	v3 =	vld [tilespmem:s10+$0xA200]  }
0x1e9: {  	v1 =	vmul.f32 v1, v2  }
0x1ea: {  	v2 =	vld [tilespmem:s10+$0x2200]  }
0x1eb: {  	v1 =	vadd.f32 v1, v0;
	_ =	sdelay $0x1  }
0x1ec: {  	v3 =	vsub.f32 v3, v1;
	_ =	sdelay $0x1  }
0x1ed: {  	v2 =	vmul.f32 v3, v2;
	_ =	sdelay $0x1  }
0x1ee: {  	[tilespmem:s10+$0x12300] =	vst v0;
	v0 =	vadd.f32 v2, v1  }
0x1ef: {  	[tilespmem:s10+$0x12280] =	vst v1  }
0x1f0: {  	s15 =	sor.u32 $0x2180, s12;
	[tilespmem:s10+$0x12200] =	vst v0  }
0x1f1: {  	v1 =	vld [tilespmem:s15+$0x8000];
	_ =	sdelay $0x1  }
0x1f2: {  	v2 =	vld [tilespmem:s15+$0x0];
	_ =	sdelay $0x2  }
0x1f3: {  	v1 =	vsub.f32 v1, v0;
	_ =	sdelay $0x1  }
0x1f4: {  	v1 =	vmul.f32 v1, v2;
	_ =	sdelay $0x1  }
0x1f5: {  	v0 =	vadd.f32 v1, v0;
	_ =	sdelay $0x1  }
0x1f6: {  	[tilespmem:s15+$0x10000] =	vst v0  }
0x1f7: {  	v1 =	vld [tilespmem:s10+$0xA100];
	_ =	sdelay $0x1  }
0x1f8: {  	v2 =	vld [tilespmem:s10+$0x2100];
	_ =	sdelay $0x2  }
0x1f9: {  	v1 =	vsub.f32 v1, v0  }
0x1fa: {  	v3 =	vld [tilespmem:s10+$0xA080]  }
0x1fb: {  	v1 =	vmul.f32 v1, v2  }
0x1fc: {  	v2 =	vld [tilespmem:s10+$0x2080]  }
0x1fd: {  	v0 =	vadd.f32 v1, v0;
	_ =	sdelay $0x1  }
0x1fe: {  	v1 =	vsub.f32 v3, v0  }
0x1ff: {  	v3 =	vld [tilespmem:s10+$0xA000]  }
0x200: {  	v1 =	vmul.f32 v1, v2  }
0x201: {  	v2 =	vld [tilespmem:s10+$0x2000]  }
0x202: {  	v1 =	vadd.f32 v1, v0;
	_ =	sdelay $0x1  }
0x203: {  	v3 =	vsub.f32 v3, v1;
	_ =	sdelay $0x1  }
0x204: {  	v2 =	vmul.f32 v3, v2;
	_ =	sdelay $0x1  }
0x205: {  	[tilespmem:s10+$0x12100] =	vst v0;
	v0 =	vadd.f32 v2, v1  }
0x206: {  	[tilespmem:s10+$0x12080] =	vst v1  }
0x207: {  	s18 =	sor.u32 $0x1380, s12;
	[tilespmem:s10+$0x12000] =	vst v0  }
0x208: {  	v1 =	vld [tilespmem:s18+$0x8000];
	_ =	sdelay $0x1  }
0x209: {  	v2 =	vld [tilespmem:s18+$0x0];
	_ =	sdelay $0x2  }
0x20a: {  	v1 =	vsub.f32 v1, v0;
	_ =	sdelay $0x1  }
0x20b: {  	v1 =	vmul.f32 v1, v2;
	_ =	sdelay $0x1  }
0x20c: {  	v0 =	vadd.f32 v1, v0;
	_ =	sdelay $0x1  }
0x20d: {  	[tilespmem:s18+$0x10000] =	vst v0  }
0x20e: {  	v1 =	vld [tilespmem:s10+$0x9300];
	_ =	sdelay $0x1  }
0x20f: {  	v2 =	vld [tilespmem:s10+$0x1300];
	_ =	sdelay $0x2  }
0x210: {  	v1 =	vsub.f32 v1, v0  }
0x211: {  	v3 =	vld [tilespmem:s10+$0x9280]  }
0x212: {  	v1 =	vmul.f32 v1, v2  }
0x213: {  	v2 =	vld [tilespmem:s10+$0x1280]  }
0x214: {  	v0 =	vadd.f32 v1, v0;
	_ =	sdelay $0x1  }
0x215: {  	v1 =	vsub.f32 v3, v0  }
0x216: {  	v3 =	vld [tilespmem:s10+$0x9200]  }
0x217: {  	v1 =	vmul.f32 v1, v2  }
0x218: {  	v2 =	vld [tilespmem:s10+$0x1200]  }
0x219: {  	v1 =	vadd.f32 v1, v0;
	_ =	sdelay $0x1  }
0x21a: {  	v3 =	vsub.f32 v3, v1;
	_ =	sdelay $0x1  }
0x21b: {  	v2 =	vmul.f32 v3, v2;
	_ =	sdelay $0x1  }
0x21c: {  	[tilespmem:s10+$0x11300] =	vst v0;
	v0 =	vadd.f32 v2, v1  }
0x21d: {  	[tilespmem:s10+$0x11280] =	vst v1  }
0x21e: {  	s19 =	sor.u32 $0x1180, s12;
	[tilespmem:s10+$0x11200] =	vst v0  }
0x21f: {  	v1 =	vld [tilespmem:s19+$0x8000];
	_ =	sdelay $0x1  }
0x220: {  	v2 =	vld [tilespmem:s19+$0x0];
	_ =	sdelay $0x2  }
0x221: {  	v1 =	vsub.f32 v1, v0;
	_ =	sdelay $0x1  }
0x222: {  	v1 =	vmul.f32 v1, v2;
	_ =	sdelay $0x1  }
0x223: {  	v0 =	vadd.f32 v1, v0;
	_ =	sdelay $0x1  }
0x224: {  	[tilespmem:s19+$0x10000] =	vst v0  }
0x225: {  	v1 =	vld [tilespmem:s10+$0x9100];
	_ =	sdelay $0x1  }
0x226: {  	v2 =	vld [tilespmem:s10+$0x1100];
	_ =	sdelay $0x2  }
0x227: {  	v1 =	vsub.f32 v1, v0  }
0x228: {  	v3 =	vld [tilespmem:s10+$0x9080]  }
0x229: {  	v1 =	vmul.f32 v1, v2  }
0x22a: {  	v2 =	vld [tilespmem:s10+$0x1080]  }
0x22b: {  	v0 =	vadd.f32 v1, v0;
	_ =	sdelay $0x1  }
0x22c: {  	v1 =	vsub.f32 v3, v0  }
0x22d: {  	v3 =	vld [tilespmem:s10+$0x9000]  }
0x22e: {  	v1 =	vmul.f32 v1, v2  }
0x22f: {  	v2 =	vld [tilespmem:s10+$0x1000]  }
0x230: {  	v1 =	vadd.f32 v1, v0;
	_ =	sdelay $0x1  }
0x231: {  	v3 =	vsub.f32 v3, v1;
	_ =	sdelay $0x1  }
0x232: {  	v2 =	vmul.f32 v3, v2;
	_ =	sdelay $0x1  }
0x233: {  	[tilespmem:s10+$0x11100] =	vst v0;
	v0 =	vadd.f32 v2, v1  }
0x234: {  	[tilespmem:s10+$0x11080] =	vst v1  }
0x235: {  	s20 =	sor.u32 $0x380, s12;
	[tilespmem:s10+$0x11000] =	vst v0  }
0x236: {  	v1 =	vld [tilespmem:s20+$0x8000];
	_ =	sdelay $0x1  }
0x237: {  	v2 =	vld [tilespmem:s20+$0x0];
	_ =	sdelay $0x2  }
0x238: {  	v1 =	vsub.f32 v1, v0;
	_ =	sdelay $0x1  }
0x239: {  	v1 =	vmul.f32 v1, v2;
	_ =	sdelay $0x1  }
0x23a: {  	v0 =	vadd.f32 v1, v0;
	_ =	sdelay $0x1  }
0x23b: {  	[tilespmem:s20+$0x10000] =	vst v0  }
0x23c: {  	v1 =	vld [tilespmem:s10+$0x8300];
	_ =	sdelay $0x1  }
0x23d: {  	v2 =	vld [tilespmem:s10+$0x300];
	_ =	sdelay $0x2  }
0x23e: {  	v1 =	vsub.f32 v1, v0  }
0x23f: {  	v3 =	vld [tilespmem:s10+$0x8280]  }
0x240: {  	v1 =	vmul.f32 v1, v2  }
0x241: {  	v2 =	vld [tilespmem:s10+$0x280]  }
0x242: {  	v0 =	vadd.f32 v1, v0;
	_ =	sdelay $0x1  }
0x243: {  	v1 =	vsub.f32 v3, v0  }
0x244: {  	v3 =	vld [tilespmem:s10+$0x8200]  }
0x245: {  	v1 =	vmul.f32 v1, v2  }
0x246: {  	v2 =	vld [tilespmem:s10+$0x200]  }
0x247: {  	v1 =	vadd.f32 v1, v0;
	_ =	sdelay $0x1  }
0x248: {  	v3 =	vsub.f32 v3, v1;
	_ =	sdelay $0x1  }
0x249: {  	v2 =	vmul.f32 v3, v2;
	_ =	sdelay $0x1  }
0x24a: {  	[tilespmem:s10+$0x10300] =	vst v0;
	v0 =	vadd.f32 v2, v1  }
0x24b: {  	[tilespmem:s10+$0x10280] =	vst v1  }
0x24c: {  	s23 =	sor.u32 $0x180, s12;
	[tilespmem:s10+$0x10200] =	vst v0  }
0x24d: {  	v1 =	vld [tilespmem:s23+$0x8000];
	_ =	sdelay $0x1  }
0x24e: {  	v2 =	vld [tilespmem:s23+$0x0];
	_ =	sdelay $0x2  }
0x24f: {  	v1 =	vsub.f32 v1, v0;
	_ =	sdelay $0x1  }
0x250: {  	v1 =	vmul.f32 v1, v2;
	_ =	sdelay $0x1  }
0x251: {  	v0 =	vadd.f32 v1, v0;
	_ =	sdelay $0x1  }
0x252: {  	[tilespmem:s23+$0x10000] =	vst v0  }
0x253: {  	v1 =	vld [tilespmem:s10+$0x8100];
	_ =	sdelay $0x1  }
0x254: {  	v2 =	vld [tilespmem:s10+$0x100];
	_ =	sdelay $0x2  }
0x255: {  	v1 =	vsub.f32 v1, v0  }
0x256: {  	v3 =	vld [tilespmem:s10+$0x8080]  }
0x257: {  	v1 =	vmul.f32 v1, v2  }
0x258: {  	v2 =	vld [tilespmem:s10+$0x80]  }
0x259: {  	v0 =	vadd.f32 v1, v0;
	_ =	sdelay $0x1  }
0x25a: {  	v1 =	vsub.f32 v3, v0  }
0x25b: {  	v3 =	vld [tilespmem:s10+$0x8000]  }
0x25c: {  	v1 =	vmul.f32 v1, v2  }
0x25d: {  	v2 =	vld [tilespmem:s10+$0x0]  }
0x25e: {  	v1 =	vadd.f32 v1, v0;
	_ =	sdelay $0x1  }
0x25f: {  	v3 =	vsub.f32 v3, v1;
	_ =	sdelay $0x1  }
0x260: {  	v2 =	vmul.f32 v3, v2;
	_ =	sdelay $0x1  }
0x261: {  	p1 =	seq.s32 s21, $0xF;
	s12 =	sor.u32 s8, s9;
	[tilespmem:s10+$0x10100] =	vst v0;
	v0 =	vadd.f32 v2, v1  }
0x262: {  	s9 =	sadd.s32 @!p1 $0x2000, s9;
	s11 =	sshrl.u32 s12, $0x3;
	[tilespmem:s10+$0x10080] =	vst v1  }
0x263: {  	s13 =	sadd.s32 s6, s11;
	[tilespmem:s10+$0x10000] =	vst v0;
	s10 =	sor.u32 @!p1 s8, s9  }
0x264: {  	[hbm4b:s13+s16] =	stream.strided.scatter [tilespmem:s31], [sflag:$0x3], $0x4000, s17, s16, $0x38;
	[tilespmem:$0x18400] =	vst v63  }
0x265: {  	s12 =	simm.s32 @!p1 $0x1000;
	s14 =	simm.s32 @!p1 $0x0;
	s10 =	sshrl.u32 @!p1 s10, $0x3  }
0x266: {  	s9 =	sadd.s32 @!p1 s7, s9;
	s13 =	simm.s32 @!p1 $0x20000;
	s11 =	sadd.s32 @!p1 s1, s10  }
0x267: {  	[tilespmem:s14], [sflag:$0x1] =	stream.strided.gather @!p1 [hbm4b:s11+s12], $0x4000, s13, s12, $0x38;
	[tilespmem:$0x18400] =	vst v63  }
0x268: {  	s9 =	sshrl.u32 @!p1 s9, $0x3;
	s10 =	sadd.s32 @!p1 s4, s10;
	s11 =	simm.s32 @!p1 $0x8000  }
0x269: {  	[tilespmem:s11], [sflag:$0x1] =	stream.strided.gather @!p1 [hbm4b:s10+s12], $0x4000, s13, s12, $0x38;
	[tilespmem:$0x18400] =	vst v63  }
0x26a: {  	s9 =	sadd.s32 @!p1 s5, s9;
	s10 =	simm.s32 @!p1 $0x18000  }
0x26b: {  	[tilespmem:s10], [sflag:$0x1] =	stream.linear.gather @!p1 [hbm4b:s9+s14], $0x80, $0x38;
	[tilespmem:$0x18400] =	vst v63  }
0x26c: {  	s11 =	simm.s32 @!p1 $0x18100;
	s10 =	sadd.s32 @!p1 $0x80, s9  }
0x26d: {  	[tilespmem:s11], [sflag:$0x1] =	stream.linear.gather @!p1 [hbm4b:s10+s14], $0x80, $0x38;
	[tilespmem:$0x18400] =	vst v63  }
0x26e: {  	s10 =	sadd.s32 @!p1 $0x100, s9;
	s11 =	simm.s32 @!p1 $0x18200  }
0x26f: {  	[tilespmem:s11], [sflag:$0x1] =	stream.linear.gather @!p1 [hbm4b:s10+s14], $0x80, $0x38;
	[tilespmem:$0x18400] =	vst v63  }
0x270: {  	s9 =	sadd.s32 @!p1 $0x180, s9;
	s10 =	simm.s32 @!p1 $0x18300  }
0x271: {  	[tilespmem:s10], [sflag:$0x1] =	stream.linear.gather @!p1 [hbm4b:s9+s14], $0x80, $0x38;
	[tilespmem:$0x18400] =	vst v63  }
0x272: {  	_ =	swait.ge [sflag:s0], $0x4000  }
0x273: {  	[sflag:s0] =	ssyncset.done $0x0  }
0x274: {  	[sflag:s0] =	ssyncadd.s32 $0xFFFFC000  }
0x275: {  	_ =	swait.ge [sflag:s0], $0x4000  }
0x276: {  	[sflag:s0] =	ssyncset.done $0x0  }
0x277: {  	[sflag:s0] =	ssyncadd.s32 $0xFFFFC000  }
0x278: {  	_ =	swait.ge [sflag:s0], $0x200  }
0x279: {  	[sflag:s0] =	ssyncset.done $0x0  }
0x27a: {  	s9 =	simm.s32 @!p0 $0x4;
	s14 =	simm.s32 $0x0;
	[sflag:s0] =	ssyncadd.s32 $0xFFFFFE00  }
0x27b: {  	s15 =	sand.u32 $0xFFFFFC00, s14;
	s18 =	sand.u32 $0xC00, s14;
	_ =	swait.ge @!p0 [sflag:s9], $0x4000  }
0x27c: {  	s11 =	sand.u32 $0x70, s14;
	s10 =	sadd.s32 $0x0, s15;
	[sflag:s9] =	ssyncset.done @!p0 $0x0  }
0x27d: {  	s19 =	sshrl.u32 s18, $0x2;
	s20 =	sor.u32 $0x7380, s10;
	[sflag:s9] =	ssyncadd.s32 @!p0 $0xFFFFC000  }
0x27e: {  	s12 =	sor.u32 s11, s19;
	v0 =	vld [tilespmem:s20+$0x8000]  }
0x27f: {  	v1 =	vld [tilespmem:s12+$0x18080];
	_ =	sdelay $0x1  }
0x280: {  	v2 =	vld [tilespmem:s20+$0x0];
	_ =	sdelay $0x2  }
0x281: {  	v0 =	vsub.f32 v0, v1;
	_ =	sdelay $0x1  }
0x282: {  	v0 =	vmul.f32 v0, v2;
	_ =	sdelay $0x1  }
0x283: {  	v0 =	vadd.f32 v0, v1;
	_ =	sdelay $0x1  }
0x284: {  	s9 =	sor.u32 s11, s18;
	[tilespmem:s20+$0x10000] =	vst v0  }
0x285: {  	v1 =	vld [tilespmem:s9+$0xF300];
	_ =	sdelay $0x1  }
0x286: {  	v2 =	vld [tilespmem:s9+$0x7300];
	_ =	sdelay $0x2  }
0x287: {  	v1 =	vsub.f32 v1, v0  }
0x288: {  	v3 =	vld [tilespmem:s9+$0xF280]  }
0x289: {  	v1 =	vmul.f32 v1, v2  }
0x28a: {  	v2 =	vld [tilespmem:s9+$0x7280]  }
0x28b: {  	v0 =	vadd.f32 v1, v0;
	_ =	sdelay $0x1  }
0x28c: {  	v1 =	vsub.f32 v3, v0  }
0x28d: {  	v3 =	vld [tilespmem:s9+$0xF200]  }
0x28e: {  	v1 =	vmul.f32 v1, v2  }
0x28f: {  	v2 =	vld [tilespmem:s9+$0x7200]  }
0x290: {  	v1 =	vadd.f32 v1, v0;
	_ =	sdelay $0x1  }
0x291: {  	v3 =	vsub.f32 v3, v1;
	_ =	sdelay $0x1  }
0x292: {  	v2 =	vmul.f32 v3, v2;
	_ =	sdelay $0x1  }
0x293: {  	[tilespmem:s9+$0x17280] =	vst v1;
	v1 =	vadd.f32 v2, v1  }
0x294: {  	[tilespmem:s9+$0x17300] =	vst v0  }
0x295: {  	s23 =	sor.u32 $0x7180, s10;
	[tilespmem:s9+$0x17200] =	vst v1  }
0x296: {  	v0 =	vld [tilespmem:s23+$0x8000];
	_ =	sdelay $0x1  }
0x297: {  	v2 =	vld [tilespmem:s23+$0x0];
	_ =	sdelay $0x2  }
0x298: {  	v0 =	vsub.f32 v0, v1;
	_ =	sdelay $0x1  }
0x299: {  	v0 =	vmul.f32 v0, v2;
	_ =	sdelay $0x1  }
0x29a: {  	v0 =	vadd.f32 v0, v1;
	_ =	sdelay $0x1  }
0x29b: {  	[tilespmem:s23+$0x10000] =	vst v0  }
0x29c: {  	v1 =	vld [tilespmem:s9+$0xF100];
	_ =	sdelay $0x1  }
0x29d: {  	v2 =	vld [tilespmem:s9+$0x7100];
	_ =	sdelay $0x2  }
0x29e: {  	v1 =	vsub.f32 v1, v0  }
0x29f: {  	v3 =	vld [tilespmem:s9+$0xF080]  }
0x2a0: {  	v1 =	vmul.f32 v1, v2  }
0x2a1: {  	v2 =	vld [tilespmem:s9+$0x7080]  }
0x2a2: {  	v0 =	vadd.f32 v1, v0;
	_ =	sdelay $0x1  }
0x2a3: {  	v1 =	vsub.f32 v3, v0  }
0x2a4: {  	v3 =	vld [tilespmem:s9+$0xF000]  }
0x2a5: {  	v1 =	vmul.f32 v1, v2  }
0x2a6: {  	v2 =	vld [tilespmem:s9+$0x7000]  }
0x2a7: {  	v1 =	vadd.f32 v1, v0;
	_ =	sdelay $0x1  }
0x2a8: {  	v3 =	vsub.f32 v3, v1;
	_ =	sdelay $0x1  }
0x2a9: {  	v2 =	vmul.f32 v3, v2;
	_ =	sdelay $0x1  }
0x2aa: {  	[tilespmem:s9+$0x17100] =	vst v0;
	v0 =	vadd.f32 v2, v1  }
0x2ab: {  	[tilespmem:s9+$0x17080] =	vst v1  }
0x2ac: {  	s12 =	sor.u32 $0x6380, s10;
	[tilespmem:s9+$0x17000] =	vst v0  }
0x2ad: {  	v1 =	vld [tilespmem:s12+$0x8000];
	_ =	sdelay $0x1  }
0x2ae: {  	v2 =	vld [tilespmem:s12+$0x0];
	_ =	sdelay $0x2  }
0x2af: {  	v1 =	vsub.f32 v1, v0;
	_ =	sdelay $0x1  }
0x2b0: {  	v1 =	vmul.f32 v1, v2;
	_ =	sdelay $0x1  }
0x2b1: {  	v0 =	vadd.f32 v1, v0;
	_ =	sdelay $0x1  }
0x2b2: {  	[tilespmem:s12+$0x10000] =	vst v0  }
0x2b3: {  	v1 =	vld [tilespmem:s9+$0xE300];
	_ =	sdelay $0x1  }
0x2b4: {  	v2 =	vld [tilespmem:s9+$0x6300];
	_ =	sdelay $0x2  }
0x2b5: {  	v1 =	vsub.f32 v1, v0  }
0x2b6: {  	v3 =	vld [tilespmem:s9+$0xE280]  }
0x2b7: {  	v1 =	vmul.f32 v1, v2  }
0x2b8: {  	v2 =	vld [tilespmem:s9+$0x6280]  }
0x2b9: {  	v0 =	vadd.f32 v1, v0;
	_ =	sdelay $0x1  }
0x2ba: {  	v1 =	vsub.f32 v3, v0  }
0x2bb: {  	v3 =	vld [tilespmem:s9+$0xE200]  }
0x2bc: {  	v1 =	vmul.f32 v1, v2  }
0x2bd: {  	v2 =	vld [tilespmem:s9+$0x6200]  }
0x2be: {  	v1 =	vadd.f32 v1, v0;
	_ =	sdelay $0x1  }
0x2bf: {  	v3 =	vsub.f32 v3, v1;
	_ =	sdelay $0x1  }
0x2c0: {  	v2 =	vmul.f32 v3, v2;
	_ =	sdelay $0x1  }
0x2c1: {  	[tilespmem:s9+$0x16300] =	vst v0;
	v0 =	vadd.f32 v2, v1  }
0x2c2: {  	[tilespmem:s9+$0x16280] =	vst v1  }
0x2c3: {  	s13 =	sor.u32 $0x6180, s10;
	[tilespmem:s9+$0x16200] =	vst v0  }
0x2c4: {  	v1 =	vld [tilespmem:s13+$0x8000];
	_ =	sdelay $0x1  }
0x2c5: {  	v2 =	vld [tilespmem:s13+$0x0];
	_ =	sdelay $0x2  }
0x2c6: {  	v1 =	vsub.f32 v1, v0;
	_ =	sdelay $0x1  }
0x2c7: {  	v1 =	vmul.f32 v1, v2;
	_ =	sdelay $0x1  }
0x2c8: {  	v0 =	vadd.f32 v1, v0;
	_ =	sdelay $0x1  }
0x2c9: {  	[tilespmem:s13+$0x10000] =	vst v0  }
0x2ca: {  	v1 =	vld [tilespmem:s9+$0xE100];
	_ =	sdelay $0x1  }
0x2cb: {  	v2 =	vld [tilespmem:s9+$0x6100];
	_ =	sdelay $0x2  }
0x2cc: {  	v1 =	vsub.f32 v1, v0  }
0x2cd: {  	v3 =	vld [tilespmem:s9+$0xE080]  }
0x2ce: {  	v1 =	vmul.f32 v1, v2  }
0x2cf: {  	v2 =	vld [tilespmem:s9+$0x6080]  }
0x2d0: {  	v0 =	vadd.f32 v1, v0;
	_ =	sdelay $0x1  }
0x2d1: {  	v1 =	vsub.f32 v3, v0  }
0x2d2: {  	v3 =	vld [tilespmem:s9+$0xE000]  }
0x2d3: {  	v1 =	vmul.f32 v1, v2  }
0x2d4: {  	v2 =	vld [tilespmem:s9+$0x6000]  }
0x2d5: {  	v1 =	vadd.f32 v1, v0;
	_ =	sdelay $0x1  }
0x2d6: {  	v3 =	vsub.f32 v3, v1;
	_ =	sdelay $0x1  }
0x2d7: {  	v2 =	vmul.f32 v3, v2;
	_ =	sdelay $0x1  }
0x2d8: {  	[tilespmem:s9+$0x16100] =	vst v0;
	v0 =	vadd.f32 v2, v1  }
0x2d9: {  	[tilespmem:s9+$0x16080] =	vst v1  }
0x2da: {  	s14 =	sor.u32 $0x5380, s10;
	[tilespmem:s9+$0x16000] =	vst v0  }
0x2db: {  	v1 =	vld [tilespmem:s14+$0x8000];
	_ =	sdelay $0x1  }
0x2dc: {  	v2 =	vld [tilespmem:s14+$0x0];
	_ =	sdelay $0x2  }
0x2dd: {  	v1 =	vsub.f32 v1, v0;
	_ =	sdelay $0x1  }
0x2de: {  	v1 =	vmul.f32 v1, v2;
	_ =	sdelay $0x1  }
0x2df: {  	v0 =	vadd.f32 v1, v0;
	_ =	sdelay $0x1  }
0x2e0: {  	[tilespmem:s14+$0x10000] =	vst v0  }
0x2e1: {  	v1 =	vld [tilespmem:s9+$0xD300];
	_ =	sdelay $0x1  }
0x2e2: {  	v2 =	vld [tilespmem:s9+$0x5300];
	_ =	sdelay $0x2  }
0x2e3: {  	v1 =	vsub.f32 v1, v0  }
0x2e4: {  	v3 =	vld [tilespmem:s9+$0xD280]  }
0x2e5: {  	v1 =	vmul.f32 v1, v2  }
0x2e6: {  	v2 =	vld [tilespmem:s9+$0x5280]  }
0x2e7: {  	v0 =	vadd.f32 v1, v0;
	_ =	sdelay $0x1  }
0x2e8: {  	v1 =	vsub.f32 v3, v0  }
0x2e9: {  	v3 =	vld [tilespmem:s9+$0xD200]  }
0x2ea: {  	v1 =	vmul.f32 v1, v2  }
0x2eb: {  	v2 =	vld [tilespmem:s9+$0x5200]  }
0x2ec: {  	v1 =	vadd.f32 v1, v0;
	_ =	sdelay $0x1  }
0x2ed: {  	v3 =	vsub.f32 v3, v1;
	_ =	sdelay $0x1  }
0x2ee: {  	v2 =	vmul.f32 v3, v2;
	_ =	sdelay $0x1  }
0x2ef: {  	[tilespmem:s9+$0x15300] =	vst v0;
	v0 =	vadd.f32 v2, v1  }
0x2f0: {  	[tilespmem:s9+$0x15280] =	vst v1  }
0x2f1: {  	s15 =	sor.u32 $0x5180, s10;
	[tilespmem:s9+$0x15200] =	vst v0  }
0x2f2: {  	v1 =	vld [tilespmem:s15+$0x8000];
	_ =	sdelay $0x1  }
0x2f3: {  	v2 =	vld [tilespmem:s15+$0x0];
	_ =	sdelay $0x2  }
0x2f4: {  	v1 =	vsub.f32 v1, v0;
	_ =	sdelay $0x1  }
0x2f5: {  	v1 =	vmul.f32 v1, v2;
	_ =	sdelay $0x1  }
0x2f6: {  	v0 =	vadd.f32 v1, v0;
	_ =	sdelay $0x1  }
0x2f7: {  	[tilespmem:s15+$0x10000] =	vst v0  }
0x2f8: {  	v1 =	vld [tilespmem:s9+$0xD100];
	_ =	sdelay $0x1  }
0x2f9: {  	v2 =	vld [tilespmem:s9+$0x5100];
	_ =	sdelay $0x2  }
0x2fa: {  	v1 =	vsub.f32 v1, v0  }
0x2fb: {  	v3 =	vld [tilespmem:s9+$0xD080]  }
0x2fc: {  	v1 =	vmul.f32 v1, v2  }
0x2fd: {  	v2 =	vld [tilespmem:s9+$0x5080]  }
0x2fe: {  	v0 =	vadd.f32 v1, v0;
	_ =	sdelay $0x1  }
0x2ff: {  	v1 =	vsub.f32 v3, v0  }
0x300: {  	v3 =	vld [tilespmem:s9+$0xD000]  }
0x301: {  	v1 =	vmul.f32 v1, v2  }
0x302: {  	v2 =	vld [tilespmem:s9+$0x5000]  }
0x303: {  	v1 =	vadd.f32 v1, v0;
	_ =	sdelay $0x1  }
0x304: {  	v3 =	vsub.f32 v3, v1;
	_ =	sdelay $0x1  }
0x305: {  	v2 =	vmul.f32 v3, v2;
	_ =	sdelay $0x1  }
0x306: {  	[tilespmem:s9+$0x15100] =	vst v0;
	v0 =	vadd.f32 v2, v1  }
0x307: {  	[tilespmem:s9+$0x15080] =	vst v1  }
0x308: {  	s18 =	sor.u32 $0x4380, s10;
	[tilespmem:s9+$0x15000] =	vst v0  }
0x309: {  	v1 =	vld [tilespmem:s18+$0x8000];
	_ =	sdelay $0x1  }
0x30a: {  	v2 =	vld [tilespmem:s18+$0x0];
	_ =	sdelay $0x2  }
0x30b: {  	v1 =	vsub.f32 v1, v0;
	_ =	sdelay $0x1  }
0x30c: {  	v1 =	vmul.f32 v1, v2;
	_ =	sdelay $0x1  }
0x30d: {  	v0 =	vadd.f32 v1, v0;
	_ =	sdelay $0x1  }
0x30e: {  	[tilespmem:s18+$0x10000] =	vst v0  }
0x30f: {  	v1 =	vld [tilespmem:s9+$0xC300];
	_ =	sdelay $0x1  }
0x310: {  	v2 =	vld [tilespmem:s9+$0x4300];
	_ =	sdelay $0x2  }
0x311: {  	v1 =	vsub.f32 v1, v0  }
0x312: {  	v3 =	vld [tilespmem:s9+$0xC280]  }
0x313: {  	v1 =	vmul.f32 v1, v2  }
0x314: {  	v2 =	vld [tilespmem:s9+$0x4280]  }
0x315: {  	v0 =	vadd.f32 v1, v0;
	_ =	sdelay $0x1  }
0x316: {  	v1 =	vsub.f32 v3, v0  }
0x317: {  	v3 =	vld [tilespmem:s9+$0xC200]  }
0x318: {  	v1 =	vmul.f32 v1, v2  }
0x319: {  	v2 =	vld [tilespmem:s9+$0x4200]  }
0x31a: {  	v1 =	vadd.f32 v1, v0;
	_ =	sdelay $0x1  }
0x31b: {  	v3 =	vsub.f32 v3, v1;
	_ =	sdelay $0x1  }
0x31c: {  	v2 =	vmul.f32 v3, v2;
	_ =	sdelay $0x1  }
0x31d: {  	[tilespmem:s9+$0x14300] =	vst v0;
	v0 =	vadd.f32 v2, v1  }
0x31e: {  	[tilespmem:s9+$0x14280] =	vst v1  }
0x31f: {  	s10 =	sor.u32 $0x4180, s10;
	[tilespmem:s9+$0x14200] =	vst v0  }
0x320: {  	v1 =	vld [tilespmem:s10+$0x8000];
	_ =	sdelay $0x1  }
0x321: {  	v2 =	vld [tilespmem:s10+$0x0];
	_ =	sdelay $0x2  }
0x322: {  	v1 =	vsub.f32 v1, v0;
	_ =	sdelay $0x1  }
0x323: {  	v1 =	vmul.f32 v1, v2;
	_ =	sdelay $0x1  }
0x324: {  	v0 =	vadd.f32 v1, v0;
	_ =	sdelay $0x1  }
0x325: {  	[tilespmem:s10+$0x10000] =	vst v0  }
0x326: {  	v1 =	vld [tilespmem:s9+$0xC100];
	_ =	sdelay $0x1  }
0x327: {  	v2 =	vld [tilespmem:s9+$0x4100];
	_ =	sdelay $0x2  }
0x328: {  	v1 =	vsub.f32 v1, v0  }
0x329: {  	v3 =	vld [tilespmem:s9+$0xC080]  }
0x32a: {  	v1 =	vmul.f32 v1, v2  }
0x32b: {  	v2 =	vld [tilespmem:s9+$0x4080]  }
0x32c: {  	v0 =	vadd.f32 v1, v0;
	_ =	sdelay $0x1  }
0x32d: {  	v1 =	vsub.f32 v3, v0  }
0x32e: {  	v3 =	vld [tilespmem:s9+$0xC000]  }
0x32f: {  	v1 =	vmul.f32 v1, v2  }
0x330: {  	v2 =	vld [tilespmem:s9+$0x4000]  }
0x331: {  	v1 =	vadd.f32 v1, v0;
	_ =	sdelay $0x1  }
0x332: {  	v3 =	vsub.f32 v3, v1;
	_ =	sdelay $0x1  }
0x333: {  	s19 =	simm.s32 $0x80;
	s20 =	simm.s32 $0x10;
	v2 =	vmul.f32 v3, v2  }
0x334: {  	s23 =	sand.u32 $0xFFFFFC00, s19;
	s12 =	sand.u32 $0x70, s20;
	s13 =	simm.s32 $0x100;
	[tilespmem:s9+$0x14100] =	vst v0  }
0x335: {  	s14 =	simm.s32 $0x20;
	s15 =	sand.u32 $0xC00, s19;
	s10 =	sadd.s32 $0x10, s23;
	[tilespmem:s9+$0x14080] =	vst v1;
	v0 =	vadd.f32 v2, v1  }
.LBB2_5:
0x336: {  	s18 =	sand.u32 $0x70, s14  }
0x337: {  	s19 =	sshrl.u32 s15, $0x2;
	s20 =	sor.u32 $0x7380, s10;
	[tilespmem:s9+$0x14000] =	vst v0;
	s11 =	smov.u32 s13  }
0x338: {  	p0 =	sne.s32 s13, $0xF80;
	s13 =	sadd.s32 $0x80, s13;
	s9 =	sor.u32 s12, s19;
	v0 =	vld [tilespmem:s20+$0x8000]  }
0x339: {  	v1 =	vld [tilespmem:s9+$0x18080];
	_ =	sdelay $0x1  }
0x33a: {  	v2 =	vld [tilespmem:s20+$0x0];
	_ =	sdelay $0x2  }
0x33b: {  	v0 =	vsub.f32 v0, v1;
	_ =	sdelay $0x1  }
0x33c: {  	v0 =	vmul.f32 v0, v2;
	_ =	sdelay $0x1  }
0x33d: {  	v0 =	vadd.f32 v0, v1;
	_ =	sdelay $0x1  }
0x33e: {  	s9 =	sor.u32 s12, s15;
	s12 =	smov.u32 s18;
	[tilespmem:s20+$0x10000] =	vst v0  }
0x33f: {  	v1 =	vld [tilespmem:s9+$0xF300];
	_ =	sdelay $0x1  }
0x340: {  	v2 =	vld [tilespmem:s9+$0x7300];
	_ =	sdelay $0x2  }
0x341: {  	v1 =	vsub.f32 v1, v0  }
0x342: {  	v3 =	vld [tilespmem:s9+$0xF280]  }
0x343: {  	v1 =	vmul.f32 v1, v2  }
0x344: {  	v2 =	vld [tilespmem:s9+$0x7280]  }
0x345: {  	v0 =	vadd.f32 v1, v0;
	_ =	sdelay $0x1  }
0x346: {  	v1 =	vsub.f32 v3, v0  }
0x347: {  	v3 =	vld [tilespmem:s9+$0xF200]  }
0x348: {  	v1 =	vmul.f32 v1, v2  }
0x349: {  	v2 =	vld [tilespmem:s9+$0x7200]  }
0x34a: {  	v1 =	vadd.f32 v1, v0;
	_ =	sdelay $0x1  }
0x34b: {  	v3 =	vsub.f32 v3, v1;
	_ =	sdelay $0x1  }
0x34c: {  	v2 =	vmul.f32 v3, v2;
	_ =	sdelay $0x1  }
0x34d: {  	[tilespmem:s9+$0x17280] =	vst v1;
	v1 =	vadd.f32 v2, v1  }
0x34e: {  	[tilespmem:s9+$0x17300] =	vst v0  }
0x34f: {  	s15 =	sor.u32 $0x7180, s10;
	[tilespmem:s9+$0x17200] =	vst v1  }
0x350: {  	v0 =	vld [tilespmem:s15+$0x8000];
	_ =	sdelay $0x1  }
0x351: {  	v2 =	vld [tilespmem:s15+$0x0];
	_ =	sdelay $0x2  }
0x352: {  	v0 =	vsub.f32 v0, v1;
	_ =	sdelay $0x1  }
0x353: {  	v0 =	vmul.f32 v0, v2;
	_ =	sdelay $0x1  }
0x354: {  	v0 =	vadd.f32 v0, v1;
	_ =	sdelay $0x1  }
0x355: {  	[tilespmem:s15+$0x10000] =	vst v0  }
0x356: {  	v1 =	vld [tilespmem:s9+$0xF100];
	_ =	sdelay $0x1  }
0x357: {  	v2 =	vld [tilespmem:s9+$0x7100];
	_ =	sdelay $0x2  }
0x358: {  	v1 =	vsub.f32 v1, v0  }
0x359: {  	v3 =	vld [tilespmem:s9+$0xF080]  }
0x35a: {  	v1 =	vmul.f32 v1, v2  }
0x35b: {  	v2 =	vld [tilespmem:s9+$0x7080]  }
0x35c: {  	v0 =	vadd.f32 v1, v0;
	_ =	sdelay $0x1  }
0x35d: {  	v1 =	vsub.f32 v3, v0  }
0x35e: {  	v3 =	vld [tilespmem:s9+$0xF000]  }
0x35f: {  	v1 =	vmul.f32 v1, v2  }
0x360: {  	v2 =	vld [tilespmem:s9+$0x7000]  }
0x361: {  	v1 =	vadd.f32 v1, v0;
	_ =	sdelay $0x1  }
0x362: {  	v3 =	vsub.f32 v3, v1;
	_ =	sdelay $0x1  }
0x363: {  	v2 =	vmul.f32 v3, v2;
	_ =	sdelay $0x1  }
0x364: {  	[tilespmem:s9+$0x17100] =	vst v0;
	v0 =	vadd.f32 v2, v1  }
0x365: {  	[tilespmem:s9+$0x17080] =	vst v1  }
0x366: {  	s15 =	sor.u32 $0x6380, s10;
	[tilespmem:s9+$0x17000] =	vst v0  }
0x367: {  	v1 =	vld [tilespmem:s15+$0x8000];
	_ =	sdelay $0x1  }
0x368: {  	v2 =	vld [tilespmem:s15+$0x0];
	_ =	sdelay $0x2  }
0x369: {  	v1 =	vsub.f32 v1, v0;
	_ =	sdelay $0x1  }
0x36a: {  	v1 =	vmul.f32 v1, v2;
	_ =	sdelay $0x1  }
0x36b: {  	v0 =	vadd.f32 v1, v0;
	_ =	sdelay $0x1  }
0x36c: {  	[tilespmem:s15+$0x10000] =	vst v0  }
0x36d: {  	v1 =	vld [tilespmem:s9+$0xE300];
	_ =	sdelay $0x1  }
0x36e: {  	v2 =	vld [tilespmem:s9+$0x6300];
	_ =	sdelay $0x2  }
0x36f: {  	v1 =	vsub.f32 v1, v0  }
0x370: {  	v3 =	vld [tilespmem:s9+$0xE280]  }
0x371: {  	v1 =	vmul.f32 v1, v2  }
0x372: {  	v2 =	vld [tilespmem:s9+$0x6280]  }
0x373: {  	v0 =	vadd.f32 v1, v0;
	_ =	sdelay $0x1  }
0x374: {  	v1 =	vsub.f32 v3, v0  }
0x375: {  	v3 =	vld [tilespmem:s9+$0xE200]  }
0x376: {  	v1 =	vmul.f32 v1, v2  }
0x377: {  	v2 =	vld [tilespmem:s9+$0x6200]  }
0x378: {  	v1 =	vadd.f32 v1, v0;
	_ =	sdelay $0x1  }
0x379: {  	v3 =	vsub.f32 v3, v1;
	_ =	sdelay $0x1  }
0x37a: {  	v2 =	vmul.f32 v3, v2;
	_ =	sdelay $0x1  }
0x37b: {  	[tilespmem:s9+$0x16300] =	vst v0;
	v0 =	vadd.f32 v2, v1  }
0x37c: {  	[tilespmem:s9+$0x16280] =	vst v1  }
0x37d: {  	s15 =	sor.u32 $0x6180, s10;
	[tilespmem:s9+$0x16200] =	vst v0  }
0x37e: {  	v1 =	vld [tilespmem:s15+$0x8000];
	_ =	sdelay $0x1  }
0x37f: {  	v2 =	vld [tilespmem:s15+$0x0];
	_ =	sdelay $0x2  }
0x380: {  	v1 =	vsub.f32 v1, v0;
	_ =	sdelay $0x1  }
0x381: {  	v1 =	vmul.f32 v1, v2;
	_ =	sdelay $0x1  }
0x382: {  	v0 =	vadd.f32 v1, v0;
	_ =	sdelay $0x1  }
0x383: {  	[tilespmem:s15+$0x10000] =	vst v0  }
0x384: {  	v1 =	vld [tilespmem:s9+$0xE100];
	_ =	sdelay $0x1  }
0x385: {  	v2 =	vld [tilespmem:s9+$0x6100];
	_ =	sdelay $0x2  }
0x386: {  	v1 =	vsub.f32 v1, v0  }
0x387: {  	v3 =	vld [tilespmem:s9+$0xE080]  }
0x388: {  	v1 =	vmul.f32 v1, v2  }
0x389: {  	v2 =	vld [tilespmem:s9+$0x6080]  }
0x38a: {  	v0 =	vadd.f32 v1, v0;
	_ =	sdelay $0x1  }
0x38b: {  	v1 =	vsub.f32 v3, v0  }
0x38c: {  	v3 =	vld [tilespmem:s9+$0xE000]  }
0x38d: {  	v1 =	vmul.f32 v1, v2  }
0x38e: {  	v2 =	vld [tilespmem:s9+$0x6000]  }
0x38f: {  	v1 =	vadd.f32 v1, v0;
	_ =	sdelay $0x1  }
0x390: {  	v3 =	vsub.f32 v3, v1;
	_ =	sdelay $0x1  }
0x391: {  	v2 =	vmul.f32 v3, v2;
	_ =	sdelay $0x1  }
0x392: {  	[tilespmem:s9+$0x16100] =	vst v0;
	v0 =	vadd.f32 v2, v1  }
0x393: {  	[tilespmem:s9+$0x16080] =	vst v1  }
0x394: {  	s15 =	sor.u32 $0x5380, s10;
	[tilespmem:s9+$0x16000] =	vst v0  }
0x395: {  	v1 =	vld [tilespmem:s15+$0x8000];
	_ =	sdelay $0x1  }
0x396: {  	v2 =	vld [tilespmem:s15+$0x0];
	_ =	sdelay $0x2  }
0x397: {  	v1 =	vsub.f32 v1, v0;
	_ =	sdelay $0x1  }
0x398: {  	v1 =	vmul.f32 v1, v2;
	_ =	sdelay $0x1  }
0x399: {  	v0 =	vadd.f32 v1, v0;
	_ =	sdelay $0x1  }
0x39a: {  	[tilespmem:s15+$0x10000] =	vst v0  }
0x39b: {  	v1 =	vld [tilespmem:s9+$0xD300]  }
0x39c: {  	v2 =	vld [tilespmem:s9+$0xD200]  }
0x39d: {  	v3 =	vld [tilespmem:s9+$0x5300]  }
0x39e: {  	v4 =	vld [tilespmem:s9+$0x5200];
	_ =	sdelay $0x1  }
0x39f: {  	v1 =	vsub.f32 v1, v0  }
0x3a0: {  	v5 =	vld [tilespmem:s9+$0xD280]  }
0x3a1: {  	v1 =	vmul.f32 v1, v3  }
0x3a2: {  	v3 =	vld [tilespmem:s9+$0x5280]  }
0x3a3: {  	v0 =	vadd.f32 v1, v0;
	_ =	sdelay $0x1  }
0x3a4: {  	[tilespmem:s9+$0x15300] =	vst v0;
	v1 =	vsub.f32 v5, v0;
	_ =	sdelay $0x1  }
0x3a5: {  	v1 =	vmul.f32 v1, v3;
	_ =	sdelay $0x1  }
0x3a6: {  	v0 =	vadd.f32 v1, v0;
	_ =	sdelay $0x1  }
0x3a7: {  	[tilespmem:s9+$0x15280] =	vst v0;
	v1 =	vsub.f32 v2, v0;
	_ =	sdelay $0x1  }
0x3a8: {  	v1 =	vmul.f32 v1, v4;
	_ =	sdelay $0x1  }
0x3a9: {  	v0 =	vadd.f32 v1, v0;
	_ =	sdelay $0x1  }
0x3aa: {  	s15 =	sor.u32 $0x5180, s10;
	[tilespmem:s9+$0x15200] =	vst v0  }
0x3ab: {  	v1 =	vld [tilespmem:s15+$0x8000];
	_ =	sdelay $0x1  }
0x3ac: {  	v2 =	vld [tilespmem:s15+$0x0];
	_ =	sdelay $0x2  }
0x3ad: {  	v1 =	vsub.f32 v1, v0;
	_ =	sdelay $0x1  }
0x3ae: {  	v1 =	vmul.f32 v1, v2;
	_ =	sdelay $0x1  }
0x3af: {  	v0 =	vadd.f32 v1, v0;
	_ =	sdelay $0x1  }
0x3b0: {  	[tilespmem:s15+$0x10000] =	vst v0  }
0x3b1: {  	v1 =	vld [tilespmem:s9+$0xD100]  }
0x3b2: {  	v2 =	vld [tilespmem:s9+$0xD000]  }
0x3b3: {  	v3 =	vld [tilespmem:s9+$0x5100]  }
0x3b4: {  	v4 =	vld [tilespmem:s9+$0x5000];
	_ =	sdelay $0x1  }
0x3b5: {  	v1 =	vsub.f32 v1, v0  }
0x3b6: {  	v5 =	vld [tilespmem:s9+$0xD080]  }
0x3b7: {  	v1 =	vmul.f32 v1, v3  }
0x3b8: {  	v3 =	vld [tilespmem:s9+$0x5080]  }
0x3b9: {  	v0 =	vadd.f32 v1, v0;
	_ =	sdelay $0x1  }
0x3ba: {  	[tilespmem:s9+$0x15100] =	vst v0;
	v1 =	vsub.f32 v5, v0;
	_ =	sdelay $0x1  }
0x3bb: {  	v1 =	vmul.f32 v1, v3;
	_ =	sdelay $0x1  }
0x3bc: {  	v0 =	vadd.f32 v1, v0;
	_ =	sdelay $0x1  }
0x3bd: {  	[tilespmem:s9+$0x15080] =	vst v0;
	v1 =	vsub.f32 v2, v0;
	_ =	sdelay $0x1  }
0x3be: {  	v1 =	vmul.f32 v1, v4;
	_ =	sdelay $0x1  }
0x3bf: {  	v0 =	vadd.f32 v1, v0;
	_ =	sdelay $0x1  }
0x3c0: {  	s15 =	sor.u32 $0x4380, s10;
	[tilespmem:s9+$0x15000] =	vst v0  }
0x3c1: {  	v1 =	vld [tilespmem:s15+$0x8000]  }
0x3c2: {  	v2 =	vld [tilespmem:s15+$0x0];
	_ =	sdelay $0x3  }
0x3c3: {  	v1 =	vsub.f32 v1, v0;
	_ =	sdelay $0x1  }
0x3c4: {  	v1 =	vmul.f32 v1, v2;
	_ =	sdelay $0x1  }
0x3c5: {  	v0 =	vadd.f32 v1, v0;
	_ =	sdelay $0x1  }
0x3c6: {  	[tilespmem:s15+$0x10000] =	vst v0  }
0x3c7: {  	v1 =	vld [tilespmem:s9+$0xC300]  }
0x3c8: {  	v2 =	vld [tilespmem:s9+$0x4300]  }
0x3c9: {  	v3 =	vld [tilespmem:s9+$0xC280]  }
0x3ca: {  	v4 =	vld [tilespmem:s9+$0x4280]  }
0x3cb: {  	v5 =	vld [tilespmem:s9+$0xC200]  }
0x3cc: {  	v1 =	vsub.f32 v1, v0;
	v6 =	vld [tilespmem:s9+$0x4200];
	_ =	sdelay $0x1  }
0x3cd: {  	v1 =	vmul.f32 v1, v2;
	_ =	sdelay $0x1  }
0x3ce: {  	v0 =	vadd.f32 v1, v0;
	_ =	sdelay $0x1  }
0x3cf: {  	[tilespmem:s9+$0x14300] =	vst v0;
	v1 =	vsub.f32 v3, v0;
	_ =	sdelay $0x1  }
0x3d0: {  	v1 =	vmul.f32 v1, v4;
	_ =	sdelay $0x1  }
0x3d1: {  	v0 =	vadd.f32 v1, v0;
	_ =	sdelay $0x1  }
0x3d2: {  	[tilespmem:s9+$0x14280] =	vst v0;
	v1 =	vsub.f32 v5, v0;
	_ =	sdelay $0x1  }
0x3d3: {  	v1 =	vmul.f32 v1, v6;
	_ =	sdelay $0x1  }
0x3d4: {  	v0 =	vadd.f32 v1, v0;
	_ =	sdelay $0x1  }
0x3d5: {  	s10 =	sor.u32 $0x4180, s10;
	[tilespmem:s9+$0x14200] =	vst v0  }
0x3d6: {  	v1 =	vld [tilespmem:s10+$0x8000]  }
0x3d7: {  	v2 =	vld [tilespmem:s10+$0x0];
	_ =	sdelay $0x3  }
0x3d8: {  	v1 =	vsub.f32 v1, v0;
	_ =	sdelay $0x1  }
0x3d9: {  	v1 =	vmul.f32 v1, v2;
	_ =	sdelay $0x1  }
0x3da: {  	v0 =	vadd.f32 v1, v0;
	_ =	sdelay $0x1  }
0x3db: {  	[tilespmem:s10+$0x10000] =	vst v0  }
0x3dc: {  	v1 =	vld [tilespmem:s9+$0xC100]  }
0x3dd: {  	v2 =	vld [tilespmem:s9+$0x4100]  }
0x3de: {  	v3 =	vld [tilespmem:s9+$0xC080]  }
0x3df: {  	v4 =	vld [tilespmem:s9+$0x4080]  }
0x3e0: {  	v5 =	vld [tilespmem:s9+$0xC000]  }
0x3e1: {  	v1 =	vsub.f32 v1, v0;
	v6 =	vld [tilespmem:s9+$0x4000];
	_ =	sdelay $0x1  }
0x3e2: {  	v1 =	vmul.f32 v1, v2;
	_ =	sdelay $0x1  }
0x3e3: {  	v0 =	vadd.f32 v1, v0;
	_ =	sdelay $0x1  }
0x3e4: {  	[tilespmem:s9+$0x14100] =	vst v0;
	v1 =	vsub.f32 v3, v0;
	_ =	sdelay $0x1  }
0x3e5: {  	v1 =	vmul.f32 v1, v4;
	_ =	sdelay $0x1  }
0x3e6: {  	v0 =	vadd.f32 v1, v0;
	_ =	sdelay $0x1  }
0x3e7: {  	[tilespmem:s9+$0x14080] =	vst v0;
	v1 =	vsub.f32 v5, v0  }
.Ltmp1:
0x3e8: {  	(pc) =	sbr.rel @p0 .LBB2_5-.Ltmp1, $3  }
0x3e9: {  	v1 =	vmul.f32 v1, v6;
	_ =	sdelay $0x1  }
0x3ea: {  	s10 =	sand.u32 $0xFFFFFC00, s11;
	v0 =	vadd.f32 v1, v0  }
0x3eb: {  	s15 =	sand.u32 $0xC00, s11;
	s10 =	sadd.s32 s10, s14;
	s14 =	sadd.s32 $0x10, s14  }
0x3ec: {  	s11 =	sshrl.u32 s15, $0x2;
	s13 =	sor.u32 $0x7380, s10;
	[tilespmem:s9+$0x14000] =	vst v0  }
0x3ed: {  	s20 =	sor.u32 s12, s11;
	v0 =	vld [tilespmem:s13+$0x8000]  }
0x3ee: {  	v1 =	vld [tilespmem:s20+$0x18080];
	_ =	sdelay $0x1  }
0x3ef: {  	v2 =	vld [tilespmem:s13+$0x0];
	_ =	sdelay $0x2  }
0x3f0: {  	v0 =	vsub.f32 v0, v1;
	_ =	sdelay $0x1  }
0x3f1: {  	v0 =	vmul.f32 v0, v2;
	_ =	sdelay $0x1  }
0x3f2: {  	v0 =	vadd.f32 v0, v1;
	_ =	sdelay $0x1  }
0x3f3: {  	s23 =	sor.u32 s12, s15;
	[tilespmem:s13+$0x10000] =	vst v0  }
0x3f4: {  	v61 =	vld [tilespmem:s23+$0xF300];
	_ =	sdelay $0x1  }
0x3f5: {  	v62 =	vld [tilespmem:s23+$0x7300];
	_ =	sdelay $0x2  }
0x3f6: {  	v1 =	vsub.f32 v61, v0  }
0x3f7: {  	v3 =	vld [tilespmem:s23+$0xF280]  }
0x3f8: {  	v1 =	vmul.f32 v1, v62  }
0x3f9: {  	v63 =	vld [tilespmem:s23+$0x7280]  }
0x3fa: {  	v0 =	vadd.f32 v1, v0;
	_ =	sdelay $0x1  }
0x3fb: {  	v1 =	vsub.f32 v3, v0  }
0x3fc: {  	v6 =	vld [tilespmem:s23+$0xF200]  }
0x3fd: {  	v1 =	vmul.f32 v1, v63  }
0x3fe: {  	v7 =	vld [tilespmem:s23+$0x7200]  }
0x3ff: {  	v1 =	vadd.f32 v1, v0;
	_ =	sdelay $0x1  }
0x400: {  	v3 =	vsub.f32 v6, v1;
	_ =	sdelay $0x1  }
0x401: {  	v2 =	vmul.f32 v3, v7;
	_ =	sdelay $0x1  }
0x402: {  	[tilespmem:s23+$0x17280] =	vst v1;
	v1 =	vadd.f32 v2, v1  }
0x403: {  	[tilespmem:s23+$0x17300] =	vst v0  }
0x404: {  	s12 =	sor.u32 $0x7180, s10;
	[tilespmem:s23+$0x17200] =	vst v1  }
0x405: {  	v0 =	vld [tilespmem:s12+$0x8000];
	_ =	sdelay $0x1  }
0x406: {  	v8 =	vld [tilespmem:s12+$0x0];
	_ =	sdelay $0x2  }
0x407: {  	v0 =	vsub.f32 v0, v1;
	_ =	sdelay $0x1  }
0x408: {  	v0 =	vmul.f32 v0, v8;
	_ =	sdelay $0x1  }
0x409: {  	v0 =	vadd.f32 v0, v1;
	_ =	sdelay $0x1  }
0x40a: {  	[tilespmem:s12+$0x10000] =	vst v0  }
0x40b: {  	v9 =	vld [tilespmem:s23+$0xF100];
	_ =	sdelay $0x1  }
0x40c: {  	v10 =	vld [tilespmem:s23+$0x7100];
	_ =	sdelay $0x2  }
0x40d: {  	v1 =	vsub.f32 v9, v0  }
0x40e: {  	v11 =	vld [tilespmem:s23+$0xF080]  }
0x40f: {  	v1 =	vmul.f32 v1, v10  }
0x410: {  	v12 =	vld [tilespmem:s23+$0x7080]  }
0x411: {  	v0 =	vadd.f32 v1, v0;
	_ =	sdelay $0x1  }
0x412: {  	v1 =	vsub.f32 v11, v0  }
0x413: {  	v13 =	vld [tilespmem:s23+$0xF000]  }
0x414: {  	v1 =	vmul.f32 v1, v12  }
0x415: {  	v14 =	vld [tilespmem:s23+$0x7000]  }
0x416: {  	v1 =	vadd.f32 v1, v0;
	_ =	sdelay $0x1  }
0x417: {  	v3 =	vsub.f32 v13, v1;
	_ =	sdelay $0x1  }
0x418: {  	v2 =	vmul.f32 v3, v14;
	_ =	sdelay $0x1  }
0x419: {  	[tilespmem:s23+$0x17100] =	vst v0;
	v15 =	vadd.f32 v2, v1  }
0x41a: {  	[tilespmem:s23+$0x17080] =	vst v1  }
0x41b: {  	s13 =	sor.u32 $0x6380, s10;
	[tilespmem:s23+$0x17000] =	vst v15  }
0x41c: {  	v1 =	vld [tilespmem:s13+$0x8000];
	_ =	sdelay $0x1  }
0x41d: {  	v16 =	vld [tilespmem:s13+$0x0];
	_ =	sdelay $0x2  }
0x41e: {  	v1 =	vsub.f32 v1, v15;
	_ =	sdelay $0x1  }
0x41f: {  	v1 =	vmul.f32 v1, v16;
	_ =	sdelay $0x1  }
0x420: {  	v0 =	vadd.f32 v1, v15;
	_ =	sdelay $0x1  }
0x421: {  	[tilespmem:s13+$0x10000] =	vst v0  }
0x422: {  	v17 =	vld [tilespmem:s23+$0xE300];
	_ =	sdelay $0x1  }
0x423: {  	v18 =	vld [tilespmem:s23+$0x6300];
	_ =	sdelay $0x2  }
0x424: {  	v1 =	vsub.f32 v17, v0  }
0x425: {  	v19 =	vld [tilespmem:s23+$0xE280]  }
0x426: {  	v1 =	vmul.f32 v1, v18  }
0x427: {  	v20 =	vld [tilespmem:s23+$0x6280]  }
0x428: {  	v0 =	vadd.f32 v1, v0;
	_ =	sdelay $0x1  }
0x429: {  	v1 =	vsub.f32 v19, v0  }
0x42a: {  	v21 =	vld [tilespmem:s23+$0xE200]  }
0x42b: {  	v1 =	vmul.f32 v1, v20  }
0x42c: {  	v22 =	vld [tilespmem:s23+$0x6200]  }
0x42d: {  	v1 =	vadd.f32 v1, v0;
	_ =	sdelay $0x1  }
0x42e: {  	v3 =	vsub.f32 v21, v1;
	_ =	sdelay $0x1  }
0x42f: {  	v2 =	vmul.f32 v3, v22;
	_ =	sdelay $0x1  }
0x430: {  	[tilespmem:s23+$0x16300] =	vst v0;
	v23 =	vadd.f32 v2, v1  }
0x431: {  	[tilespmem:s23+$0x16280] =	vst v1  }
0x432: {  	s14 =	sor.u32 $0x6180, s10;
	[tilespmem:s23+$0x16200] =	vst v23  }
0x433: {  	v1 =	vld [tilespmem:s14+$0x8000];
	_ =	sdelay $0x1  }
0x434: {  	v24 =	vld [tilespmem:s14+$0x0];
	_ =	sdelay $0x2  }
0x435: {  	v1 =	vsub.f32 v1, v23;
	_ =	sdelay $0x1  }
0x436: {  	v1 =	vmul.f32 v1, v24;
	_ =	sdelay $0x1  }
0x437: {  	v0 =	vadd.f32 v1, v23;
	_ =	sdelay $0x1  }
0x438: {  	[tilespmem:s14+$0x10000] =	vst v0  }
0x439: {  	v25 =	vld [tilespmem:s23+$0xE100];
	_ =	sdelay $0x1  }
0x43a: {  	v26 =	vld [tilespmem:s23+$0x6100];
	_ =	sdelay $0x2  }
0x43b: {  	v1 =	vsub.f32 v25, v0  }
0x43c: {  	v27 =	vld [tilespmem:s23+$0xE080]  }
0x43d: {  	v1 =	vmul.f32 v1, v26  }
0x43e: {  	v28 =	vld [tilespmem:s23+$0x6080]  }
0x43f: {  	v0 =	vadd.f32 v1, v0;
	_ =	sdelay $0x1  }
0x440: {  	v1 =	vsub.f32 v27, v0  }
0x441: {  	v29 =	vld [tilespmem:s23+$0xE000]  }
0x442: {  	v1 =	vmul.f32 v1, v28  }
0x443: {  	v30 =	vld [tilespmem:s23+$0x6000]  }
0x444: {  	v1 =	vadd.f32 v1, v0;
	_ =	sdelay $0x1  }
0x445: {  	v3 =	vsub.f32 v29, v1;
	_ =	sdelay $0x1  }
0x446: {  	v2 =	vmul.f32 v3, v30;
	_ =	sdelay $0x1  }
0x447: {  	[tilespmem:s23+$0x16100] =	vst v0;
	v31 =	vadd.f32 v2, v1  }
0x448: {  	[tilespmem:s23+$0x16080] =	vst v1  }
0x449: {  	s15 =	sor.u32 $0x5380, s10;
	[tilespmem:s23+$0x16000] =	vst v31  }
0x44a: {  	v1 =	vld [tilespmem:s15+$0x8000];
	_ =	sdelay $0x1  }
0x44b: {  	v32 =	vld [tilespmem:s15+$0x0];
	_ =	sdelay $0x2  }
0x44c: {  	v1 =	vsub.f32 v1, v31;
	_ =	sdelay $0x1  }
0x44d: {  	v1 =	vmul.f32 v1, v32;
	_ =	sdelay $0x1  }
0x44e: {  	v0 =	vadd.f32 v1, v31;
	_ =	sdelay $0x1  }
0x44f: {  	[tilespmem:s15+$0x10000] =	vst v0  }
0x450: {  	v33 =	vld [tilespmem:s23+$0xD300];
	_ =	sdelay $0x1  }
0x451: {  	v34 =	vld [tilespmem:s23+$0x5300];
	_ =	sdelay $0x2  }
0x452: {  	v1 =	vsub.f32 v33, v0  }
0x453: {  	v35 =	vld [tilespmem:s23+$0xD280]  }
0x454: {  	v1 =	vmul.f32 v1, v34  }
0x455: {  	v36 =	vld [tilespmem:s23+$0x5280]  }
0x456: {  	v0 =	vadd.f32 v1, v0;
	_ =	sdelay $0x1  }
0x457: {  	v1 =	vsub.f32 v35, v0  }
0x458: {  	v37 =	vld [tilespmem:s23+$0xD200]  }
0x459: {  	v1 =	vmul.f32 v1, v36  }
0x45a: {  	v38 =	vld [tilespmem:s23+$0x5200]  }
0x45b: {  	v1 =	vadd.f32 v1, v0;
	_ =	sdelay $0x1  }
0x45c: {  	v3 =	vsub.f32 v37, v1;
	_ =	sdelay $0x1  }
0x45d: {  	v2 =	vmul.f32 v3, v38;
	_ =	sdelay $0x1  }
0x45e: {  	[tilespmem:s23+$0x15300] =	vst v0;
	v39 =	vadd.f32 v2, v1  }
0x45f: {  	[tilespmem:s23+$0x15280] =	vst v1  }
0x460: {  	s18 =	sor.u32 $0x5180, s10;
	[tilespmem:s23+$0x15200] =	vst v39  }
0x461: {  	v1 =	vld [tilespmem:s18+$0x8000];
	_ =	sdelay $0x1  }
0x462: {  	v40 =	vld [tilespmem:s18+$0x0];
	_ =	sdelay $0x2  }
0x463: {  	v1 =	vsub.f32 v1, v39;
	_ =	sdelay $0x1  }
0x464: {  	v1 =	vmul.f32 v1, v40;
	_ =	sdelay $0x1  }
0x465: {  	v0 =	vadd.f32 v1, v39;
	_ =	sdelay $0x1  }
0x466: {  	[tilespmem:s18+$0x10000] =	vst v0  }
0x467: {  	v41 =	vld [tilespmem:s23+$0xD100];
	_ =	sdelay $0x1  }
0x468: {  	v42 =	vld [tilespmem:s23+$0x5100];
	_ =	sdelay $0x2  }
0x469: {  	v1 =	vsub.f32 v41, v0  }
0x46a: {  	v43 =	vld [tilespmem:s23+$0xD080]  }
0x46b: {  	v1 =	vmul.f32 v1, v42  }
0x46c: {  	v44 =	vld [tilespmem:s23+$0x5080]  }
0x46d: {  	v0 =	vadd.f32 v1, v0;
	_ =	sdelay $0x1  }
0x46e: {  	v1 =	vsub.f32 v43, v0  }
0x46f: {  	v45 =	vld [tilespmem:s23+$0xD000]  }
0x470: {  	v1 =	vmul.f32 v1, v44  }
0x471: {  	v46 =	vld [tilespmem:s23+$0x5000]  }
0x472: {  	v1 =	vadd.f32 v1, v0;
	_ =	sdelay $0x1  }
0x473: {  	v3 =	vsub.f32 v45, v1;
	_ =	sdelay $0x1  }
0x474: {  	v2 =	vmul.f32 v3, v46;
	_ =	sdelay $0x1  }
0x475: {  	[tilespmem:s23+$0x15100] =	vst v0;
	v47 =	vadd.f32 v2, v1  }
0x476: {  	[tilespmem:s23+$0x15080] =	vst v1  }
0x477: {  	s19 =	sor.u32 $0x4380, s10;
	[tilespmem:s23+$0x15000] =	vst v47  }
0x478: {  	v1 =	vld [tilespmem:s19+$0x8000];
	_ =	sdelay $0x1  }
0x479: {  	v48 =	vld [tilespmem:s19+$0x0];
	_ =	sdelay $0x2  }
0x47a: {  	v1 =	vsub.f32 v1, v47;
	_ =	sdelay $0x1  }
0x47b: {  	v1 =	vmul.f32 v1, v48;
	_ =	sdelay $0x1  }
0x47c: {  	v0 =	vadd.f32 v1, v47;
	_ =	sdelay $0x1  }
0x47d: {  	[tilespmem:s19+$0x10000] =	vst v0  }
0x47e: {  	v49 =	vld [tilespmem:s23+$0xC300];
	_ =	sdelay $0x1  }
0x47f: {  	v50 =	vld [tilespmem:s23+$0x4300];
	_ =	sdelay $0x2  }
0x480: {  	v1 =	vsub.f32 v49, v0  }
0x481: {  	v51 =	vld [tilespmem:s23+$0xC280]  }
0x482: {  	v1 =	vmul.f32 v1, v50  }
0x483: {  	v52 =	vld [tilespmem:s23+$0x4280]  }
0x484: {  	v0 =	vadd.f32 v1, v0;
	_ =	sdelay $0x1  }
0x485: {  	v1 =	vsub.f32 v51, v0  }
0x486: {  	v53 =	vld [tilespmem:s23+$0xC200]  }
0x487: {  	v1 =	vmul.f32 v1, v52  }
0x488: {  	v54 =	vld [tilespmem:s23+$0x4200]  }
0x489: {  	v1 =	vadd.f32 v1, v0;
	_ =	sdelay $0x1  }
0x48a: {  	v3 =	vsub.f32 v53, v1;
	_ =	sdelay $0x1  }
0x48b: {  	v2 =	vmul.f32 v3, v54;
	_ =	sdelay $0x1  }
0x48c: {  	[tilespmem:s23+$0x14300] =	vst v0;
	v55 =	vadd.f32 v2, v1  }
0x48d: {  	[tilespmem:s23+$0x14280] =	vst v1  }
0x48e: {  	s20 =	sor.u32 $0x4180, s10;
	[tilespmem:s23+$0x14200] =	vst v55  }
0x48f: {  	v1 =	vld [tilespmem:s20+$0x8000];
	_ =	sdelay $0x1  }
0x490: {  	v56 =	vld [tilespmem:s20+$0x0];
	_ =	sdelay $0x2  }
0x491: {  	v1 =	vsub.f32 v1, v55;
	_ =	sdelay $0x1  }
0x492: {  	v1 =	vmul.f32 v1, v56;
	_ =	sdelay $0x1  }
0x493: {  	v0 =	vadd.f32 v1, v55;
	_ =	sdelay $0x1  }
0x494: {  	[tilespmem:s20+$0x10000] =	vst v0  }
0x495: {  	v57 =	vld [tilespmem:s23+$0xC100];
	_ =	sdelay $0x1  }
0x496: {  	v58 =	vld [tilespmem:s23+$0x4100];
	_ =	sdelay $0x2  }
0x497: {  	v1 =	vsub.f32 v57, v0  }
0x498: {  	v59 =	vld [tilespmem:s23+$0xC080]  }
0x499: {  	v1 =	vmul.f32 v1, v58  }
0x49a: {  	v60 =	vld [tilespmem:s23+$0x4080]  }
0x49b: {  	v0 =	vadd.f32 v1, v0;
	_ =	sdelay $0x1  }
0x49c: {  	v1 =	vsub.f32 v59, v0  }
0x49d: {  	v61 =	vld [tilespmem:s23+$0xC000]  }
0x49e: {  	v1 =	vmul.f32 v1, v60  }
0x49f: {  	v62 =	vld [tilespmem:s23+$0x4000]  }
0x4a0: {  	v1 =	vadd.f32 v1, v0;
	_ =	sdelay $0x1  }
0x4a1: {  	v3 =	vsub.f32 v61, v1  }
0x4a2: {  	s21 =	sadd.s32 $0x1, s21  }
0x4a3: {  	p0 =	sne.s32 s21, $0x10;
	v2 =	vmul.f32 v3, v62  }
.Ltmp2:
0x4a4: {  	_ = 	snop;
	(pc) =	sbr.rel @p0 .LBB2_2-.Ltmp2, $4  }
0x4a5: {  	[tilespmem:s23+$0x14100] =	vst v0;
	v63 =	vadd.f32 v2, v1  }
0x4a6: {  	[tilespmem:s23+$0x14080] =	vst v1  }
0x4a7: {  	[tilespmem:s23+$0x14000] =	vst v63;
	s23 =	sadd.s32 s6, s22  }
0x4a8: {  	[hbm4b:s23+s16] =	stream.strided.scatter [tilespmem:s2], [sflag:$0x4], $0x4000, s17, s16, $0x38;
	[tilespmem:$0x18400] =	vst v63  }
0x4a9: {  	s9 =	simm.s32 $0x3  }
0x4aa: {  	_ =	swait.ge [sflag:s9], $0x4000  }
0x4ab: {  	[sflag:s9] =	ssyncset.done $0x0  }
0x4ac: {  	s10 =	simm.s32 $0x4;
	[sflag:s9] =	ssyncadd.s32 $0xFFFFC000  }
0x4ad: {  	_ =	swait.ge [sflag:s10], $0x4000  }
0x4ae: {  	s11 =	rddreg [dreg:$0xa]  }
0x4af: {  	s23 =	rddreg [dreg:$0x6];
	s11 =	sadd.s32 $0x1, s11  }
0x4b0: {  	p0 =	sne.s32 s11, s23  }
.Ltmp3:
0x4b1: {  	_ = 	snop;
	(pc) =	sbr.rel @p0 .LBB2_1-.Ltmp3, $3  }
0x4b2: {  	_ =	sdelay $0x1  }
0x4b3: {  	[sflag:s10] =	ssyncset.done $0x0  }
0x4b4: {  	[sflag:s10] =	ssyncadd.s32 $0xFFFFC000  }
0x4b5: {  	_ =	sfence.sel $0x180000  }
0x4b6: {  	[bflag:$0x0] =	sbarrier.arrive $0xFFFF  }
0x4b7: {  	_ =	strace $0x90000047  }
0x4b8: {  	s0 =	stileid.u32;
	[bflag:$0x2] =	sbarrier.arrive $0xFFFF  }
0x4b9: {  	p0 =	sne.s32 s0, $0x0;
	s0 =	rddreg [dreg:$0x2]  }
0x4ba: {  	s0 =	sadd.s32 @!p0 $0x100000, s0  }
0x4bb: {  	[sflag:s0] =	ssyncadd.tile.s32 @!p0 $0x1;
	_ =	shalt  }
.Lfunc_end2:
_tile_overlayer_lowered:
.L_overlay_start_2:
0x4bc: {  	(tag) =	ssettag $0x2  }
0x4bd: {  	s0 =	rddreg [dreg:$0x0];
	s2 =	stileid.u32  }
0x4be: {  	s1 =	rddreg [dreg:$0x1];
	p0 =	sne.s32 s2, $0x0  }
0x4bf: {  	s3 =	rddreg [dreg:$0x2];
	[bflag:$0x3] =	sbarrier.arrive $0xFFFF;
	s2 =	simm.s32 @!p0 $0x1C05  }
0x4c0: {  	[timem:s3], [sflag:s2] =	dma.local @!p0 [hbm:s0], s1  }
0x4c1: {  	s0 =	simm.s32 @!p0 $0x5  }
0x4c2: {  	_ =	swait.ge @!p0 [sflag:s0], s1  }
0x4c3: {  	s1 =	ssub.s32 @!p0 $0x0, s1;
	[sflag:s0] =	ssyncset.done @!p0 $0x0  }
0x4c4: {  	[sflag:s0] =	ssyncadd.s32 @!p0 s1  }
0x4c5: {  	[bflag:$0x3] =	sbarrier.arrive $0xFFFF  }
0x4c6: {  	_ =	shalt  }

// kernel: sparse-core-data-format-call.cloned.1.call-start
scs
called_computation_lowered:
.L_overlay_start_0:
0x0: {  	s2 =	sld [smem:$0x3FD9]  }
0x1: {  	s3 =	sld [smem:$0x3FFE];
	_ =	sdelay $0x1  }
0x2: {  	s1 =	srdreg.scid  }
0x3: {  	s0 =	sand.u32 $0x1, s1  }
0x4: {  	s18 =	sshll.u32 s0, $0xA;
	s2 =	sadd.s32 s3, s2  }
0x5: {  	s2 =	sadd.s32 s2, s18  }
0x6: {  	[smem:$0x3FC5] =	sst s2  }
0x7: {  	_ = 	snop  }
0x8: {  	s2 =	sld [smem:$0x3FD0];
	(tm) =	ssettm $0x1  }
0x9: {  	s19 =	sld [smem:$0x3FFB];
	_ =	sdelay $0x3  }
0xa: {  	_ =	strace s19  }
0xb: {  	s3 =	sld [smem:$0x3FFC];
	_ =	sdelay $0x3  }
0xc: {  	_ =	strace s3  }
0xd: {  	s3 =	sld [smem:$0x3FFD];
	_ =	sdelay $0x3  }
0xe: {  	_ =	strace s3  }
0xf: {  	_ =	strace $0x8FFFFFFF  }
0x10: {  	s20 =	sld [smem:$0x3FDB];
	_ =	sdelay $0x1  }
0x11: {  	s4 =	simm.s32 $_scs_section_size  }
0x12: {  	s5 =	simm.s32 $_size__tile_overlayer_lowered;
	s6 =	simm.s32 $_tile_overlayer_lowered  }
0x13: {  	s23 =	simm.s32 $0x1BFF;
	s22 =	sshll.u32 s6, $0x1;
	s3 =	sadd.s32 s4, s20  }
0x14: {  	s7 =	simm.s32 $0x0;
	s21 =	sshll.u32 s5, $0x1;
	s5 =	sadd.s32 s22, s3  }
0x15: {  	[timem:s7], [sflag:s23] =	dma.local [hbm:s5], s21  }
0x16: {  	_ =	swait.ge [sflag:s23], s21  }
0x17: {  	s4 =	ssub.s32 $0x0, s21;
	[sflag:s23] =	ssyncset.done $0x0  }
0x18: {  	[sflag:s23] =	ssyncadd.s32 s4;
	_ =	sdelay $0x1  }
0x19: {  	s24 =	simm.s32 $0x1B8B  }
0x1a: {  	_ =	swait.ge [sflag:s24], $0x1  }
0x1b: {  	[sflag:s24] =	ssyncset.done $0x0  }
0x1c: {  	s26 =	simm.s32 $0x1B8E;
	s25 =	sld [smem:$0x3FFE];
	[sflag:s24] =	ssyncadd.s32 $0xFFFFFFFF  }
0x1d: {  	s27 =	simm.s32 $execute0_lowered;
	[smem:$0x3FD2] =	sst s26  }
0x1e: {  	s5 =	sshll.u32 s27, $0x1;
	_ =	strace $0x80000049;
	[dreg:$0x1] =	wrdreg $0xFFFFFFFF  }
0x1f: {  	s28 =	simm.s32 $_size_execute0_lowered;
	s3 =	sadd.s32 s3, s5;
	[dreg:$0x0] =	wrdreg $0x0  }
0x20: {  	s5 =	sshll.u32 s28, $0x1;
	[dreg:$0x2] =	wrdreg s3  }
0x21: {  	[dreg:$0x3] =	wrdreg s5  }
0x22: {  	[dreg:$0x4] =	wrdreg $0xC0  }
0x23: {  	_ =	task [dreg:s7], $0x5FFFF  }
0x24: {  	[dreg:$0x1] =	wrdreg $0xFFFFFFFF  }
0x25: {  	[dreg:$0x0] =	wrdreg $0x60  }
0x26: {  	[dreg:$0x2] =	wrdreg s25  }
0x27: {  	[dreg:$0x3] =	wrdreg s2  }
0x28: {  	[dreg:$0x4] =	wrdreg $0x9  }
0x29: {  	_ =	task.clear_ibuf [dreg:s7], $0x5FFFF;
	_ =	strace $0x90000049  }
0x2a: {  	s29 =	simm.s32 $0x9;
	_ =	strace $0x8000004B  }
0x2b: {  	_ =	swait.ge [sflag:s29], $0x1  }
0x2c: {  	[sflag:s29] =	ssyncadd.s32 $0xFFFFFFFF  }
0x2d: {  	_ =	strace $0x9000004B  }
0x2e: {  	_ =	sfence  }
0x2f: {  	s30 =	sld [smem:$0x0];
	_ =	sdelay $0x2  }
0x30: {  	s31 =	sshll.u32 s1, $0xD;
	s1 =	sshrl.u32 s1, $0x2  }
0x31: {  	s3 =	sand.u32 $0x4000, s31;
	s1 =	sadd.s32 s1, s30  }
0x32: {  	s0 =	sor.u32 s3, s0;
	s1 =	sshll.u32 s1, $0x11  }
0x33: {  	s0 =	sor.u32 s1, s0  }
0x34: {  	s0 =	sadd.s32 $0x8F2B, s0  }
0x35: {  	[sflag:s0] =	ssyncadd.remote.s32 $0x1  }
0x36: {  	_ =	sfence.sel $0xFFFF  }
0x37: {  	[dreg:$0x0] =	wrdreg $0xFFFFFFFF;
	(pc) =	sbr.abs _section_cstart, $3  }
0x38: {  	[dreg:$0x1] =	wrdreg $0xFFFFFFFF  }
0x39: {  	_ =	task.clear_ibuf [dreg:s7], $0x2FFFF;
	_ =	strace $0x9FFFFFFF  }
0x3a: {  	(tm) =	ssettm $0x7FFFFFFF  }
0x3b: {  	_ =	shalt  }
tec
execute0_lowered:
.L_overlay_start_1:
0x0: {  	(tag) =	ssettag $0x1  }
0x1: {  	s1 =	rddreg [dreg:$0x0]  }
0x2: {  	s2 =	rddreg [dreg:$0x1]  }
0x3: {  	s0 =	rddreg [dreg:$0x2];
	_ =	strace $0x8000004A;
	s4 =	srdreg.scid  }
0x4: {  	s6 =	simm.s32 $0x2;
	s11 =	simm.s32 $0x0;
	p0 =	por $0x0, $0x0  }
.Ltmp0:
0x5: {  	s7 =	simm.s32 $0x4000;
	s12 =	simm.s32 $0x0;
	(pc) =	sbr.rel .LBB1_1-.Ltmp0, $4  }
0x6: {  	s9 =	simm.s32 $0x0;
	s3 =	sadd.s32 $0x210800, s1;
	s5 =	sshll.u32 s4, $0x4  }
0x7: {  	s1 =	stileid.u32;
	s4 =	simm.s32 $0x1;
	s5 =	sand.u32 $0x10, s5  }
0x8: {  	s8 =	simm.s32 $0x0;
	[sflag:s4] =	ssyncpa.u1 $0x0;
	s5 =	sor.u32 s1, s5  }
0x9: {  	[sflag:s6] =	ssyncpa.u1 $0x0;
	s6 =	simm.s32 $0x800;
	s10 =	smov.u32 s5  }
.LBB1_7:
0xa: {  	s13 =	sadd.s32 $0x10, s9  }
0xb: {  	s11 =	sadd.s32 $0x20, s10;
	s15 =	smov.u32 s10;
	p2 =	sgt.s32 s13, $0x7F  }
0xc: {  	p1 =	slt.u32 s8, $0x2;
	s15 =	smov.u32 @p2 s11  }
0xd: {  	s8 =	sadd.s32 $0x1, s8;
	s13 =	simm.s32 @p2 $0x0;
	p2 =	sgt.s32 s15, $0x7F  }
0xe: {  	s15 =	smov.u32 @p2 s5;
	p2 =	sne.s32 s8, $0x22  }
.Ltmp1:
0xf: {  	_ = 	snop;
	(pc) =	sbr.rel @!p2 .LBB1_8-.Ltmp1, $4  }
0x10: {  	s14 =	simm.s32 @!p1 $0x2  }
0x11: {  	s12 =	smov.u32 s10;
	_ =	swait.ge @!p1 [sflag:s14], $0x4000  }
0x12: {  	p0 =	por !p0, !p0;
	s11 =	smov.u32 s9;
	[sflag:s14] =	ssyncset.done @!p1 $0x0  }
0x13: {  	s9 =	smov.u32 s13;
	[sflag:s14] =	ssyncadd.s32 @!p1 $0xFFFFC000;
	s10 =	smov.u32 s15  }
.LBB1_1:
0x14: {  	p1 =	sgt.u32 s8, $0x1F  }
0x15: {  	s13 =	sxor.u32 @!p1 $0xFFFFFFFF, s8;
	s14 =	sshll.u32 @!p1 s10, $0xE  }
0x16: {  	s15 =	sshll.u32 @!p1 s9, $0x7;
	s13 =	sshll.u32 @!p1 s13, $0xE;
	s14 =	sadd.s32 @!p1 s3, s14  }
0x17: {  	s13 =	sand.u32 @!p1 $0x4000, s13;
	s14 =	sadd.s32 @!p1 s15, s14;
	s15 =	simm.s32 @!p1 $0x0  }
0x18: {  	[tilespmem:s13], [sflag:$0x1] =	stream.linear.gather @!p1 [hbm4b:s14+s15], $0x4000, $0x38;
	[tilespmem:$0x10000] =	vst v63  }
0x19: {  	p1 =	seq.s32 s8, $0x0  }
0x1a: {  	p2 =	seq.s32 @!p1 s8, $0x21  }
0x1b: {  	p1 =	por p1, p2  }
.Ltmp2:
0x1c: {  	_ = 	snop;
	(pc) =	sbr.rel @p1 .LBB1_7-.Ltmp2, $1  }
0x1d: {  	_ =	sdelay $0x3  }
0x1e: {  	s13 =	simm.s32 $0x1;
	_ =	swait.ge [sflag:s4], $0x4000;
	s16 =	sshll.u32 s8, $0xE  }
0x1f: {  	s13 =	simm.s32 @!p0 $0x0;
	[sflag:s4] =	ssyncset.done $0x0;
	s31 =	sand.u32 $0x4000, s16  }
0x20: {  	s16 =	simm.s32 $0x0;
	s14 =	sshll.u32 s13, $0xE;
	[sflag:s4] =	ssyncadd.s32 $0xFFFFC000  }
0x21: {  	s13 =	sor.u32 $0x8040, s14;
	s15 =	sor.u32 $0x40, s14;
	s14 =	sor.u32 $0x8000, s31  }
.LBB1_3:
0x22: {  	v0 =	vmov s15;
	_ =	sdelay $0x3  }
0x23: {  	s18 =	simm.s32 $0x0  }
0x24: {  	v6 =	vld.idx.msk [tilespmem:v0+s18+$0x30 ss:$0x1], $0xffff  }
0x25: {  	v7 =	vld.idx.msk [tilespmem:v0+s18+$0xFFFFFFC0 ss:$0x1], $0xffff  }
0x26: {  	v5 =	vld.idx.msk [tilespmem:v0+s18+$0xFFFFFFD0 ss:$0x1], $0xffff  }
0x27: {  	v4 =	vld.idx.msk [tilespmem:v0+s18+$0xFFFFFFE0 ss:$0x1], $0xffff  }
0x28: {  	v3 =	vld.idx.msk [tilespmem:v0+s18+$0xFFFFFFF0 ss:$0x1], $0xffff  }
0x29: {  	v1 =	vld.idx.msk [tilespmem:v0+s18+$0x0 ss:$0x1], $0xffff  }
0x2a: {  	v2 =	vld.idx.msk [tilespmem:v0+s18+$0x10 ss:$0x1], $0xffff;
	[tilespmem:s13+$0x30] =	vst v6  }
0x2b: {  	s17 =	simm.s32 $0x80;
	s19 =	simm.s32 $0x400;
	[tilespmem:s13+$0xFFFFFFC0] =	vst v7;
	v6 =	vld.idx.msk [tilespmem:v0+s18+$0x20 ss:$0x1], $0xffff;
	s18 =	smov.u32 s13  }
.LBB1_4:
0x2c: {  	p1 =	sne.s32 s19, $0xE00;
	v7 =	vld.idx.msk [tilespmem:v0+s17+$0x30 ss:$0x1], $0xffff;
	[tilespmem:s18+$0xFFFFFFD0] =	vst v5  }
0x2d: {  	v8 =	vld.idx.msk [tilespmem:v0+s17+$0xFFFFFFC0 ss:$0x1], $0xffff;
	[tilespmem:s18+$0xFFFFFFE0] =	vst v4  }
0x2e: {  	v5 =	vld.idx.msk [tilespmem:v0+s17+$0xFFFFFFD0 ss:$0x1], $0xffff;
	[tilespmem:s18+$0xFFFFFFF0] =	vst v3  }
.Ltmp3:
0x2f: {  	v4 =	vld.idx.msk [tilespmem:v0+s17+$0xFFFFFFE0 ss:$0x1], $0xffff;
	[tilespmem:s18+$0x0] =	vst v1;
	(pc) =	sbr.rel @p1 .LBB1_4-.Ltmp3, $4  }
0x30: {  	v3 =	vld.idx.msk [tilespmem:v0+s17+$0xFFFFFFF0 ss:$0x1], $0xffff;
	[tilespmem:s18+$0x10] =	vst v2  }
0x31: {  	v1 =	vld.idx.msk [tilespmem:v0+s17+$0x0 ss:$0x1], $0xffff;
	[tilespmem:s18+$0x20] =	vst v6;
	s18 =	sadd.s32 $0x800, s18  }
0x32: {  	v2 =	vld.idx.msk [tilespmem:v0+s17+$0x10 ss:$0x1], $0xffff;
	[tilespmem:s18+$0x30] =	vst v7  }
0x33: {  	[tilespmem:s18+$0xFFFFFFC0] =	vst v8;
	v6 =	vld.idx.msk [tilespmem:v0+s17+$0x20 ss:$0x1], $0xffff;
	s17 =	sshra.s32 s19, $0x2;
	s19 =	sadd.s32 $0x200, s19  }
0x34: {  	_ =	sdelay $0x2  }
0x35: {  	[tilespmem:s18+$0xFFFFFFD0] =	vst v5  }
0x36: {  	v56 =	vld.idx.msk [tilespmem:v0+s17+$0x30 ss:$0x1], $0xffff;
	[tilespmem:s18+$0xFFFFFFE0] =	vst v4  }
0x37: {  	v57 =	vld.idx.msk [tilespmem:v0+s17+$0xFFFFFFC0 ss:$0x1], $0xffff;
	[tilespmem:s18+$0xFFFFFFF0] =	vst v3  }
0x38: {  	v58 =	vld.idx.msk [tilespmem:v0+s17+$0xFFFFFFD0 ss:$0x1], $0xffff;
	[tilespmem:s18+$0x0] =	vst v1  }
0x39: {  	v59 =	vld.idx.msk [tilespmem:v0+s17+$0xFFFFFFE0 ss:$0x1], $0xffff;
	[tilespmem:s18+$0x10] =	vst v2  }
0x3a: {  	v60 =	vld.idx.msk [tilespmem:v0+s17+$0xFFFFFFF0 ss:$0x1], $0xffff;
	s31 =	sadd.s32 $0x800, s18;
	[tilespmem:s18+$0x20] =	vst v6  }
0x3b: {  	v61 =	vld.idx.msk [tilespmem:v0+s17+$0x0 ss:$0x1], $0xffff;
	[tilespmem:s31+$0x30] =	vst v56  }
0x3c: {  	v62 =	vld.idx.msk [tilespmem:v0+s17+$0x10 ss:$0x1], $0xffff;
	s16 =	sadd.s32 $0x1, s16;
	[tilespmem:s31+$0xFFFFFFC0] =	vst v57  }
0x3d: {  	v63 =	vld.idx.msk [tilespmem:v0+s17+$0x20 ss:$0x1], $0xffff;
	p1 =	sne.s32 s16, $0x10;
	[tilespmem:s31+$0xFFFFFFD0] =	vst v58  }
.Ltmp4:
0x3e: {  	[tilespmem:s31+$0xFFFFFFE0] =	vst v59;
	(pc) =	sbr.rel @p1 .LBB1_3-.Ltmp4, $4  }
0x3f: {  	[tilespmem:s31+$0xFFFFFFF0] =	vst v60  }
0x40: {  	[tilespmem:s31+$0x0] =	vst v61  }
0x41: {  	[tilespmem:s31+$0x10] =	vst v62  }
0x42: {  	s13 =	sadd.s32 $0x80, s13;
	s15 =	sadd.s32 $0x400, s15;
	[tilespmem:s31+$0x20] =	vst v63  }
.Ltmp5:
0x43: {  	(pc) =	sbr.rel .LBB1_7-.Ltmp5, $4  }
0x44: {  	s12 =	sshll.u32 s12, $0xE;
	s11 =	sshll.u32 s11, $0x4  }
0x45: {  	s11 =	sand.u32 $0x7F0, s11;
	s12 =	sadd.s32 s2, s12  }
0x46: {  	s11 =	sadd.s32 s11, s12  }
0x47: {  	[hbm4b:s11+s6] =	stream.strided.scatter [tilespmem:s14], [sflag:$0x2], $0x4000, s7, s6, $0x38;
	[tilespmem:$0x10000] =	vst v63  }
.LBB1_8:
0x48: {  	_ =	sfence.sel $0x180000  }
0x49: {  	s2 =	simm.s32 $0x1;
	[bflag:$0x0] =	sbarrier.arrive $0xFFFF  }
0x4a: {  	s31 =	simm.s32 $0x2;
	[sflag:s2] =	ssyncpa.u1 $0x1  }
0x4b: {  	[sflag:s31] =	ssyncpa.u1 $0x1  }
0x4c: {  	p0 =	sne.s32 s1, $0x0;
	_ =	strace $0x9000004A  }
0x4d: {  	s0 =	sadd.s32 @!p0 $0x100000, s0;
	[bflag:$0x2] =	sbarrier.arrive $0xFFFF  }
0x4e: {  	[sflag:s0] =	ssyncadd.tile.s32 @!p0 $0x1;
	_ =	shalt  }
.Lfunc_end1:
_tile_overlayer_lowered:
.L_overlay_start_2:
0x4f: {  	(tag) =	ssettag $0x2  }
0x50: {  	s0 =	rddreg [dreg:$0x0];
	s2 =	stileid.u32  }
0x51: {  	s1 =	rddreg [dreg:$0x1];
	p0 =	sne.s32 s2, $0x0  }
0x52: {  	s3 =	rddreg [dreg:$0x2];
	[bflag:$0x3] =	sbarrier.arrive $0xFFFF;
	s2 =	simm.s32 @!p0 $0x1C01  }
0x53: {  	[timem:s3], [sflag:s2] =	dma.local @!p0 [hbm:s0], s1  }
0x54: {  	s0 =	simm.s32 @!p0 $0x1  }
0x55: {  	_ =	swait.ge @!p0 [sflag:s0], s1  }
0x56: {  	s1 =	ssub.s32 @!p0 $0x0, s1;
	[sflag:s0] =	ssyncset.done @!p0 $0x0  }
0x57: {  	[sflag:s0] =	ssyncadd.s32 @!p0 s1  }
0x58: {  	[bflag:$0x3] =	sbarrier.arrive $0xFFFF  }
0x59: {  	_ =	shalt  }

</sc_bundles>
